<compile_context>
chip_gen: v7x
topology: tpu7x:2x2x1
jax: 0.10.2.dev20260603
libtpu: 0.0.44.dev20260713+nightly
codegen_flags: <defaults>
</compile_context>

<pallas_src>
import functools

import jax
import jax.numpy as jnp
from jax import lax
from jax.experimental import pallas as pl
from jax.experimental.pallas import tpu as pltpu
from jax.experimental.pallas import tpu_sc as plsc

NC = 2
NS = 16
NW = NC * NS
K = 128
DDEG = 8
CH0_FRAC = 0.8


def _sc_mesh():
    return plsc.VectorSubcoreMesh(core_axis_name="c", subcore_axis_name="s")


_SC_PARAMS = pltpu.CompilerParams(use_tc_tiling_on_sc=False)


@functools.lru_cache(maxsize=None)
def _make_deg_kernel(ch0: int, cht: int, npad: int):
    rpt = npad // NS
    chb = max(ch0, cht - ch0)

    @functools.partial(
        pl.kernel,
        out_type=jax.ShapeDtypeStruct((NC, npad, DDEG), jnp.float32),
        mesh=_sc_mesh(),
        compiler_params=_SC_PARAMS,
        scratch_types=[
            pltpu.VMEM((chb, K), jnp.int32),
            pltpu.VMEM((K, DDEG), jnp.float32),
            pltpu.VMEM((rpt, DDEG), jnp.float32),
            pltpu.VMEM_SHARED((npad, DDEG), jnp.float32),
        ],
    )
    def deg_kernel(dst_hbm, ones_hbm, zeros_hbm, out_hbm,
                   dst_v, ones_v, stage_v, acc):
        c = lax.axis_index("c")
        s = lax.axis_index("s")

        @pl.when(c == 0)
        def _():
            pltpu.sync_copy(dst_hbm.at[s, pl.ds(0, ch0)],
                            dst_v.at[pl.ds(0, ch0)])

        @pl.when(c == 1)
        def _():
            pltpu.sync_copy(dst_hbm.at[s, pl.ds(ch0, cht - ch0)],
                            dst_v.at[pl.ds(0, cht - ch0)])

        pltpu.sync_copy(zeros_hbm, stage_v)
        pltpu.sync_copy(stage_v, acc.at[pl.ds(s * rpt, rpt)])
        pltpu.sync_copy(ones_hbm, ones_v)
        plsc.subcore_barrier()

        for core, cnt in ((0, ch0), (1, cht - ch0)):
            @pl.when(c == core)
            def _(cnt=cnt):
                @pl.loop(0, cnt)
                def _(j):
                    pltpu.sync_copy(ones_v, acc.at[dst_v.at[j]], add=True)

        plsc.subcore_barrier()
        pltpu.sync_copy(acc.at[pl.ds(s * rpt, rpt)], stage_v)
        pltpu.sync_copy(stage_v, out_hbm.at[c, pl.ds(s * rpt, rpt)])

    return deg_kernel


@functools.lru_cache(maxsize=None)
def _make_agg_kernel(ch0: int, cht: int, n: int, d: int, npad: int):
    rpt = npad // NS
    hpt = rpt // 2
    chb = max(ch0, cht - ch0)
    R = 4

    @functools.partial(
        pl.kernel,
        out_type=jax.ShapeDtypeStruct((NC, npad, d), jnp.float32),
        mesh=_sc_mesh(),
        compiler_params=_SC_PARAMS,
        scratch_types=[
            pltpu.VMEM((chb, K), jnp.int32),
            pltpu.VMEM((chb, K), jnp.int32),
            pltpu.VMEM((R, K, d), jnp.float32),
            pltpu.VMEM((hpt, d), jnp.float32),
            pltpu.VMEM_SHARED((npad, d), jnp.float32),
            pltpu.SemaphoreType.DMA,
        ],
    )
    def agg_kernel(rows_hbm, src_hbm, dst_hbm, zeros_hbm, out_hbm,
                   src_v, dst_v, rows_v, stage_v, acc, gsem):
        c = lax.axis_index("c")
        s = lax.axis_index("s")

        @pl.when(c == 0)
        def _():
            pltpu.sync_copy(src_hbm.at[s, pl.ds(0, ch0)],
                            src_v.at[pl.ds(0, ch0)])
            pltpu.sync_copy(dst_hbm.at[s, pl.ds(0, ch0)],
                            dst_v.at[pl.ds(0, ch0)])

        @pl.when(c == 1)
        def _():
            pltpu.sync_copy(src_hbm.at[s, pl.ds(ch0, cht - ch0)],
                            src_v.at[pl.ds(0, cht - ch0)])
            pltpu.sync_copy(dst_hbm.at[s, pl.ds(ch0, cht - ch0)],
                            dst_v.at[pl.ds(0, cht - ch0)])

        for b in range(R - 1):
            pltpu.async_copy(rows_hbm.at[src_v.at[b]], rows_v.at[b], gsem)
        pltpu.sync_copy(zeros_hbm, stage_v)
        for h in range(2):
            pltpu.sync_copy(stage_v,
                            acc.at[pl.ds(s * rpt + h * hpt, hpt)])
        plsc.subcore_barrier()

        for core, cnt in ((0, ch0), (1, cht - ch0)):
            @pl.when(c == core)
            def _(cnt=cnt):
                @pl.loop(0, cnt, step=R)
                def _(j0):
                    for b in range(R):
                        j = j0 + b
                        pltpu.make_async_copy(
                            rows_hbm.at[src_v.at[j]], rows_v.at[b],
                            gsem).wait()

                        @pl.when(j + R - 1 < cnt)
                        def _issue():
                            pltpu.async_copy(
                                rows_hbm.at[src_v.at[j + R - 1]],
                                rows_v.at[(b + R - 1) % R], gsem)

                        pltpu.sync_copy(rows_v.at[b], acc.at[dst_v.at[j]],
                                        add=True)

        plsc.subcore_barrier()
        for h in range(2):
            pltpu.sync_copy(acc.at[pl.ds(s * rpt + h * hpt, hpt)], stage_v)
            pltpu.sync_copy(stage_v,
                            out_hbm.at[c, pl.ds(s * rpt + h * hpt, hpt)])

    return agg_kernel


def _dense1_body(n, x_ref, w_ref, b_ref, ms_ref, w1_ref, degp_ref,
                 xs_ref, dinv_ref):
    x = x_ref[...]
    mean = jnp.mean(x, axis=0, keepdims=True)
    cen = x - mean * ms_ref[...]
    var = jnp.mean(cen * cen, axis=0, keepdims=True)
    h0 = w_ref[...] * cen / jnp.sqrt(var + 1e-5) + b_ref[...]
    xw = jnp.dot(h0, w1_ref[...], preferred_element_type=jnp.float32)
    deg = degp_ref[0, :n, 0:1] + degp_ref[1, :n, 0:1] + 1.0
    dinv = lax.rsqrt(deg)
    dinv_ref[...] = dinv
    xs_ref[...] = dinv * xw


def _dense2_body(n, accp_ref, xs_ref, dinv_ref, b1_ref, ys_ref):
    dinv = dinv_ref[...]
    t = dinv * (accp_ref[0, :n] + accp_ref[1, :n] + xs_ref[...]) + b1_ref[...]
    h = jnp.where(t >= 0, t, 0.1 * t)
    ys_ref[...] = dinv * h


def _dense3_body(n, accp_ref, ys_ref, dinv_ref, wmu_ref, bmu_ref,
                 wls_ref, bls_ref, mu_ref, ls_ref):
    base = dinv_ref[...] * (accp_ref[0, :n] + accp_ref[1, :n] + ys_ref[...])
    mu_ref[...] = jnp.dot(base, wmu_ref[...],
                          preferred_element_type=jnp.float32) + bmu_ref[...]
    ls_ref[...] = jnp.dot(base, wls_ref[...],
                          preferred_element_type=jnp.float32) + bls_ref[...]


def kernel(x, edge_index, gn_weight, gn_bias, gn_mean_scale,
           W1, b1, Wmu, bmu, Wls, bls):
    n, din = x.shape
    dh = W1.shape[1]
    dout = Wmu.shape[1]
    e = edge_index.shape[1]

    cht = -(-e // (NS * K))
    cht = -(-cht // 8) * 8
    ch0 = max(4, int(round(cht * CH0_FRAC / 4.0)) * 4)
    e_pad = NS * cht * K
    npad = -(-(n + 1) // (NS * 8)) * (NS * 8)

    src = jnp.pad(edge_index[0], (0, e_pad - e))
    dst = jnp.pad(edge_index[1], (0, e_pad - e), constant_values=n)
    src3 = src.reshape(NS, cht, K)
    dst3 = dst.reshape(NS, cht, K)

    ones_k = jnp.ones((K, DDEG), jnp.float32)
    zer1 = jnp.zeros((npad // NS, DDEG), jnp.float32)
    zer2 = jnp.zeros((npad // NS // 2, dh), jnp.float32)

    degp = _make_deg_kernel(ch0, cht, npad)(dst3, ones_k, zer1)

    xs, dinv = pl.pallas_call(
        functools.partial(_dense1_body, n),
        out_shape=[
            jax.ShapeDtypeStruct((n, dh), jnp.float32),
            jax.ShapeDtypeStruct((n, 1), jnp.float32),
        ],
    )(x, gn_weight.reshape(1, din), gn_bias.reshape(1, din),
      gn_mean_scale.reshape(1, din), W1, degp)

    agg = _make_agg_kernel(ch0, cht, n, dh, npad)

    acc1 = agg(xs, src3, dst3, zer2)

    ys = pl.pallas_call(
        functools.partial(_dense2_body, n),
        out_shape=jax.ShapeDtypeStruct((n, dh), jnp.float32),
    )(acc1, xs, dinv, b1.reshape(1, dh))

    acc2 = agg(ys, src3, dst3, zer2)

    mu, logstd = pl.pallas_call(
        functools.partial(_dense3_body, n),
        out_shape=[
            jax.ShapeDtypeStruct((n, dout), jnp.float32),
            jax.ShapeDtypeStruct((n, dout), jnp.float32),
        ],
    )(acc2, ys, dinv, Wmu, bmu.reshape(1, dout), Wls, bls.reshape(1, dout))

    return (mu, mu, logstd)

# --- scband reference (transcript-rebuilt; emitter-appended) ---
"""Pipeline reference for scband-variational-gcnencoder-72438918414913 (READ-ONLY COPY).

The authoritative reference and input builder live on the scoring server;
editing this copy changes nothing except your own understanding.
"""

import jax, jax.numpy as jnp
import numpy as np

N = 10000
E = 320000
DIN = 128
DOUT = 32


def setup_inputs(seed: int = 0) -> dict:
    key = jax.random.key(seed)
    ks = jax.random.split(key, 8)
    x = jax.random.normal(ks[0], (N, DIN), dtype=jnp.float32)
    edge_index = jax.random.randint(ks[1], (2, E), 0, N, dtype=jnp.int32)
    # GraphNorm params (in_channels)
    gn_weight = jnp.ones((DIN,), dtype=jnp.float32)
    gn_bias = jnp.zeros((DIN,), dtype=jnp.float32)
    gn_mean_scale = jnp.ones((DIN,), dtype=jnp.float32)
    # GCNConv params: conv1 (DIN -> 2*DOUT), conv_mu / conv_logstd (2*DOUT -> DOUT)
    W1 = jax.random.normal(ks[2], (DIN, 2 * DOUT), dtype=jnp.float32) * 0.05
    b1 = jnp.zeros((2 * DOUT,), dtype=jnp.float32)
    Wmu = jax.random.normal(ks[3], (2 * DOUT, DOUT), dtype=jnp.float32) * 0.05
    bmu = jnp.zeros((DOUT,), dtype=jnp.float32)
    Wls = jax.random.normal(ks[4], (2 * DOUT, DOUT), dtype=jnp.float32) * 0.05
    bls = jnp.zeros((DOUT,), dtype=jnp.float32)
    return {"x": x, "edge_index": edge_index, "gn_weight": gn_weight, "gn_bias": gn_bias,
            "gn_mean_scale": gn_mean_scale, "W1": W1, "b1": b1, "Wmu": Wmu, "bmu": bmu,
            "Wls": Wls, "bls": bls}


def _graph_norm(x, w, b, ms):
    # PyG GraphNorm, single graph (eval path: no batch vector)
    mean = jnp.mean(x, axis=0, keepdims=True)
    out = x - mean * ms
    var = jnp.mean(out * out, axis=0, keepdims=True)
    return w * out / jnp.sqrt(var + 1e-5) + b


def _gcn_conv(x, src, dst, W, b, n):
    # PyG GCNConv: symmetric normalization, self-loops already appended to src/dst
    xw = x @ W
    deg = jnp.zeros((n,), dtype=xw.dtype).at[dst].add(1.0)
    dinv = jax.lax.rsqrt(jnp.maximum(deg, 1e-12))
    norm = dinv[src] * dinv[dst]
    msg = jnp.take(xw, src, axis=0) * norm[:, None]
    out = jnp.zeros((n, xw.shape[1]), dtype=xw.dtype).at[dst].add(msg)
    return out + b


def _leaky_relu(x):
    return jnp.where(x >= 0, x, 0.1 * x)


def reference(x, edge_index, gn_weight, gn_bias, gn_mean_scale, W1, b1, Wmu, bmu, Wls, bls):
    n = x.shape[0]
    sl = jnp.arange(n, dtype=edge_index.dtype)
    src = jnp.concatenate([edge_index[0], sl])
    dst = jnp.concatenate([edge_index[1], sl])
    h = _graph_norm(x, gn_weight, gn_bias, gn_mean_scale)
    h = _leaky_relu(_gcn_conv(h, src, dst, W1, b1, n))
    mu = _gcn_conv(h, src, dst, Wmu, bmu, n)
    logstd = _gcn_conv(h, src, dst, Wls, bls, n)
    # eval-mode reparametrize: z = mu
    return (mu, mu, logstd)

if __name__ == "__main__":
    import jax
    _d = setup_inputs()
    print(jax.jit(kernel)(*tuple(_d.values())))

</pallas_src>

<mosaic_0001>
#map = affine_map<(d0, d1) -> (0, 0, 0)>
#map1 = affine_map<(d0, d1) -> (0, 0)>
module attributes {stable_mosaic.version = 14 : i64} {
  func.func @deg_kernel(%arg0: i32, %arg1: i32, %arg2: memref<16x160x128xi32, #tpu.memory_space<hbm>>, %arg3: memref<128x8xf32, #tpu.memory_space<hbm>>, %arg4: memref<632x8xf32, #tpu.memory_space<hbm>>, %arg5: memref<2x10112x8xf32, #tpu.memory_space<hbm>>, %arg6: memref<128x128xi32, #tpu.memory_space<vmem>>, %arg7: memref<128x8xf32, #tpu.memory_space<vmem>>, %arg8: memref<632x8xf32, #tpu.memory_space<vmem>>, %arg9: memref<10112x8xf32, #tpu.memory_space<vmem_shared>>) attributes {dimension_semantics = [#tpu.dimension_semantics<core_parallel>, #tpu.dimension_semantics<subcore_parallel>], iteration_bounds = array<i64: 2, 16>, scalar_prefetch = 0 : i64, scratch_operands = 4 : i64, tpu.core_type = #tpu.core_type<sc_vector_subcore>, window_params = [{transform_indices = #map}, {transform_indices = #map1}, {transform_indices = #map1}, {transform_indices = #map}]} {
    %eq3A = arith.constant 0 : i32
    %eq3A_0 = arith.cmpi eq, %arg0, %eq3A : i32
    %convert_element_type3A = arith.extui %eq3A_0 : i1 to i32
    %cond3A = arith.constant 0 : i32
    %cond3A_1 = arith.cmpi ne, %convert_element_type3A, %cond3A : i32
    scf.if %cond3A_1 {
      "tpu.region"() ({
        %run_scoped3A = tpu.sem_alloc : memref<!tpu.dma_semaphore, #tpu.memory_space<semaphore_mem>>
        %dma_start3A = arith.constant 0 : i32
        %dma_start3A_23 = arith.constant 0 : i32
        %dma_start3A_24 = tpu.memref_slice %arg6[%dma_start3A, %dma_start3A_23] : memref<128x128xi32, #tpu.memory_space<vmem>> -> memref<128x128xi32, #tpu.memory_space<vmem>>
        %dma_start3A_25 = arith.constant 0 : i32
        %dma_start3A_26 = arith.constant 0 : i32
        %dma_start3A_27 = tpu.memref_slice %arg2[%arg1, %dma_start3A_25, %dma_start3A_26] : memref<16x160x128xi32, #tpu.memory_space<hbm>> -> memref<1x128x128xi32, #tpu.memory_space<hbm>>
        %dma_start3A_28 = tpu.memref_squeeze %dma_start3A_27 : memref<1x128x128xi32, #tpu.memory_space<hbm>> -> memref<128x128xi32, #tpu.memory_space<hbm>>
        %dma_start3A_29 = arith.constant 0 : i32
        %dma_start3A_30 = arith.constant 0 : i32
        %dma_start3A_31 = tpu.memref_slice %arg6[%dma_start3A_29, %dma_start3A_30] : memref<128x128xi32, #tpu.memory_space<vmem>> -> memref<128x128xi32, #tpu.memory_space<vmem>>
        %dma_start3A_32 = arith.constant 0 : i32
        %dma_start3A_33 = arith.constant 0 : i32
        %dma_start3A_34 = tpu.memref_slice %arg2[%arg1, %dma_start3A_32, %dma_start3A_33] : memref<16x160x128xi32, #tpu.memory_space<hbm>> -> memref<1x128x128xi32, #tpu.memory_space<hbm>>
        %dma_start3A_35 = tpu.memref_squeeze %dma_start3A_34 : memref<1x128x128xi32, #tpu.memory_space<hbm>> -> memref<128x128xi32, #tpu.memory_space<hbm>>
        tpu.enqueue_dma source(%dma_start3A_35 : memref<128x128xi32, #tpu.memory_space<hbm>>) target(%dma_start3A_31 : memref<128x128xi32, #tpu.memory_space<vmem>>) target_semaphore(%run_scoped3A : memref<!tpu.dma_semaphore, #tpu.memory_space<semaphore_mem>>)
        %dma_wait3A = arith.constant 0 : i32
        %dma_wait3A_36 = arith.constant 0 : i32
        %dma_wait3A_37 = tpu.memref_slice %arg6[%dma_wait3A, %dma_wait3A_36] : memref<128x128xi32, #tpu.memory_space<vmem>> -> memref<128x128xi32, #tpu.memory_space<vmem>>
        %dma_wait3A_38 = arith.constant 0 : i32
        %dma_wait3A_39 = arith.constant 0 : i32
        %dma_wait3A_40 = tpu.memref_slice %arg2[%arg1, %dma_wait3A_38, %dma_wait3A_39] : memref<16x160x128xi32, #tpu.memory_space<hbm>> -> memref<1x128x128xi32, #tpu.memory_space<hbm>>
        %dma_wait3A_41 = tpu.memref_squeeze %dma_wait3A_40 : memref<1x128x128xi32, #tpu.memory_space<hbm>> -> memref<128x128xi32, #tpu.memory_space<hbm>>
        %dma_wait3A_42 = arith.constant 0 : i32
        %dma_wait3A_43 = arith.constant 0 : i32
        %dma_wait3A_44 = tpu.memref_slice %arg6[%dma_wait3A_42, %dma_wait3A_43] : memref<128x128xi32, #tpu.memory_space<vmem>> -> memref<128x128xi32, #tpu.memory_space<vmem>>
        %dma_wait3A_45 = arith.constant 0 : i32
        %dma_wait3A_46 = arith.constant 0 : i32
        %dma_wait3A_47 = tpu.memref_slice %arg2[%arg1, %dma_wait3A_45, %dma_wait3A_46] : memref<16x160x128xi32, #tpu.memory_space<hbm>> -> memref<1x128x128xi32, #tpu.memory_space<hbm>>
        %dma_wait3A_48 = tpu.memref_squeeze %dma_wait3A_47 : memref<1x128x128xi32, #tpu.memory_space<hbm>> -> memref<128x128xi32, #tpu.memory_space<hbm>>
        tpu.wait_dma2 semaphore(%run_scoped3A : memref<!tpu.dma_semaphore, #tpu.memory_space<semaphore_mem>>) src(%dma_wait3A_48 : memref<128x128xi32, #tpu.memory_space<hbm>>) dst(%dma_wait3A_44 : memref<128x128xi32, #tpu.memory_space<vmem>>)
        tpu.yield
      }) : () -> ()
    } else {
    }
    %eq3A_2 = arith.constant 1 : i32
    %eq3A_3 = arith.cmpi eq, %arg0, %eq3A_2 : i32
    %convert_element_type3A_4 = arith.extui %eq3A_3 : i1 to i32
    %cond3A_5 = arith.constant 0 : i32
    %cond3A_6 = arith.cmpi ne, %convert_element_type3A_4, %cond3A_5 : i32
    scf.if %cond3A_6 {
      "tpu.region"() ({
        %run_scoped3A = tpu.sem_alloc : memref<!tpu.dma_semaphore, #tpu.memory_space<semaphore_mem>>
        %dma_start3A = arith.constant 0 : i32
        %dma_start3A_23 = arith.constant 0 : i32
        %dma_start3A_24 = tpu.memref_slice %arg6[%dma_start3A, %dma_start3A_23] : memref<128x128xi32, #tpu.memory_space<vmem>> -> memref<32x128xi32, #tpu.memory_space<vmem>>
        %dma_start3A_25 = arith.constant 128 : i32
        %dma_start3A_26 = arith.constant 0 : i32
        %dma_start3A_27 = tpu.memref_slice %arg2[%arg1, %dma_start3A_25, %dma_start3A_26] : memref<16x160x128xi32, #tpu.memory_space<hbm>> -> memref<1x32x128xi32, #tpu.memory_space<hbm>>
        %dma_start3A_28 = tpu.memref_squeeze %dma_start3A_27 : memref<1x32x128xi32, #tpu.memory_space<hbm>> -> memref<32x128xi32, #tpu.memory_space<hbm>>
        %dma_start3A_29 = arith.constant 0 : i32
        %dma_start3A_30 = arith.constant 0 : i32
        %dma_start3A_31 = tpu.memref_slice %arg6[%dma_start3A_29, %dma_start3A_30] : memref<128x128xi32, #tpu.memory_space<vmem>> -> memref<32x128xi32, #tpu.memory_space<vmem>>
        %dma_start3A_32 = arith.constant 128 : i32
        %dma_start3A_33 = arith.constant 0 : i32
        %dma_start3A_34 = tpu.memref_slice %arg2[%arg1, %dma_start3A_32, %dma_start3A_33] : memref<16x160x128xi32, #tpu.memory_space<hbm>> -> memref<1x32x128xi32, #tpu.memory_space<hbm>>
        %dma_start3A_35 = tpu.memref_squeeze %dma_start3A_34 : memref<1x32x128xi32, #tpu.memory_space<hbm>> -> memref<32x128xi32, #tpu.memory_space<hbm>>
        tpu.enqueue_dma source(%dma_start3A_35 : memref<32x128xi32, #tpu.memory_space<hbm>>) target(%dma_start3A_31 : memref<32x128xi32, #tpu.memory_space<vmem>>) target_semaphore(%run_scoped3A : memref<!tpu.dma_semaphore, #tpu.memory_space<semaphore_mem>>)
        %dma_wait3A = arith.constant 0 : i32
        %dma_wait3A_36 = arith.constant 0 : i32
        %dma_wait3A_37 = tpu.memref_slice %arg6[%dma_wait3A, %dma_wait3A_36] : memref<128x128xi32, #tpu.memory_space<vmem>> -> memref<32x128xi32, #tpu.memory_space<vmem>>
        %dma_wait3A_38 = arith.constant 128 : i32
        %dma_wait3A_39 = arith.constant 0 : i32
        %dma_wait3A_40 = tpu.memref_slice %arg2[%arg1, %dma_wait3A_38, %dma_wait3A_39] : memref<16x160x128xi32, #tpu.memory_space<hbm>> -> memref<1x32x128xi32, #tpu.memory_space<hbm>>
        %dma_wait3A_41 = tpu.memref_squeeze %dma_wait3A_40 : memref<1x32x128xi32, #tpu.memory_space<hbm>> -> memref<32x128xi32, #tpu.memory_space<hbm>>
        %dma_wait3A_42 = arith.constant 0 : i32
        %dma_wait3A_43 = arith.constant 0 : i32
        %dma_wait3A_44 = tpu.memref_slice %arg6[%dma_wait3A_42, %dma_wait3A_43] : memref<128x128xi32, #tpu.memory_space<vmem>> -> memref<32x128xi32, #tpu.memory_space<vmem>>
        %dma_wait3A_45 = arith.constant 128 : i32
        %dma_wait3A_46 = arith.constant 0 : i32
        %dma_wait3A_47 = tpu.memref_slice %arg2[%arg1, %dma_wait3A_45, %dma_wait3A_46] : memref<16x160x128xi32, #tpu.memory_space<hbm>> -> memref<1x32x128xi32, #tpu.memory_space<hbm>>
        %dma_wait3A_48 = tpu.memref_squeeze %dma_wait3A_47 : memref<1x32x128xi32, #tpu.memory_space<hbm>> -> memref<32x128xi32, #tpu.memory_space<hbm>>
        tpu.wait_dma2 semaphore(%run_scoped3A : memref<!tpu.dma_semaphore, #tpu.memory_space<semaphore_mem>>) src(%dma_wait3A_48 : memref<32x128xi32, #tpu.memory_space<hbm>>) dst(%dma_wait3A_44 : memref<32x128xi32, #tpu.memory_space<vmem>>)
        tpu.yield
      }) : () -> ()
    } else {
    }
    "tpu.region"() ({
      %run_scoped3A = tpu.sem_alloc : memref<!tpu.dma_semaphore, #tpu.memory_space<semaphore_mem>>
      tpu.enqueue_dma source(%arg4 : memref<632x8xf32, #tpu.memory_space<hbm>>) target(%arg8 : memref<632x8xf32, #tpu.memory_space<vmem>>) target_semaphore(%run_scoped3A : memref<!tpu.dma_semaphore, #tpu.memory_space<semaphore_mem>>)
      tpu.wait_dma2 semaphore(%run_scoped3A : memref<!tpu.dma_semaphore, #tpu.memory_space<semaphore_mem>>) src(%arg4 : memref<632x8xf32, #tpu.memory_space<hbm>>) dst(%arg8 : memref<632x8xf32, #tpu.memory_space<vmem>>)
      tpu.yield
    }) : () -> ()
    %mul3A = arith.constant 632 : i32
    %mul3A_7 = arith.muli %arg1, %mul3A : i32
    "tpu.region"() ({
      %run_scoped3A = tpu.sem_alloc : memref<!tpu.dma_semaphore, #tpu.memory_space<semaphore_mem>>
      %dma_start3A = arith.constant 0 : i32
      %dma_start3A_23 = tpu.memref_slice %arg9[%mul3A_7, %dma_start3A] : memref<10112x8xf32, #tpu.memory_space<vmem_shared>> -> memref<632x8xf32, #tpu.memory_space<vmem_shared>>
      %dma_start3A_24 = arith.constant 0 : i32
      %dma_start3A_25 = tpu.memref_slice %arg9[%mul3A_7, %dma_start3A_24] : memref<10112x8xf32, #tpu.memory_space<vmem_shared>> -> memref<632x8xf32, #tpu.memory_space<vmem_shared>>
      tpu.enqueue_dma source(%arg8 : memref<632x8xf32, #tpu.memory_space<vmem>>) target(%dma_start3A_25 : memref<632x8xf32, #tpu.memory_space<vmem_shared>>) target_semaphore(%run_scoped3A : memref<!tpu.dma_semaphore, #tpu.memory_space<semaphore_mem>>)
      %dma_wait3A = arith.constant 0 : i32
      %dma_wait3A_26 = tpu.memref_slice %arg9[%mul3A_7, %dma_wait3A] : memref<10112x8xf32, #tpu.memory_space<vmem_shared>> -> memref<632x8xf32, #tpu.memory_space<vmem_shared>>
      %dma_wait3A_27 = arith.constant 0 : i32
      %dma_wait3A_28 = tpu.memref_slice %arg9[%mul3A_7, %dma_wait3A_27] : memref<10112x8xf32, #tpu.memory_space<vmem_shared>> -> memref<632x8xf32, #tpu.memory_space<vmem_shared>>
      tpu.wait_dma2 semaphore(%run_scoped3A : memref<!tpu.dma_semaphore, #tpu.memory_space<semaphore_mem>>) src(%arg8 : memref<632x8xf32, #tpu.memory_space<vmem>>) dst(%dma_wait3A_28 : memref<632x8xf32, #tpu.memory_space<vmem_shared>>)
      tpu.yield
    }) : () -> ()
    "tpu.region"() ({
      %run_scoped3A = tpu.sem_alloc : memref<!tpu.dma_semaphore, #tpu.memory_space<semaphore_mem>>
      tpu.enqueue_dma source(%arg3 : memref<128x8xf32, #tpu.memory_space<hbm>>) target(%arg7 : memref<128x8xf32, #tpu.memory_space<vmem>>) target_semaphore(%run_scoped3A : memref<!tpu.dma_semaphore, #tpu.memory_space<semaphore_mem>>)
      tpu.wait_dma2 semaphore(%run_scoped3A : memref<!tpu.dma_semaphore, #tpu.memory_space<semaphore_mem>>) src(%arg3 : memref<128x8xf32, #tpu.memory_space<hbm>>) dst(%arg7 : memref<128x8xf32, #tpu.memory_space<vmem>>)
      tpu.yield
    }) : () -> ()
    %barrier3A = arith.constant 0 : index
    tpu.barrier barrier_id(%barrier3A)
    %eq3A_8 = arith.constant 0 : i32
    %eq3A_9 = arith.cmpi eq, %arg0, %eq3A_8 : i32
    %convert_element_type3A_10 = arith.extui %eq3A_9 : i1 to i32
    %cond3A_11 = arith.constant 0 : i32
    %cond3A_12 = arith.cmpi ne, %convert_element_type3A_10, %cond3A_11 : i32
    scf.if %cond3A_12 {
      %scan3A = arith.constant 0 : i32
      %scan3A_23 = arith.constant 128 : i32
      %scan3A_24 = arith.addi %scan3A, %scan3A_23 : i32
      %scan3A_25 = arith.constant 1 : i32
      scf.for %scan3A_27 = %scan3A to %scan3A_24 step %scan3A_25  : i32 {
        %mul3A_28 = arith.constant 1 : i32
        %mul3A_29 = arith.muli %scan3A_27, %mul3A_28 : i32
        %add3A = arith.constant 0 : i32
        %add3A_30 = arith.addi %add3A, %mul3A_29 : i32
        "tpu.region"() ({
          %run_scoped3A = tpu.sem_alloc : memref<!tpu.dma_semaphore, #tpu.memory_space<semaphore_mem>>
          %dma_start3A = arith.constant 0 : i32
          %dma_start3A_31 = tpu.memref_slice %arg6[%add3A_30, %dma_start3A] : memref<128x128xi32, #tpu.memory_space<vmem>> -> memref<1x128xi32, #tpu.memory_space<vmem>>
          %dma_start3A_32 = tpu.memref_squeeze %dma_start3A_31 : memref<1x128xi32, #tpu.memory_space<vmem>> -> memref<128xi32, #tpu.memory_space<vmem>>
          %dma_start3A_33 = arith.constant 0 : i32
          %dma_start3A_34 = arith.constant 0 : i32
          %dma_start3A_35 = tpu.memref_slice %arg9[%dma_start3A_33, %dma_start3A_34] : memref<10112x8xf32, #tpu.memory_space<vmem_shared>> -> memref<10112x8xf32, #tpu.memory_space<vmem_shared>>
          tpu.enqueue_indirect_dma source(%arg7 : memref<128x8xf32, #tpu.memory_space<vmem>>) target(%dma_start3A_35 : memref<10112x8xf32, #tpu.memory_space<vmem_shared>>) offsets(%dma_start3A_32 : memref<128xi32, #tpu.memory_space<vmem>>) semaphore(%run_scoped3A : memref<!tpu.dma_semaphore, #tpu.memory_space<semaphore_mem>>) {add = true}
          %dma_wait3A = arith.constant 0 : i32
          %dma_wait3A_36 = tpu.memref_slice %arg6[%add3A_30, %dma_wait3A] : memref<128x128xi32, #tpu.memory_space<vmem>> -> memref<1x128xi32, #tpu.memory_space<vmem>>
          %dma_wait3A_37 = tpu.memref_squeeze %dma_wait3A_36 : memref<1x128xi32, #tpu.memory_space<vmem>> -> memref<128xi32, #tpu.memory_space<vmem>>
          %dma_wait3A_38 = arith.constant 0 : i32
          %dma_wait3A_39 = arith.constant 0 : i32
          %dma_wait3A_40 = tpu.memref_slice %arg9[%dma_wait3A_38, %dma_wait3A_39] : memref<10112x8xf32, #tpu.memory_space<vmem_shared>> -> memref<10112x8xf32, #tpu.memory_space<vmem_shared>>
          tpu.wait_indirect_dma semaphore(%run_scoped3A : memref<!tpu.dma_semaphore, #tpu.memory_space<semaphore_mem>>) src(%arg7 : memref<128x8xf32, #tpu.memory_space<vmem>>) dst(%dma_wait3A_40 : memref<10112x8xf32, #tpu.memory_space<vmem_shared>>)
          tpu.yield
        }) : () -> ()
      }
      %scan3A_26 = arith.constant 128 : i32
    } else {
    }
    %eq3A_13 = arith.constant 1 : i32
    %eq3A_14 = arith.cmpi eq, %arg0, %eq3A_13 : i32
    %convert_element_type3A_15 = arith.extui %eq3A_14 : i1 to i32
    %cond3A_16 = arith.constant 0 : i32
    %cond3A_17 = arith.cmpi ne, %convert_element_type3A_15, %cond3A_16 : i32
    scf.if %cond3A_17 {
      %scan3A = arith.constant 0 : i32
      %scan3A_23 = arith.constant 32 : i32
      %scan3A_24 = arith.addi %scan3A, %scan3A_23 : i32
      %scan3A_25 = arith.constant 1 : i32
      scf.for %scan3A_27 = %scan3A to %scan3A_24 step %scan3A_25  : i32 {
        %mul3A_28 = arith.constant 1 : i32
        %mul3A_29 = arith.muli %scan3A_27, %mul3A_28 : i32
        %add3A = arith.constant 0 : i32
        %add3A_30 = arith.addi %add3A, %mul3A_29 : i32
        "tpu.region"() ({
          %run_scoped3A = tpu.sem_alloc : memref<!tpu.dma_semaphore, #tpu.memory_space<semaphore_mem>>
          %dma_start3A = arith.constant 0 : i32
          %dma_start3A_31 = tpu.memref_slice %arg6[%add3A_30, %dma_start3A] : memref<128x128xi32, #tpu.memory_space<vmem>> -> memref<1x128xi32, #tpu.memory_space<vmem>>
          %dma_start3A_32 = tpu.memref_squeeze %dma_start3A_31 : memref<1x128xi32, #tpu.memory_space<vmem>> -> memref<128xi32, #tpu.memory_space<vmem>>
          %dma_start3A_33 = arith.constant 0 : i32
          %dma_start3A_34 = arith.constant 0 : i32
          %dma_start3A_35 = tpu.memref_slice %arg9[%dma_start3A_33, %dma_start3A_34] : memref<10112x8xf32, #tpu.memory_space<vmem_shared>> -> memref<10112x8xf32, #tpu.memory_space<vmem_shared>>
          tpu.enqueue_indirect_dma source(%arg7 : memref<128x8xf32, #tpu.memory_space<vmem>>) target(%dma_start3A_35 : memref<10112x8xf32, #tpu.memory_space<vmem_shared>>) offsets(%dma_start3A_32 : memref<128xi32, #tpu.memory_space<vmem>>) semaphore(%run_scoped3A : memref<!tpu.dma_semaphore, #tpu.memory_space<semaphore_mem>>) {add = true}
          %dma_wait3A = arith.constant 0 : i32
          %dma_wait3A_36 = tpu.memref_slice %arg6[%add3A_30, %dma_wait3A] : memref<128x128xi32, #tpu.memory_space<vmem>> -> memref<1x128xi32, #tpu.memory_space<vmem>>
          %dma_wait3A_37 = tpu.memref_squeeze %dma_wait3A_36 : memref<1x128xi32, #tpu.memory_space<vmem>> -> memref<128xi32, #tpu.memory_space<vmem>>
          %dma_wait3A_38 = arith.constant 0 : i32
          %dma_wait3A_39 = arith.constant 0 : i32
          %dma_wait3A_40 = tpu.memref_slice %arg9[%dma_wait3A_38, %dma_wait3A_39] : memref<10112x8xf32, #tpu.memory_space<vmem_shared>> -> memref<10112x8xf32, #tpu.memory_space<vmem_shared>>
          tpu.wait_indirect_dma semaphore(%run_scoped3A : memref<!tpu.dma_semaphore, #tpu.memory_space<semaphore_mem>>) src(%arg7 : memref<128x8xf32, #tpu.memory_space<vmem>>) dst(%dma_wait3A_40 : memref<10112x8xf32, #tpu.memory_space<vmem_shared>>)
          tpu.yield
        }) : () -> ()
      }
      %scan3A_26 = arith.constant 32 : i32
    } else {
    }
    %barrier3A_18 = arith.constant 0 : index
    tpu.barrier barrier_id(%barrier3A_18)
    %mul3A_19 = arith.constant 632 : i32
    %mul3A_20 = arith.muli %arg1, %mul3A_19 : i32
    "tpu.region"() ({
      %run_scoped3A = tpu.sem_alloc : memref<!tpu.dma_semaphore, #tpu.memory_space<semaphore_mem>>
      %dma_start3A = arith.constant 0 : i32
      %dma_start3A_23 = tpu.memref_slice %arg9[%mul3A_20, %dma_start3A] : memref<10112x8xf32, #tpu.memory_space<vmem_shared>> -> memref<632x8xf32, #tpu.memory_space<vmem_shared>>
      %dma_start3A_24 = arith.constant 0 : i32
      %dma_start3A_25 = tpu.memref_slice %arg9[%mul3A_20, %dma_start3A_24] : memref<10112x8xf32, #tpu.memory_space<vmem_shared>> -> memref<632x8xf32, #tpu.memory_space<vmem_shared>>
      tpu.enqueue_dma source(%dma_start3A_25 : memref<632x8xf32, #tpu.memory_space<vmem_shared>>) target(%arg8 : memref<632x8xf32, #tpu.memory_space<vmem>>) target_semaphore(%run_scoped3A : memref<!tpu.dma_semaphore, #tpu.memory_space<semaphore_mem>>)
      %dma_wait3A = arith.constant 0 : i32
      %dma_wait3A_26 = tpu.memref_slice %arg9[%mul3A_20, %dma_wait3A] : memref<10112x8xf32, #tpu.memory_space<vmem_shared>> -> memref<632x8xf32, #tpu.memory_space<vmem_shared>>
      %dma_wait3A_27 = arith.constant 0 : i32
      %dma_wait3A_28 = tpu.memref_slice %arg9[%mul3A_20, %dma_wait3A_27] : memref<10112x8xf32, #tpu.memory_space<vmem_shared>> -> memref<632x8xf32, #tpu.memory_space<vmem_shared>>
      tpu.wait_dma2 semaphore(%run_scoped3A : memref<!tpu.dma_semaphore, #tpu.memory_space<semaphore_mem>>) src(%dma_wait3A_28 : memref<632x8xf32, #tpu.memory_space<vmem_shared>>) dst(%arg8 : memref<632x8xf32, #tpu.memory_space<vmem>>)
      tpu.yield
    }) : () -> ()
    %mul3A_21 = arith.constant 632 : i32
    %mul3A_22 = arith.muli %arg1, %mul3A_21 : i32
    "tpu.region"() ({
      %run_scoped3A = tpu.sem_alloc : memref<!tpu.dma_semaphore, #tpu.memory_space<semaphore_mem>>
      %dma_start3A = arith.constant 0 : i32
      %dma_start3A_23 = tpu.memref_slice %arg5[%arg0, %mul3A_22, %dma_start3A] : memref<2x10112x8xf32, #tpu.memory_space<hbm>> -> memref<1x632x8xf32, #tpu.memory_space<hbm>>
      %dma_start3A_24 = tpu.memref_squeeze %dma_start3A_23 : memref<1x632x8xf32, #tpu.memory_space<hbm>> -> memref<632x8xf32, #tpu.memory_space<hbm>>
      %dma_start3A_25 = arith.constant 0 : i32
      %dma_start3A_26 = tpu.memref_slice %arg5[%arg0, %mul3A_22, %dma_start3A_25] : memref<2x10112x8xf32, #tpu.memory_space<hbm>> -> memref<1x632x8xf32, #tpu.memory_space<hbm>>
      %dma_start3A_27 = tpu.memref_squeeze %dma_start3A_26 : memref<1x632x8xf32, #tpu.memory_space<hbm>> -> memref<632x8xf32, #tpu.memory_space<hbm>>
      tpu.enqueue_dma source(%arg8 : memref<632x8xf32, #tpu.memory_space<vmem>>) target(%dma_start3A_27 : memref<632x8xf32, #tpu.memory_space<hbm>>) target_semaphore(%run_scoped3A : memref<!tpu.dma_semaphore, #tpu.memory_space<semaphore_mem>>)
      %dma_wait3A = arith.constant 0 : i32
      %dma_wait3A_28 = tpu.memref_slice %arg5[%arg0, %mul3A_22, %dma_wait3A] : memref<2x10112x8xf32, #tpu.memory_space<hbm>> -> memref<1x632x8xf32, #tpu.memory_space<hbm>>
      %dma_wait3A_29 = tpu.memref_squeeze %dma_wait3A_28 : memref<1x632x8xf32, #tpu.memory_space<hbm>> -> memref<632x8xf32, #tpu.memory_space<hbm>>
      %dma_wait3A_30 = arith.constant 0 : i32
      %dma_wait3A_31 = tpu.memref_slice %arg5[%arg0, %mul3A_22, %dma_wait3A_30] : memref<2x10112x8xf32, #tpu.memory_space<hbm>> -> memref<1x632x8xf32, #tpu.memory_space<hbm>>
      %dma_wait3A_32 = tpu.memref_squeeze %dma_wait3A_31 : memref<1x632x8xf32, #tpu.memory_space<hbm>> -> memref<632x8xf32, #tpu.memory_space<hbm>>
      tpu.wait_dma2 semaphore(%run_scoped3A : memref<!tpu.dma_semaphore, #tpu.memory_space<semaphore_mem>>) src(%arg8 : memref<632x8xf32, #tpu.memory_space<vmem>>) dst(%dma_wait3A_32 : memref<632x8xf32, #tpu.memory_space<hbm>>)
      tpu.yield
    }) : () -> ()
    return
  }
}

#map = affine_map<(d0, d1) -> (0, 0)>
#map1 = affine_map<(d0, d1) -> (0, 0, 0)>
module attributes {stable_mosaic.version = 14 : i64} {
  func.func @agg_kernel(%arg0: i32, %arg1: i32, %arg2: memref<10000x64xf32, #tpu.memory_space<hbm>>, %arg3: memref<16x160x128xi32, #tpu.memory_space<hbm>>, %arg4: memref<16x160x128xi32, #tpu.memory_space<hbm>>, %arg5: memref<316x64xf32, #tpu.memory_space<hbm>>, %arg6: memref<2x10112x64xf32, #tpu.memory_space<hbm>>, %arg7: memref<128x128xi32, #tpu.memory_space<vmem>>, %arg8: memref<128x128xi32, #tpu.memory_space<vmem>>, %arg9: memref<4x128x64xf32, #tpu.memory_space<vmem>>, %arg10: memref<316x64xf32, #tpu.memory_space<vmem>>, %arg11: memref<10112x64xf32, #tpu.memory_space<vmem_shared>>, %arg12: memref<!tpu.dma_semaphore, #tpu.memory_space<semaphore_mem>>) attributes {dimension_semantics = [#tpu.dimension_semantics<core_parallel>, #tpu.dimension_semantics<subcore_parallel>], iteration_bounds = array<i64: 2, 16>, scalar_prefetch = 0 : i64, scratch_operands = 6 : i64, tpu.core_type = #tpu.core_type<sc_vector_subcore>, window_params = [{transform_indices = #map}, {transform_indices = #map1}, {transform_indices = #map1}, {transform_indices = #map}, {transform_indices = #map1}]} {
    %eq3A = arith.constant 0 : i32
    %eq3A_0 = arith.cmpi eq, %arg0, %eq3A : i32
    %convert_element_type3A = arith.extui %eq3A_0 : i1 to i32
    %cond3A = arith.constant 0 : i32
    %cond3A_1 = arith.cmpi ne, %convert_element_type3A, %cond3A : i32
    scf.if %cond3A_1 {
      "tpu.region"() ({
        %run_scoped3A = tpu.sem_alloc : memref<!tpu.dma_semaphore, #tpu.memory_space<semaphore_mem>>
        %dma_start3A_75 = arith.constant 0 : i32
        %dma_start3A_76 = arith.constant 0 : i32
        %dma_start3A_77 = tpu.memref_slice %arg7[%dma_start3A_75, %dma_start3A_76] : memref<128x128xi32, #tpu.memory_space<vmem>> -> memref<128x128xi32, #tpu.memory_space<vmem>>
        %dma_start3A_78 = arith.constant 0 : i32
        %dma_start3A_79 = arith.constant 0 : i32
        %dma_start3A_80 = tpu.memref_slice %arg3[%arg1, %dma_start3A_78, %dma_start3A_79] : memref<16x160x128xi32, #tpu.memory_space<hbm>> -> memref<1x128x128xi32, #tpu.memory_space<hbm>>
        %dma_start3A_81 = tpu.memref_squeeze %dma_start3A_80 : memref<1x128x128xi32, #tpu.memory_space<hbm>> -> memref<128x128xi32, #tpu.memory_space<hbm>>
        %dma_start3A_82 = arith.constant 0 : i32
        %dma_start3A_83 = arith.constant 0 : i32
        %dma_start3A_84 = tpu.memref_slice %arg7[%dma_start3A_82, %dma_start3A_83] : memref<128x128xi32, #tpu.memory_space<vmem>> -> memref<128x128xi32, #tpu.memory_space<vmem>>
        %dma_start3A_85 = arith.constant 0 : i32
        %dma_start3A_86 = arith.constant 0 : i32
        %dma_start3A_87 = tpu.memref_slice %arg3[%arg1, %dma_start3A_85, %dma_start3A_86] : memref<16x160x128xi32, #tpu.memory_space<hbm>> -> memref<1x128x128xi32, #tpu.memory_space<hbm>>
        %dma_start3A_88 = tpu.memref_squeeze %dma_start3A_87 : memref<1x128x128xi32, #tpu.memory_space<hbm>> -> memref<128x128xi32, #tpu.memory_space<hbm>>
        tpu.enqueue_dma source(%dma_start3A_88 : memref<128x128xi32, #tpu.memory_space<hbm>>) target(%dma_start3A_84 : memref<128x128xi32, #tpu.memory_space<vmem>>) target_semaphore(%run_scoped3A : memref<!tpu.dma_semaphore, #tpu.memory_space<semaphore_mem>>)
        %dma_wait3A = arith.constant 0 : i32
        %dma_wait3A_89 = arith.constant 0 : i32
        %dma_wait3A_90 = tpu.memref_slice %arg7[%dma_wait3A, %dma_wait3A_89] : memref<128x128xi32, #tpu.memory_space<vmem>> -> memref<128x128xi32, #tpu.memory_space<vmem>>
        %dma_wait3A_91 = arith.constant 0 : i32
        %dma_wait3A_92 = arith.constant 0 : i32
        %dma_wait3A_93 = tpu.memref_slice %arg3[%arg1, %dma_wait3A_91, %dma_wait3A_92] : memref<16x160x128xi32, #tpu.memory_space<hbm>> -> memref<1x128x128xi32, #tpu.memory_space<hbm>>
        %dma_wait3A_94 = tpu.memref_squeeze %dma_wait3A_93 : memref<1x128x128xi32, #tpu.memory_space<hbm>> -> memref<128x128xi32, #tpu.memory_space<hbm>>
        %dma_wait3A_95 = arith.constant 0 : i32
        %dma_wait3A_96 = arith.constant 0 : i32
        %dma_wait3A_97 = tpu.memref_slice %arg7[%dma_wait3A_95, %dma_wait3A_96] : memref<128x128xi32, #tpu.memory_space<vmem>> -> memref<128x128xi32, #tpu.memory_space<vmem>>
        %dma_wait3A_98 = arith.constant 0 : i32
        %dma_wait3A_99 = arith.constant 0 : i32
        %dma_wait3A_100 = tpu.memref_slice %arg3[%arg1, %dma_wait3A_98, %dma_wait3A_99] : memref<16x160x128xi32, #tpu.memory_space<hbm>> -> memref<1x128x128xi32, #tpu.memory_space<hbm>>
        %dma_wait3A_101 = tpu.memref_squeeze %dma_wait3A_100 : memref<1x128x128xi32, #tpu.memory_space<hbm>> -> memref<128x128xi32, #tpu.memory_space<hbm>>
        tpu.wait_dma2 semaphore(%run_scoped3A : memref<!tpu.dma_semaphore, #tpu.memory_space<semaphore_mem>>) src(%dma_wait3A_101 : memref<128x128xi32, #tpu.memory_space<hbm>>) dst(%dma_wait3A_97 : memref<128x128xi32, #tpu.memory_space<vmem>>)
        tpu.yield
      }) : () -> ()
      "tpu.region"() ({
        %run_scoped3A = tpu.sem_alloc : memref<!tpu.dma_semaphore, #tpu.memory_space<semaphore_mem>>
        %dma_start3A_75 = arith.constant 0 : i32
        %dma_start3A_76 = arith.constant 0 : i32
        %dma_start3A_77 = tpu.memref_slice %arg8[%dma_start3A_75, %dma_start3A_76] : memref<128x128xi32, #tpu.memory_space<vmem>> -> memref<128x128xi32, #tpu.memory_space<vmem>>
        %dma_start3A_78 = arith.constant 0 : i32
        %dma_start3A_79 = arith.constant 0 : i32
        %dma_start3A_80 = tpu.memref_slice %arg4[%arg1, %dma_start3A_78, %dma_start3A_79] : memref<16x160x128xi32, #tpu.memory_space<hbm>> -> memref<1x128x128xi32, #tpu.memory_space<hbm>>
        %dma_start3A_81 = tpu.memref_squeeze %dma_start3A_80 : memref<1x128x128xi32, #tpu.memory_space<hbm>> -> memref<128x128xi32, #tpu.memory_space<hbm>>
        %dma_start3A_82 = arith.constant 0 : i32
        %dma_start3A_83 = arith.constant 0 : i32
        %dma_start3A_84 = tpu.memref_slice %arg8[%dma_start3A_82, %dma_start3A_83] : memref<128x128xi32, #tpu.memory_space<vmem>> -> memref<128x128xi32, #tpu.memory_space<vmem>>
        %dma_start3A_85 = arith.constant 0 : i32
        %dma_start3A_86 = arith.constant 0 : i32
        %dma_start3A_87 = tpu.memref_slice %arg4[%arg1, %dma_start3A_85, %dma_start3A_86] : memref<16x160x128xi32, #tpu.memory_space<hbm>> -> memref<1x128x128xi32, #tpu.memory_space<hbm>>
        %dma_start3A_88 = tpu.memref_squeeze %dma_start3A_87 : memref<1x128x128xi32, #tpu.memory_space<hbm>> -> memref<128x128xi32, #tpu.memory_space<hbm>>
        tpu.enqueue_dma source(%dma_start3A_88 : memref<128x128xi32, #tpu.memory_space<hbm>>) target(%dma_start3A_84 : memref<128x128xi32, #tpu.memory_space<vmem>>) target_semaphore(%run_scoped3A : memref<!tpu.dma_semaphore, #tpu.memory_space<semaphore_mem>>)
        %dma_wait3A = arith.constant 0 : i32
        %dma_wait3A_89 = arith.constant 0 : i32
        %dma_wait3A_90 = tpu.memref_slice %arg8[%dma_wait3A, %dma_wait3A_89] : memref<128x128xi32, #tpu.memory_space<vmem>> -> memref<128x128xi32, #tpu.memory_space<vmem>>
        %dma_wait3A_91 = arith.constant 0 : i32
        %dma_wait3A_92 = arith.constant 0 : i32
        %dma_wait3A_93 = tpu.memref_slice %arg4[%arg1, %dma_wait3A_91, %dma_wait3A_92] : memref<16x160x128xi32, #tpu.memory_space<hbm>> -> memref<1x128x128xi32, #tpu.memory_space<hbm>>
        %dma_wait3A_94 = tpu.memref_squeeze %dma_wait3A_93 : memref<1x128x128xi32, #tpu.memory_space<hbm>> -> memref<128x128xi32, #tpu.memory_space<hbm>>
        %dma_wait3A_95 = arith.constant 0 : i32
        %dma_wait3A_96 = arith.constant 0 : i32
        %dma_wait3A_97 = tpu.memref_slice %arg8[%dma_wait3A_95, %dma_wait3A_96] : memref<128x128xi32, #tpu.memory_space<vmem>> -> memref<128x128xi32, #tpu.memory_space<vmem>>
        %dma_wait3A_98 = arith.constant 0 : i32
        %dma_wait3A_99 = arith.constant 0 : i32
        %dma_wait3A_100 = tpu.memref_slice %arg4[%arg1, %dma_wait3A_98, %dma_wait3A_99] : memref<16x160x128xi32, #tpu.memory_space<hbm>> -> memref<1x128x128xi32, #tpu.memory_space<hbm>>
        %dma_wait3A_101 = tpu.memref_squeeze %dma_wait3A_100 : memref<1x128x128xi32, #tpu.memory_space<hbm>> -> memref<128x128xi32, #tpu.memory_space<hbm>>
        tpu.wait_dma2 semaphore(%run_scoped3A : memref<!tpu.dma_semaphore, #tpu.memory_space<semaphore_mem>>) src(%dma_wait3A_101 : memref<128x128xi32, #tpu.memory_space<hbm>>) dst(%dma_wait3A_97 : memref<128x128xi32, #tpu.memory_space<vmem>>)
        tpu.yield
      }) : () -> ()
    } else {
    }
    %eq3A_2 = arith.constant 1 : i32
    %eq3A_3 = arith.cmpi eq, %arg0, %eq3A_2 : i32
    %convert_element_type3A_4 = arith.extui %eq3A_3 : i1 to i32
    %cond3A_5 = arith.constant 0 : i32
    %cond3A_6 = arith.cmpi ne, %convert_element_type3A_4, %cond3A_5 : i32
    scf.if %cond3A_6 {
      "tpu.region"() ({
        %run_scoped3A = tpu.sem_alloc : memref<!tpu.dma_semaphore, #tpu.memory_space<semaphore_mem>>
        %dma_start3A_75 = arith.constant 0 : i32
        %dma_start3A_76 = arith.constant 0 : i32
        %dma_start3A_77 = tpu.memref_slice %arg7[%dma_start3A_75, %dma_start3A_76] : memref<128x128xi32, #tpu.memory_space<vmem>> -> memref<32x128xi32, #tpu.memory_space<vmem>>
        %dma_start3A_78 = arith.constant 128 : i32
        %dma_start3A_79 = arith.constant 0 : i32
        %dma_start3A_80 = tpu.memref_slice %arg3[%arg1, %dma_start3A_78, %dma_start3A_79] : memref<16x160x128xi32, #tpu.memory_space<hbm>> -> memref<1x32x128xi32, #tpu.memory_space<hbm>>
        %dma_start3A_81 = tpu.memref_squeeze %dma_start3A_80 : memref<1x32x128xi32, #tpu.memory_space<hbm>> -> memref<32x128xi32, #tpu.memory_space<hbm>>
        %dma_start3A_82 = arith.constant 0 : i32
        %dma_start3A_83 = arith.constant 0 : i32
        %dma_start3A_84 = tpu.memref_slice %arg7[%dma_start3A_82, %dma_start3A_83] : memref<128x128xi32, #tpu.memory_space<vmem>> -> memref<32x128xi32, #tpu.memory_space<vmem>>
        %dma_start3A_85 = arith.constant 128 : i32
        %dma_start3A_86 = arith.constant 0 : i32
        %dma_start3A_87 = tpu.memref_slice %arg3[%arg1, %dma_start3A_85, %dma_start3A_86] : memref<16x160x128xi32, #tpu.memory_space<hbm>> -> memref<1x32x128xi32, #tpu.memory_space<hbm>>
        %dma_start3A_88 = tpu.memref_squeeze %dma_start3A_87 : memref<1x32x128xi32, #tpu.memory_space<hbm>> -> memref<32x128xi32, #tpu.memory_space<hbm>>
        tpu.enqueue_dma source(%dma_start3A_88 : memref<32x128xi32, #tpu.memory_space<hbm>>) target(%dma_start3A_84 : memref<32x128xi32, #tpu.memory_space<vmem>>) target_semaphore(%run_scoped3A : memref<!tpu.dma_semaphore, #tpu.memory_space<semaphore_mem>>)
        %dma_wait3A = arith.constant 0 : i32
        %dma_wait3A_89 = arith.constant 0 : i32
        %dma_wait3A_90 = tpu.memref_slice %arg7[%dma_wait3A, %dma_wait3A_89] : memref<128x128xi32, #tpu.memory_space<vmem>> -> memref<32x128xi32, #tpu.memory_space<vmem>>
        %dma_wait3A_91 = arith.constant 128 : i32
        %dma_wait3A_92 = arith.constant 0 : i32
        %dma_wait3A_93 = tpu.memref_slice %arg3[%arg1, %dma_wait3A_91, %dma_wait3A_92] : memref<16x160x128xi32, #tpu.memory_space<hbm>> -> memref<1x32x128xi32, #tpu.memory_space<hbm>>
        %dma_wait3A_94 = tpu.memref_squeeze %dma_wait3A_93 : memref<1x32x128xi32, #tpu.memory_space<hbm>> -> memref<32x128xi32, #tpu.memory_space<hbm>>
        %dma_wait3A_95 = arith.constant 0 : i32
        %dma_wait3A_96 = arith.constant 0 : i32
        %dma_wait3A_97 = tpu.memref_slice %arg7[%dma_wait3A_95, %dma_wait3A_96] : memref<128x128xi32, #tpu.memory_space<vmem>> -> memref<32x128xi32, #tpu.memory_space<vmem>>
        %dma_wait3A_98 = arith.constant 128 : i32
        %dma_wait3A_99 = arith.constant 0 : i32
        %dma_wait3A_100 = tpu.memref_slice %arg3[%arg1, %dma_wait3A_98, %dma_wait3A_99] : memref<16x160x128xi32, #tpu.memory_space<hbm>> -> memref<1x32x128xi32, #tpu.memory_space<hbm>>
        %dma_wait3A_101 = tpu.memref_squeeze %dma_wait3A_100 : memref<1x32x128xi32, #tpu.memory_space<hbm>> -> memref<32x128xi32, #tpu.memory_space<hbm>>
        tpu.wait_dma2 semaphore(%run_scoped3A : memref<!tpu.dma_semaphore, #tpu.memory_space<semaphore_mem>>) src(%dma_wait3A_101 : memref<32x128xi32, #tpu.memory_space<hbm>>) dst(%dma_wait3A_97 : memref<32x128xi32, #tpu.memory_space<vmem>>)
        tpu.yield
      }) : () -> ()
      "tpu.region"() ({
        %run_scoped3A = tpu.sem_alloc : memref<!tpu.dma_semaphore, #tpu.memory_space<semaphore_mem>>
        %dma_start3A_75 = arith.constant 0 : i32
        %dma_start3A_76 = arith.constant 0 : i32
        %dma_start3A_77 = tpu.memref_slice %arg8[%dma_start3A_75, %dma_start3A_76] : memref<128x128xi32, #tpu.memory_space<vmem>> -> memref<32x128xi32, #tpu.memory_space<vmem>>
        %dma_start3A_78 = arith.constant 128 : i32
        %dma_start3A_79 = arith.constant 0 : i32
        %dma_start3A_80 = tpu.memref_slice %arg4[%arg1, %dma_start3A_78, %dma_start3A_79] : memref<16x160x128xi32, #tpu.memory_space<hbm>> -> memref<1x32x128xi32, #tpu.memory_space<hbm>>
        %dma_start3A_81 = tpu.memref_squeeze %dma_start3A_80 : memref<1x32x128xi32, #tpu.memory_space<hbm>> -> memref<32x128xi32, #tpu.memory_space<hbm>>
        %dma_start3A_82 = arith.constant 0 : i32
        %dma_start3A_83 = arith.constant 0 : i32
        %dma_start3A_84 = tpu.memref_slice %arg8[%dma_start3A_82, %dma_start3A_83] : memref<128x128xi32, #tpu.memory_space<vmem>> -> memref<32x128xi32, #tpu.memory_space<vmem>>
        %dma_start3A_85 = arith.constant 128 : i32
        %dma_start3A_86 = arith.constant 0 : i32
        %dma_start3A_87 = tpu.memref_slice %arg4[%arg1, %dma_start3A_85, %dma_start3A_86] : memref<16x160x128xi32, #tpu.memory_space<hbm>> -> memref<1x32x128xi32, #tpu.memory_space<hbm>>
        %dma_start3A_88 = tpu.memref_squeeze %dma_start3A_87 : memref<1x32x128xi32, #tpu.memory_space<hbm>> -> memref<32x128xi32, #tpu.memory_space<hbm>>
        tpu.enqueue_dma source(%dma_start3A_88 : memref<32x128xi32, #tpu.memory_space<hbm>>) target(%dma_start3A_84 : memref<32x128xi32, #tpu.memory_space<vmem>>) target_semaphore(%run_scoped3A : memref<!tpu.dma_semaphore, #tpu.memory_space<semaphore_mem>>)
        %dma_wait3A = arith.constant 0 : i32
        %dma_wait3A_89 = arith.constant 0 : i32
        %dma_wait3A_90 = tpu.memref_slice %arg8[%dma_wait3A, %dma_wait3A_89] : memref<128x128xi32, #tpu.memory_space<vmem>> -> memref<32x128xi32, #tpu.memory_space<vmem>>
        %dma_wait3A_91 = arith.constant 128 : i32
        %dma_wait3A_92 = arith.constant 0 : i32
        %dma_wait3A_93 = tpu.memref_slice %arg4[%arg1, %dma_wait3A_91, %dma_wait3A_92] : memref<16x160x128xi32, #tpu.memory_space<hbm>> -> memref<1x32x128xi32, #tpu.memory_space<hbm>>
        %dma_wait3A_94 = tpu.memref_squeeze %dma_wait3A_93 : memref<1x32x128xi32, #tpu.memory_space<hbm>> -> memref<32x128xi32, #tpu.memory_space<hbm>>
        %dma_wait3A_95 = arith.constant 0 : i32
        %dma_wait3A_96 = arith.constant 0 : i32
        %dma_wait3A_97 = tpu.memref_slice %arg8[%dma_wait3A_95, %dma_wait3A_96] : memref<128x128xi32, #tpu.memory_space<vmem>> -> memref<32x128xi32, #tpu.memory_space<vmem>>
        %dma_wait3A_98 = arith.constant 128 : i32
        %dma_wait3A_99 = arith.constant 0 : i32
        %dma_wait3A_100 = tpu.memref_slice %arg4[%arg1, %dma_wait3A_98, %dma_wait3A_99] : memref<16x160x128xi32, #tpu.memory_space<hbm>> -> memref<1x32x128xi32, #tpu.memory_space<hbm>>
        %dma_wait3A_101 = tpu.memref_squeeze %dma_wait3A_100 : memref<1x32x128xi32, #tpu.memory_space<hbm>> -> memref<32x128xi32, #tpu.memory_space<hbm>>
        tpu.wait_dma2 semaphore(%run_scoped3A : memref<!tpu.dma_semaphore, #tpu.memory_space<semaphore_mem>>) src(%dma_wait3A_101 : memref<32x128xi32, #tpu.memory_space<hbm>>) dst(%dma_wait3A_97 : memref<32x128xi32, #tpu.memory_space<vmem>>)
        tpu.yield
      }) : () -> ()
    } else {
    }
    %dma_start3A = arith.constant 0 : i32
    %dma_start3A_7 = arith.constant 0 : i32
    %dma_start3A_8 = arith.constant 0 : i32
    %dma_start3A_9 = arith.constant 0 : i32
    %dma_start3A_10 = tpu.memref_slice %arg9[%dma_start3A_7, %dma_start3A_8, %dma_start3A_9] : memref<4x128x64xf32, #tpu.memory_space<vmem>> -> memref<1x128x64xf32, #tpu.memory_space<vmem>>
    %dma_start3A_11 = tpu.memref_squeeze %dma_start3A_10 : memref<1x128x64xf32, #tpu.memory_space<vmem>> -> memref<128x64xf32, #tpu.memory_space<vmem>>
    %dma_start3A_12 = arith.constant 0 : i32
    %dma_start3A_13 = tpu.memref_slice %arg7[%dma_start3A, %dma_start3A_12] : memref<128x128xi32, #tpu.memory_space<vmem>> -> memref<1x128xi32, #tpu.memory_space<vmem>>
    %dma_start3A_14 = tpu.memref_squeeze %dma_start3A_13 : memref<1x128xi32, #tpu.memory_space<vmem>> -> memref<128xi32, #tpu.memory_space<vmem>>
    %dma_start3A_15 = arith.constant 0 : i32
    %dma_start3A_16 = arith.constant 0 : i32
    %dma_start3A_17 = tpu.memref_slice %arg2[%dma_start3A_15, %dma_start3A_16] : memref<10000x64xf32, #tpu.memory_space<hbm>> -> memref<10000x64xf32, #tpu.memory_space<hbm>>
    tpu.enqueue_indirect_dma source(%dma_start3A_17 : memref<10000x64xf32, #tpu.memory_space<hbm>>) target(%dma_start3A_11 : memref<128x64xf32, #tpu.memory_space<vmem>>) offsets(%dma_start3A_14 : memref<128xi32, #tpu.memory_space<vmem>>) semaphore(%arg12 : memref<!tpu.dma_semaphore, #tpu.memory_space<semaphore_mem>>)
    %dma_start3A_18 = arith.constant 1 : i32
    %dma_start3A_19 = arith.constant 1 : i32
    %dma_start3A_20 = arith.constant 0 : i32
    %dma_start3A_21 = arith.constant 0 : i32
    %dma_start3A_22 = tpu.memref_slice %arg9[%dma_start3A_19, %dma_start3A_20, %dma_start3A_21] : memref<4x128x64xf32, #tpu.memory_space<vmem>> -> memref<1x128x64xf32, #tpu.memory_space<vmem>>
    %dma_start3A_23 = tpu.memref_squeeze %dma_start3A_22 : memref<1x128x64xf32, #tpu.memory_space<vmem>> -> memref<128x64xf32, #tpu.memory_space<vmem>>
    %dma_start3A_24 = arith.constant 0 : i32
    %dma_start3A_25 = tpu.memref_slice %arg7[%dma_start3A_18, %dma_start3A_24] : memref<128x128xi32, #tpu.memory_space<vmem>> -> memref<1x128xi32, #tpu.memory_space<vmem>>
    %dma_start3A_26 = tpu.memref_squeeze %dma_start3A_25 : memref<1x128xi32, #tpu.memory_space<vmem>> -> memref<128xi32, #tpu.memory_space<vmem>>
    %dma_start3A_27 = arith.constant 0 : i32
    %dma_start3A_28 = arith.constant 0 : i32
    %dma_start3A_29 = tpu.memref_slice %arg2[%dma_start3A_27, %dma_start3A_28] : memref<10000x64xf32, #tpu.memory_space<hbm>> -> memref<10000x64xf32, #tpu.memory_space<hbm>>
    tpu.enqueue_indirect_dma source(%dma_start3A_29 : memref<10000x64xf32, #tpu.memory_space<hbm>>) target(%dma_start3A_23 : memref<128x64xf32, #tpu.memory_space<vmem>>) offsets(%dma_start3A_26 : memref<128xi32, #tpu.memory_space<vmem>>) semaphore(%arg12 : memref<!tpu.dma_semaphore, #tpu.memory_space<semaphore_mem>>)
    %dma_start3A_30 = arith.constant 2 : i32
    %dma_start3A_31 = arith.constant 2 : i32
    %dma_start3A_32 = arith.constant 0 : i32
    %dma_start3A_33 = arith.constant 0 : i32
    %dma_start3A_34 = tpu.memref_slice %arg9[%dma_start3A_31, %dma_start3A_32, %dma_start3A_33] : memref<4x128x64xf32, #tpu.memory_space<vmem>> -> memref<1x128x64xf32, #tpu.memory_space<vmem>>
    %dma_start3A_35 = tpu.memref_squeeze %dma_start3A_34 : memref<1x128x64xf32, #tpu.memory_space<vmem>> -> memref<128x64xf32, #tpu.memory_space<vmem>>
    %dma_start3A_36 = arith.constant 0 : i32
    %dma_start3A_37 = tpu.memref_slice %arg7[%dma_start3A_30, %dma_start3A_36] : memref<128x128xi32, #tpu.memory_space<vmem>> -> memref<1x128xi32, #tpu.memory_space<vmem>>
    %dma_start3A_38 = tpu.memref_squeeze %dma_start3A_37 : memref<1x128xi32, #tpu.memory_space<vmem>> -> memref<128xi32, #tpu.memory_space<vmem>>
    %dma_start3A_39 = arith.constant 0 : i32
    %dma_start3A_40 = arith.constant 0 : i32
    %dma_start3A_41 = tpu.memref_slice %arg2[%dma_start3A_39, %dma_start3A_40] : memref<10000x64xf32, #tpu.memory_space<hbm>> -> memref<10000x64xf32, #tpu.memory_space<hbm>>
    tpu.enqueue_indirect_dma source(%dma_start3A_41 : memref<10000x64xf32, #tpu.memory_space<hbm>>) target(%dma_start3A_35 : memref<128x64xf32, #tpu.memory_space<vmem>>) offsets(%dma_start3A_38 : memref<128xi32, #tpu.memory_space<vmem>>) semaphore(%arg12 : memref<!tpu.dma_semaphore, #tpu.memory_space<semaphore_mem>>)
    "tpu.region"() ({
      %run_scoped3A = tpu.sem_alloc : memref<!tpu.dma_semaphore, #tpu.memory_space<semaphore_mem>>
      tpu.enqueue_dma source(%arg5 : memref<316x64xf32, #tpu.memory_space<hbm>>) target(%arg10 : memref<316x64xf32, #tpu.memory_space<vmem>>) target_semaphore(%run_scoped3A : memref<!tpu.dma_semaphore, #tpu.memory_space<semaphore_mem>>)
      tpu.wait_dma2 semaphore(%run_scoped3A : memref<!tpu.dma_semaphore, #tpu.memory_space<semaphore_mem>>) src(%arg5 : memref<316x64xf32, #tpu.memory_space<hbm>>) dst(%arg10 : memref<316x64xf32, #tpu.memory_space<vmem>>)
      tpu.yield
    }) : () -> ()
    %mul3A = arith.constant 632 : i32
    %mul3A_42 = arith.muli %arg1, %mul3A : i32
    %add3A = arith.constant 0 : i32
    %add3A_43 = arith.addi %mul3A_42, %add3A : i32
    "tpu.region"() ({
      %run_scoped3A = tpu.sem_alloc : memref<!tpu.dma_semaphore, #tpu.memory_space<semaphore_mem>>
      %dma_start3A_75 = arith.constant 0 : i32
      %dma_start3A_76 = tpu.memref_slice %arg11[%add3A_43, %dma_start3A_75] : memref<10112x64xf32, #tpu.memory_space<vmem_shared>> -> memref<316x64xf32, #tpu.memory_space<vmem_shared>>
      %dma_start3A_77 = arith.constant 0 : i32
      %dma_start3A_78 = tpu.memref_slice %arg11[%add3A_43, %dma_start3A_77] : memref<10112x64xf32, #tpu.memory_space<vmem_shared>> -> memref<316x64xf32, #tpu.memory_space<vmem_shared>>
      tpu.enqueue_dma source(%arg10 : memref<316x64xf32, #tpu.memory_space<vmem>>) target(%dma_start3A_78 : memref<316x64xf32, #tpu.memory_space<vmem_shared>>) target_semaphore(%run_scoped3A : memref<!tpu.dma_semaphore, #tpu.memory_space<semaphore_mem>>)
      %dma_wait3A = arith.constant 0 : i32
      %dma_wait3A_79 = tpu.memref_slice %arg11[%add3A_43, %dma_wait3A] : memref<10112x64xf32, #tpu.memory_space<vmem_shared>> -> memref<316x64xf32, #tpu.memory_space<vmem_shared>>
      %dma_wait3A_80 = arith.constant 0 : i32
      %dma_wait3A_81 = tpu.memref_slice %arg11[%add3A_43, %dma_wait3A_80] : memref<10112x64xf32, #tpu.memory_space<vmem_shared>> -> memref<316x64xf32, #tpu.memory_space<vmem_shared>>
      tpu.wait_dma2 semaphore(%run_scoped3A : memref<!tpu.dma_semaphore, #tpu.memory_space<semaphore_mem>>) src(%arg10 : memref<316x64xf32, #tpu.memory_space<vmem>>) dst(%dma_wait3A_81 : memref<316x64xf32, #tpu.memory_space<vmem_shared>>)
      tpu.yield
    }) : () -> ()
    %mul3A_44 = arith.constant 632 : i32
    %mul3A_45 = arith.muli %arg1, %mul3A_44 : i32
    %add3A_46 = arith.constant 316 : i32
    %add3A_47 = arith.addi %mul3A_45, %add3A_46 : i32
    "tpu.region"() ({
      %run_scoped3A = tpu.sem_alloc : memref<!tpu.dma_semaphore, #tpu.memory_space<semaphore_mem>>
      %dma_start3A_75 = arith.constant 0 : i32
      %dma_start3A_76 = tpu.memref_slice %arg11[%add3A_47, %dma_start3A_75] : memref<10112x64xf32, #tpu.memory_space<vmem_shared>> -> memref<316x64xf32, #tpu.memory_space<vmem_shared>>
      %dma_start3A_77 = arith.constant 0 : i32
      %dma_start3A_78 = tpu.memref_slice %arg11[%add3A_47, %dma_start3A_77] : memref<10112x64xf32, #tpu.memory_space<vmem_shared>> -> memref<316x64xf32, #tpu.memory_space<vmem_shared>>
      tpu.enqueue_dma source(%arg10 : memref<316x64xf32, #tpu.memory_space<vmem>>) target(%dma_start3A_78 : memref<316x64xf32, #tpu.memory_space<vmem_shared>>) target_semaphore(%run_scoped3A : memref<!tpu.dma_semaphore, #tpu.memory_space<semaphore_mem>>)
      %dma_wait3A = arith.constant 0 : i32
      %dma_wait3A_79 = tpu.memref_slice %arg11[%add3A_47, %dma_wait3A] : memref<10112x64xf32, #tpu.memory_space<vmem_shared>> -> memref<316x64xf32, #tpu.memory_space<vmem_shared>>
      %dma_wait3A_80 = arith.constant 0 : i32
      %dma_wait3A_81 = tpu.memref_slice %arg11[%add3A_47, %dma_wait3A_80] : memref<10112x64xf32, #tpu.memory_space<vmem_shared>> -> memref<316x64xf32, #tpu.memory_space<vmem_shared>>
      tpu.wait_dma2 semaphore(%run_scoped3A : memref<!tpu.dma_semaphore, #tpu.memory_space<semaphore_mem>>) src(%arg10 : memref<316x64xf32, #tpu.memory_space<vmem>>) dst(%dma_wait3A_81 : memref<316x64xf32, #tpu.memory_space<vmem_shared>>)
      tpu.yield
    }) : () -> ()
    %barrier3A = arith.constant 0 : index
    tpu.barrier barrier_id(%barrier3A)
    %eq3A_48 = arith.constant 0 : i32
    %eq3A_49 = arith.cmpi eq, %arg0, %eq3A_48 : i32
    %convert_element_type3A_50 = arith.extui %eq3A_49 : i1 to i32
    %cond3A_51 = arith.constant 0 : i32
    %cond3A_52 = arith.cmpi ne, %convert_element_type3A_50, %cond3A_51 : i32
    scf.if %cond3A_52 {
      %scan3A = arith.constant 0 : i32
      %scan3A_75 = arith.constant 32 : i32
      %scan3A_76 = arith.addi %scan3A, %scan3A_75 : i32
      %scan3A_77 = arith.constant 1 : i32
      scf.for %scan3A_79 = %scan3A to %scan3A_76 step %scan3A_77  : i32 {
        %mul3A_80 = arith.constant 4 : i32
        %mul3A_81 = arith.muli %scan3A_79, %mul3A_80 : i32
        %add3A_82 = arith.constant 0 : i32
        %add3A_83 = arith.addi %add3A_82, %mul3A_81 : i32
        %add3A_84 = arith.constant 0 : i32
        %add3A_85 = arith.addi %add3A_83, %add3A_84 : i32
        %dma_wait3A = arith.constant 0 : i32
        %dma_wait3A_86 = arith.constant 0 : i32
        %dma_wait3A_87 = arith.constant 0 : i32
        %dma_wait3A_88 = tpu.memref_slice %arg9[%dma_wait3A, %dma_wait3A_86, %dma_wait3A_87] : memref<4x128x64xf32, #tpu.memory_space<vmem>> -> memref<1x128x64xf32, #tpu.memory_space<vmem>>
        %dma_wait3A_89 = tpu.memref_squeeze %dma_wait3A_88 : memref<1x128x64xf32, #tpu.memory_space<vmem>> -> memref<128x64xf32, #tpu.memory_space<vmem>>
        %dma_wait3A_90 = arith.constant 0 : i32
        %dma_wait3A_91 = tpu.memref_slice %arg7[%add3A_85, %dma_wait3A_90] : memref<128x128xi32, #tpu.memory_space<vmem>> -> memref<1x128xi32, #tpu.memory_space<vmem>>
        %dma_wait3A_92 = tpu.memref_squeeze %dma_wait3A_91 : memref<1x128xi32, #tpu.memory_space<vmem>> -> memref<128xi32, #tpu.memory_space<vmem>>
        %dma_wait3A_93 = arith.constant 0 : i32
        %dma_wait3A_94 = arith.constant 0 : i32
        %dma_wait3A_95 = tpu.memref_slice %arg2[%dma_wait3A_93, %dma_wait3A_94] : memref<10000x64xf32, #tpu.memory_space<hbm>> -> memref<10000x64xf32, #tpu.memory_space<hbm>>
        tpu.wait_indirect_dma semaphore(%arg12 : memref<!tpu.dma_semaphore, #tpu.memory_space<semaphore_mem>>) src(%dma_wait3A_95 : memref<10000x64xf32, #tpu.memory_space<hbm>>) dst(%dma_wait3A_89 : memref<128x64xf32, #tpu.memory_space<vmem>>)
        %add3A_96 = arith.constant 4 : i32
        %add3A_97 = arith.addi %add3A_85, %add3A_96 : i32
        %sub3A = arith.constant 1 : i32
        %sub3A_98 = arith.subi %add3A_97, %sub3A : i32
        %lt3A = arith.constant 128 : i32
        %lt3A_99 = arith.cmpi slt, %sub3A_98, %lt3A : i32
        %convert_element_type3A_100 = arith.extui %lt3A_99 : i1 to i32
        %cond3A_101 = arith.constant 0 : i32
        %cond3A_102 = arith.cmpi ne, %convert_element_type3A_100, %cond3A_101 : i32
        scf.if %cond3A_102 {
          %add3A_172 = arith.constant 4 : i32
          %add3A_173 = arith.addi %add3A_85, %add3A_172 : i32
          %sub3A_174 = arith.constant 1 : i32
          %sub3A_175 = arith.subi %add3A_173, %sub3A_174 : i32
          %dma_start3A_176 = arith.constant 3 : i32
          %dma_start3A_177 = arith.constant 0 : i32
          %dma_start3A_178 = arith.constant 0 : i32
          %dma_start3A_179 = tpu.memref_slice %arg9[%dma_start3A_176, %dma_start3A_177, %dma_start3A_178] : memref<4x128x64xf32, #tpu.memory_space<vmem>> -> memref<1x128x64xf32, #tpu.memory_space<vmem>>
          %dma_start3A_180 = tpu.memref_squeeze %dma_start3A_179 : memref<1x128x64xf32, #tpu.memory_space<vmem>> -> memref<128x64xf32, #tpu.memory_space<vmem>>
          %dma_start3A_181 = arith.constant 0 : i32
          %dma_start3A_182 = tpu.memref_slice %arg7[%sub3A_175, %dma_start3A_181] : memref<128x128xi32, #tpu.memory_space<vmem>> -> memref<1x128xi32, #tpu.memory_space<vmem>>
          %dma_start3A_183 = tpu.memref_squeeze %dma_start3A_182 : memref<1x128xi32, #tpu.memory_space<vmem>> -> memref<128xi32, #tpu.memory_space<vmem>>
          %dma_start3A_184 = arith.constant 0 : i32
          %dma_start3A_185 = arith.constant 0 : i32
          %dma_start3A_186 = tpu.memref_slice %arg2[%dma_start3A_184, %dma_start3A_185] : memref<10000x64xf32, #tpu.memory_space<hbm>> -> memref<10000x64xf32, #tpu.memory_space<hbm>>
          tpu.enqueue_indirect_dma source(%dma_start3A_186 : memref<10000x64xf32, #tpu.memory_space<hbm>>) target(%dma_start3A_180 : memref<128x64xf32, #tpu.memory_space<vmem>>) offsets(%dma_start3A_183 : memref<128xi32, #tpu.memory_space<vmem>>) semaphore(%arg12 : memref<!tpu.dma_semaphore, #tpu.memory_space<semaphore_mem>>)
        } else {
        }
        %run_scoped3A = arith.constant 0 : i32
        "tpu.region"() ({
          %run_scoped3A_172 = tpu.sem_alloc : memref<!tpu.dma_semaphore, #tpu.memory_space<semaphore_mem>>
          %dma_start3A_173 = arith.constant 0 : i32
          %dma_start3A_174 = arith.constant 0 : i32
          %dma_start3A_175 = tpu.memref_slice %arg9[%run_scoped3A, %dma_start3A_173, %dma_start3A_174] : memref<4x128x64xf32, #tpu.memory_space<vmem>> -> memref<1x128x64xf32, #tpu.memory_space<vmem>>
          %dma_start3A_176 = tpu.memref_squeeze %dma_start3A_175 : memref<1x128x64xf32, #tpu.memory_space<vmem>> -> memref<128x64xf32, #tpu.memory_space<vmem>>
          %dma_start3A_177 = arith.constant 0 : i32
          %dma_start3A_178 = tpu.memref_slice %arg8[%add3A_85, %dma_start3A_177] : memref<128x128xi32, #tpu.memory_space<vmem>> -> memref<1x128xi32, #tpu.memory_space<vmem>>
          %dma_start3A_179 = tpu.memref_squeeze %dma_start3A_178 : memref<1x128xi32, #tpu.memory_space<vmem>> -> memref<128xi32, #tpu.memory_space<vmem>>
          %dma_start3A_180 = arith.constant 0 : i32
          %dma_start3A_181 = arith.constant 0 : i32
          %dma_start3A_182 = tpu.memref_slice %arg11[%dma_start3A_180, %dma_start3A_181] : memref<10112x64xf32, #tpu.memory_space<vmem_shared>> -> memref<10112x64xf32, #tpu.memory_space<vmem_shared>>
          tpu.enqueue_indirect_dma source(%dma_start3A_176 : memref<128x64xf32, #tpu.memory_space<vmem>>) target(%dma_start3A_182 : memref<10112x64xf32, #tpu.memory_space<vmem_shared>>) offsets(%dma_start3A_179 : memref<128xi32, #tpu.memory_space<vmem>>) semaphore(%run_scoped3A_172 : memref<!tpu.dma_semaphore, #tpu.memory_space<semaphore_mem>>) {add = true}
          %dma_wait3A_183 = arith.constant 0 : i32
          %dma_wait3A_184 = arith.constant 0 : i32
          %dma_wait3A_185 = tpu.memref_slice %arg9[%run_scoped3A, %dma_wait3A_183, %dma_wait3A_184] : memref<4x128x64xf32, #tpu.memory_space<vmem>> -> memref<1x128x64xf32, #tpu.memory_space<vmem>>
          %dma_wait3A_186 = tpu.memref_squeeze %dma_wait3A_185 : memref<1x128x64xf32, #tpu.memory_space<vmem>> -> memref<128x64xf32, #tpu.memory_space<vmem>>
          %dma_wait3A_187 = arith.constant 0 : i32
          %dma_wait3A_188 = tpu.memref_slice %arg8[%add3A_85, %dma_wait3A_187] : memref<128x128xi32, #tpu.memory_space<vmem>> -> memref<1x128xi32, #tpu.memory_space<vmem>>
          %dma_wait3A_189 = tpu.memref_squeeze %dma_wait3A_188 : memref<1x128xi32, #tpu.memory_space<vmem>> -> memref<128xi32, #tpu.memory_space<vmem>>
          %dma_wait3A_190 = arith.constant 0 : i32
          %dma_wait3A_191 = arith.constant 0 : i32
          %dma_wait3A_192 = tpu.memref_slice %arg11[%dma_wait3A_190, %dma_wait3A_191] : memref<10112x64xf32, #tpu.memory_space<vmem_shared>> -> memref<10112x64xf32, #tpu.memory_space<vmem_shared>>
          tpu.wait_indirect_dma semaphore(%run_scoped3A_172 : memref<!tpu.dma_semaphore, #tpu.memory_space<semaphore_mem>>) src(%dma_wait3A_186 : memref<128x64xf32, #tpu.memory_space<vmem>>) dst(%dma_wait3A_192 : memref<10112x64xf32, #tpu.memory_space<vmem_shared>>)
          tpu.yield
        }) : () -> ()
        %add3A_103 = arith.constant 1 : i32
        %add3A_104 = arith.addi %add3A_83, %add3A_103 : i32
        %dma_wait3A_105 = arith.constant 1 : i32
        %dma_wait3A_106 = arith.constant 0 : i32
        %dma_wait3A_107 = arith.constant 0 : i32
        %dma_wait3A_108 = tpu.memref_slice %arg9[%dma_wait3A_105, %dma_wait3A_106, %dma_wait3A_107] : memref<4x128x64xf32, #tpu.memory_space<vmem>> -> memref<1x128x64xf32, #tpu.memory_space<vmem>>
        %dma_wait3A_109 = tpu.memref_squeeze %dma_wait3A_108 : memref<1x128x64xf32, #tpu.memory_space<vmem>> -> memref<128x64xf32, #tpu.memory_space<vmem>>
        %dma_wait3A_110 = arith.constant 0 : i32
        %dma_wait3A_111 = tpu.memref_slice %arg7[%add3A_104, %dma_wait3A_110] : memref<128x128xi32, #tpu.memory_space<vmem>> -> memref<1x128xi32, #tpu.memory_space<vmem>>
        %dma_wait3A_112 = tpu.memref_squeeze %dma_wait3A_111 : memref<1x128xi32, #tpu.memory_space<vmem>> -> memref<128xi32, #tpu.memory_space<vmem>>
        %dma_wait3A_113 = arith.constant 0 : i32
        %dma_wait3A_114 = arith.constant 0 : i32
        %dma_wait3A_115 = tpu.memref_slice %arg2[%dma_wait3A_113, %dma_wait3A_114] : memref<10000x64xf32, #tpu.memory_space<hbm>> -> memref<10000x64xf32, #tpu.memory_space<hbm>>
        tpu.wait_indirect_dma semaphore(%arg12 : memref<!tpu.dma_semaphore, #tpu.memory_space<semaphore_mem>>) src(%dma_wait3A_115 : memref<10000x64xf32, #tpu.memory_space<hbm>>) dst(%dma_wait3A_109 : memref<128x64xf32, #tpu.memory_space<vmem>>)
        %add3A_116 = arith.constant 4 : i32
        %add3A_117 = arith.addi %add3A_104, %add3A_116 : i32
        %sub3A_118 = arith.constant 1 : i32
        %sub3A_119 = arith.subi %add3A_117, %sub3A_118 : i32
        %lt3A_120 = arith.constant 128 : i32
        %lt3A_121 = arith.cmpi slt, %sub3A_119, %lt3A_120 : i32
        %convert_element_type3A_122 = arith.extui %lt3A_121 : i1 to i32
        %cond3A_123 = arith.constant 0 : i32
        %cond3A_124 = arith.cmpi ne, %convert_element_type3A_122, %cond3A_123 : i32
        scf.if %cond3A_124 {
          %add3A_172 = arith.constant 4 : i32
          %add3A_173 = arith.addi %add3A_104, %add3A_172 : i32
          %sub3A_174 = arith.constant 1 : i32
          %sub3A_175 = arith.subi %add3A_173, %sub3A_174 : i32
          %dma_start3A_176 = arith.constant 0 : i32
          %dma_start3A_177 = arith.constant 0 : i32
          %dma_start3A_178 = arith.constant 0 : i32
          %dma_start3A_179 = tpu.memref_slice %arg9[%dma_start3A_176, %dma_start3A_177, %dma_start3A_178] : memref<4x128x64xf32, #tpu.memory_space<vmem>> -> memref<1x128x64xf32, #tpu.memory_space<vmem>>
          %dma_start3A_180 = tpu.memref_squeeze %dma_start3A_179 : memref<1x128x64xf32, #tpu.memory_space<vmem>> -> memref<128x64xf32, #tpu.memory_space<vmem>>
          %dma_start3A_181 = arith.constant 0 : i32
          %dma_start3A_182 = tpu.memref_slice %arg7[%sub3A_175, %dma_start3A_181] : memref<128x128xi32, #tpu.memory_space<vmem>> -> memref<1x128xi32, #tpu.memory_space<vmem>>
          %dma_start3A_183 = tpu.memref_squeeze %dma_start3A_182 : memref<1x128xi32, #tpu.memory_space<vmem>> -> memref<128xi32, #tpu.memory_space<vmem>>
          %dma_start3A_184 = arith.constant 0 : i32
          %dma_start3A_185 = arith.constant 0 : i32
          %dma_start3A_186 = tpu.memref_slice %arg2[%dma_start3A_184, %dma_start3A_185] : memref<10000x64xf32, #tpu.memory_space<hbm>> -> memref<10000x64xf32, #tpu.memory_space<hbm>>
          tpu.enqueue_indirect_dma source(%dma_start3A_186 : memref<10000x64xf32, #tpu.memory_space<hbm>>) target(%dma_start3A_180 : memref<128x64xf32, #tpu.memory_space<vmem>>) offsets(%dma_start3A_183 : memref<128xi32, #tpu.memory_space<vmem>>) semaphore(%arg12 : memref<!tpu.dma_semaphore, #tpu.memory_space<semaphore_mem>>)
        } else {
        }
        %run_scoped3A_125 = arith.constant 1 : i32
        "tpu.region"() ({
          %run_scoped3A_172 = tpu.sem_alloc : memref<!tpu.dma_semaphore, #tpu.memory_space<semaphore_mem>>
          %dma_start3A_173 = arith.constant 0 : i32
          %dma_start3A_174 = arith.constant 0 : i32
          %dma_start3A_175 = tpu.memref_slice %arg9[%run_scoped3A_125, %dma_start3A_173, %dma_start3A_174] : memref<4x128x64xf32, #tpu.memory_space<vmem>> -> memref<1x128x64xf32, #tpu.memory_space<vmem>>
          %dma_start3A_176 = tpu.memref_squeeze %dma_start3A_175 : memref<1x128x64xf32, #tpu.memory_space<vmem>> -> memref<128x64xf32, #tpu.memory_space<vmem>>
          %dma_start3A_177 = arith.constant 0 : i32
          %dma_start3A_178 = tpu.memref_slice %arg8[%add3A_104, %dma_start3A_177] : memref<128x128xi32, #tpu.memory_space<vmem>> -> memref<1x128xi32, #tpu.memory_space<vmem>>
          %dma_start3A_179 = tpu.memref_squeeze %dma_start3A_178 : memref<1x128xi32, #tpu.memory_space<vmem>> -> memref<128xi32, #tpu.memory_space<vmem>>
          %dma_start3A_180 = arith.constant 0 : i32
          %dma_start3A_181 = arith.constant 0 : i32
          %dma_start3A_182 = tpu.memref_slice %arg11[%dma_start3A_180, %dma_start3A_181] : memref<10112x64xf32, #tpu.memory_space<vmem_shared>> -> memref<10112x64xf32, #tpu.memory_space<vmem_shared>>
          tpu.enqueue_indirect_dma source(%dma_start3A_176 : memref<128x64xf32, #tpu.memory_space<vmem>>) target(%dma_start3A_182 : memref<10112x64xf32, #tpu.memory_space<vmem_shared>>) offsets(%dma_start3A_179 : memref<128xi32, #tpu.memory_space<vmem>>) semaphore(%run_scoped3A_172 : memref<!tpu.dma_semaphore, #tpu.memory_space<semaphore_mem>>) {add = true}
          %dma_wait3A_183 = arith.constant 0 : i32
          %dma_wait3A_184 = arith.constant 0 : i32
          %dma_wait3A_185 = tpu.memref_slice %arg9[%run_scoped3A_125, %dma_wait3A_183, %dma_wait3A_184] : memref<4x128x64xf32, #tpu.memory_space<vmem>> -> memref<1x128x64xf32, #tpu.memory_space<vmem>>
          %dma_wait3A_186 = tpu.memref_squeeze %dma_wait3A_185 : memref<1x128x64xf32, #tpu.memory_space<vmem>> -> memref<128x64xf32, #tpu.memory_space<vmem>>
          %dma_wait3A_187 = arith.constant 0 : i32
          %dma_wait3A_188 = tpu.memref_slice %arg8[%add3A_104, %dma_wait3A_187] : memref<128x128xi32, #tpu.memory_space<vmem>> -> memref<1x128xi32, #tpu.memory_space<vmem>>
          %dma_wait3A_189 = tpu.memref_squeeze %dma_wait3A_188 : memref<1x128xi32, #tpu.memory_space<vmem>> -> memref<128xi32, #tpu.memory_space<vmem>>
          %dma_wait3A_190 = arith.constant 0 : i32
          %dma_wait3A_191 = arith.constant 0 : i32
          %dma_wait3A_192 = tpu.memref_slice %arg11[%dma_wait3A_190, %dma_wait3A_191] : memref<10112x64xf32, #tpu.memory_space<vmem_shared>> -> memref<10112x64xf32, #tpu.memory_space<vmem_shared>>
          tpu.wait_indirect_dma semaphore(%run_scoped3A_172 : memref<!tpu.dma_semaphore, #tpu.memory_space<semaphore_mem>>) src(%dma_wait3A_186 : memref<128x64xf32, #tpu.memory_space<vmem>>) dst(%dma_wait3A_192 : memref<10112x64xf32, #tpu.memory_space<vmem_shared>>)
          tpu.yield
        }) : () -> ()
        %add3A_126 = arith.constant 2 : i32
        %add3A_127 = arith.addi %add3A_83, %add3A_126 : i32
        %dma_wait3A_128 = arith.constant 2 : i32
        %dma_wait3A_129 = arith.constant 0 : i32
        %dma_wait3A_130 = arith.constant 0 : i32
        %dma_wait3A_131 = tpu.memref_slice %arg9[%dma_wait3A_128, %dma_wait3A_129, %dma_wait3A_130] : memref<4x128x64xf32, #tpu.memory_space<vmem>> -> memref<1x128x64xf32, #tpu.memory_space<vmem>>
        %dma_wait3A_132 = tpu.memref_squeeze %dma_wait3A_131 : memref<1x128x64xf32, #tpu.memory_space<vmem>> -> memref<128x64xf32, #tpu.memory_space<vmem>>
        %dma_wait3A_133 = arith.constant 0 : i32
        %dma_wait3A_134 = tpu.memref_slice %arg7[%add3A_127, %dma_wait3A_133] : memref<128x128xi32, #tpu.memory_space<vmem>> -> memref<1x128xi32, #tpu.memory_space<vmem>>
        %dma_wait3A_135 = tpu.memref_squeeze %dma_wait3A_134 : memref<1x128xi32, #tpu.memory_space<vmem>> -> memref<128xi32, #tpu.memory_space<vmem>>
        %dma_wait3A_136 = arith.constant 0 : i32
        %dma_wait3A_137 = arith.constant 0 : i32
        %dma_wait3A_138 = tpu.memref_slice %arg2[%dma_wait3A_136, %dma_wait3A_137] : memref<10000x64xf32, #tpu.memory_space<hbm>> -> memref<10000x64xf32, #tpu.memory_space<hbm>>
        tpu.wait_indirect_dma semaphore(%arg12 : memref<!tpu.dma_semaphore, #tpu.memory_space<semaphore_mem>>) src(%dma_wait3A_138 : memref<10000x64xf32, #tpu.memory_space<hbm>>) dst(%dma_wait3A_132 : memref<128x64xf32, #tpu.memory_space<vmem>>)
        %add3A_139 = arith.constant 4 : i32
        %add3A_140 = arith.addi %add3A_127, %add3A_139 : i32
        %sub3A_141 = arith.constant 1 : i32
        %sub3A_142 = arith.subi %add3A_140, %sub3A_141 : i32
        %lt3A_143 = arith.constant 128 : i32
        %lt3A_144 = arith.cmpi slt, %sub3A_142, %lt3A_143 : i32
        %convert_element_type3A_145 = arith.extui %lt3A_144 : i1 to i32
        %cond3A_146 = arith.constant 0 : i32
        %cond3A_147 = arith.cmpi ne, %convert_element_type3A_145, %cond3A_146 : i32
        scf.if %cond3A_147 {
          %add3A_172 = arith.constant 4 : i32
          %add3A_173 = arith.addi %add3A_127, %add3A_172 : i32
          %sub3A_174 = arith.constant 1 : i32
          %sub3A_175 = arith.subi %add3A_173, %sub3A_174 : i32
          %dma_start3A_176 = arith.constant 1 : i32
          %dma_start3A_177 = arith.constant 0 : i32
          %dma_start3A_178 = arith.constant 0 : i32
          %dma_start3A_179 = tpu.memref_slice %arg9[%dma_start3A_176, %dma_start3A_177, %dma_start3A_178] : memref<4x128x64xf32, #tpu.memory_space<vmem>> -> memref<1x128x64xf32, #tpu.memory_space<vmem>>
          %dma_start3A_180 = tpu.memref_squeeze %dma_start3A_179 : memref<1x128x64xf32, #tpu.memory_space<vmem>> -> memref<128x64xf32, #tpu.memory_space<vmem>>
          %dma_start3A_181 = arith.constant 0 : i32
          %dma_start3A_182 = tpu.memref_slice %arg7[%sub3A_175, %dma_start3A_181] : memref<128x128xi32, #tpu.memory_space<vmem>> -> memref<1x128xi32, #tpu.memory_space<vmem>>
          %dma_start3A_183 = tpu.memref_squeeze %dma_start3A_182 : memref<1x128xi32, #tpu.memory_space<vmem>> -> memref<128xi32, #tpu.memory_space<vmem>>
          %dma_start3A_184 = arith.constant 0 : i32
          %dma_start3A_185 = arith.constant 0 : i32
          %dma_start3A_186 = tpu.memref_slice %arg2[%dma_start3A_184, %dma_start3A_185] : memref<10000x64xf32, #tpu.memory_space<hbm>> -> memref<10000x64xf32, #tpu.memory_space<hbm>>
          tpu.enqueue_indirect_dma source(%dma_start3A_186 : memref<10000x64xf32, #tpu.memory_space<hbm>>) target(%dma_start3A_180 : memref<128x64xf32, #tpu.memory_space<vmem>>) offsets(%dma_start3A_183 : memref<128xi32, #tpu.memory_space<vmem>>) semaphore(%arg12 : memref<!tpu.dma_semaphore, #tpu.memory_space<semaphore_mem>>)
        } else {
        }
        %run_scoped3A_148 = arith.constant 2 : i32
        "tpu.region"() ({
          %run_scoped3A_172 = tpu.sem_alloc : memref<!tpu.dma_semaphore, #tpu.memory_space<semaphore_mem>>
          %dma_start3A_173 = arith.constant 0 : i32
          %dma_start3A_174 = arith.constant 0 : i32
          %dma_start3A_175 = tpu.memref_slice %arg9[%run_scoped3A_148, %dma_start3A_173, %dma_start3A_174] : memref<4x128x64xf32, #tpu.memory_space<vmem>> -> memref<1x128x64xf32, #tpu.memory_space<vmem>>
          %dma_start3A_176 = tpu.memref_squeeze %dma_start3A_175 : memref<1x128x64xf32, #tpu.memory_space<vmem>> -> memref<128x64xf32, #tpu.memory_space<vmem>>
          %dma_start3A_177 = arith.constant 0 : i32
          %dma_start3A_178 = tpu.memref_slice %arg8[%add3A_127, %dma_start3A_177] : memref<128x128xi32, #tpu.memory_space<vmem>> -> memref<1x128xi32, #tpu.memory_space<vmem>>
          %dma_start3A_179 = tpu.memref_squeeze %dma_start3A_178 : memref<1x128xi32, #tpu.memory_space<vmem>> -> memref<128xi32, #tpu.memory_space<vmem>>
          %dma_start3A_180 = arith.constant 0 : i32
          %dma_start3A_181 = arith.constant 0 : i32
          %dma_start3A_182 = tpu.memref_slice %arg11[%dma_start3A_180, %dma_start3A_181] : memref<10112x64xf32, #tpu.memory_space<vmem_shared>> -> memref<10112x64xf32, #tpu.memory_space<vmem_shared>>
          tpu.enqueue_indirect_dma source(%dma_start3A_176 : memref<128x64xf32, #tpu.memory_space<vmem>>) target(%dma_start3A_182 : memref<10112x64xf32, #tpu.memory_space<vmem_shared>>) offsets(%dma_start3A_179 : memref<128xi32, #tpu.memory_space<vmem>>) semaphore(%run_scoped3A_172 : memref<!tpu.dma_semaphore, #tpu.memory_space<semaphore_mem>>) {add = true}
          %dma_wait3A_183 = arith.constant 0 : i32
          %dma_wait3A_184 = arith.constant 0 : i32
          %dma_wait3A_185 = tpu.memref_slice %arg9[%run_scoped3A_148, %dma_wait3A_183, %dma_wait3A_184] : memref<4x128x64xf32, #tpu.memory_space<vmem>> -> memref<1x128x64xf32, #tpu.memory_space<vmem>>
          %dma_wait3A_186 = tpu.memref_squeeze %dma_wait3A_185 : memref<1x128x64xf32, #tpu.memory_space<vmem>> -> memref<128x64xf32, #tpu.memory_space<vmem>>
          %dma_wait3A_187 = arith.constant 0 : i32
          %dma_wait3A_188 = tpu.memref_slice %arg8[%add3A_127, %dma_wait3A_187] : memref<128x128xi32, #tpu.memory_space<vmem>> -> memref<1x128xi32, #tpu.memory_space<vmem>>
          %dma_wait3A_189 = tpu.memref_squeeze %dma_wait3A_188 : memref<1x128xi32, #tpu.memory_space<vmem>> -> memref<128xi32, #tpu.memory_space<vmem>>
          %dma_wait3A_190 = arith.constant 0 : i32
          %dma_wait3A_191 = arith.constant 0 : i32
          %dma_wait3A_192 = tpu.memref_slice %arg11[%dma_wait3A_190, %dma_wait3A_191] : memref<10112x64xf32, #tpu.memory_space<vmem_shared>> -> memref<10112x64xf32, #tpu.memory_space<vmem_shared>>
          tpu.wait_indirect_dma semaphore(%run_scoped3A_172 : memref<!tpu.dma_semaphore, #tpu.memory_space<semaphore_mem>>) src(%dma_wait3A_186 : memref<128x64xf32, #tpu.memory_space<vmem>>) dst(%dma_wait3A_192 : memref<10112x64xf32, #tpu.memory_space<vmem_shared>>)
          tpu.yield
        }) : () -> ()
        %add3A_149 = arith.constant 3 : i32
        %add3A_150 = arith.addi %add3A_83, %add3A_149 : i32
        %dma_wait3A_151 = arith.constant 3 : i32
        %dma_wait3A_152 = arith.constant 0 : i32
        %dma_wait3A_153 = arith.constant 0 : i32
        %dma_wait3A_154 = tpu.memref_slice %arg9[%dma_wait3A_151, %dma_wait3A_152, %dma_wait3A_153] : memref<4x128x64xf32, #tpu.memory_space<vmem>> -> memref<1x128x64xf32, #tpu.memory_space<vmem>>
        %dma_wait3A_155 = tpu.memref_squeeze %dma_wait3A_154 : memref<1x128x64xf32, #tpu.memory_space<vmem>> -> memref<128x64xf32, #tpu.memory_space<vmem>>
        %dma_wait3A_156 = arith.constant 0 : i32
        %dma_wait3A_157 = tpu.memref_slice %arg7[%add3A_150, %dma_wait3A_156] : memref<128x128xi32, #tpu.memory_space<vmem>> -> memref<1x128xi32, #tpu.memory_space<vmem>>
        %dma_wait3A_158 = tpu.memref_squeeze %dma_wait3A_157 : memref<1x128xi32, #tpu.memory_space<vmem>> -> memref<128xi32, #tpu.memory_space<vmem>>
        %dma_wait3A_159 = arith.constant 0 : i32
        %dma_wait3A_160 = arith.constant 0 : i32
        %dma_wait3A_161 = tpu.memref_slice %arg2[%dma_wait3A_159, %dma_wait3A_160] : memref<10000x64xf32, #tpu.memory_space<hbm>> -> memref<10000x64xf32, #tpu.memory_space<hbm>>
        tpu.wait_indirect_dma semaphore(%arg12 : memref<!tpu.dma_semaphore, #tpu.memory_space<semaphore_mem>>) src(%dma_wait3A_161 : memref<10000x64xf32, #tpu.memory_space<hbm>>) dst(%dma_wait3A_155 : memref<128x64xf32, #tpu.memory_space<vmem>>)
        %add3A_162 = arith.constant 4 : i32
        %add3A_163 = arith.addi %add3A_150, %add3A_162 : i32
        %sub3A_164 = arith.constant 1 : i32
        %sub3A_165 = arith.subi %add3A_163, %sub3A_164 : i32
        %lt3A_166 = arith.constant 128 : i32
        %lt3A_167 = arith.cmpi slt, %sub3A_165, %lt3A_166 : i32
        %convert_element_type3A_168 = arith.extui %lt3A_167 : i1 to i32
        %cond3A_169 = arith.constant 0 : i32
        %cond3A_170 = arith.cmpi ne, %convert_element_type3A_168, %cond3A_169 : i32
        scf.if %cond3A_170 {
          %add3A_172 = arith.constant 4 : i32
          %add3A_173 = arith.addi %add3A_150, %add3A_172 : i32
          %sub3A_174 = arith.constant 1 : i32
          %sub3A_175 = arith.subi %add3A_173, %sub3A_174 : i32
          %dma_start3A_176 = arith.constant 2 : i32
          %dma_start3A_177 = arith.constant 0 : i32
          %dma_start3A_178 = arith.constant 0 : i32
          %dma_start3A_179 = tpu.memref_slice %arg9[%dma_start3A_176, %dma_start3A_177, %dma_start3A_178] : memref<4x128x64xf32, #tpu.memory_space<vmem>> -> memref<1x128x64xf32, #tpu.memory_space<vmem>>
          %dma_start3A_180 = tpu.memref_squeeze %dma_start3A_179 : memref<1x128x64xf32, #tpu.memory_space<vmem>> -> memref<128x64xf32, #tpu.memory_space<vmem>>
          %dma_start3A_181 = arith.constant 0 : i32
          %dma_start3A_182 = tpu.memref_slice %arg7[%sub3A_175, %dma_start3A_181] : memref<128x128xi32, #tpu.memory_space<vmem>> -> memref<1x128xi32, #tpu.memory_space<vmem>>
          %dma_start3A_183 = tpu.memref_squeeze %dma_start3A_182 : memref<1x128xi32, #tpu.memory_space<vmem>> -> memref<128xi32, #tpu.memory_space<vmem>>
          %dma_start3A_184 = arith.constant 0 : i32
          %dma_start3A_185 = arith.constant 0 : i32
          %dma_start3A_186 = tpu.memref_slice %arg2[%dma_start3A_184, %dma_start3A_185] : memref<10000x64xf32, #tpu.memory_space<hbm>> -> memref<10000x64xf32, #tpu.memory_space<hbm>>
          tpu.enqueue_indirect_dma source(%dma_start3A_186 : memref<10000x64xf32, #tpu.memory_space<hbm>>) target(%dma_start3A_180 : memref<128x64xf32, #tpu.memory_space<vmem>>) offsets(%dma_start3A_183 : memref<128xi32, #tpu.memory_space<vmem>>) semaphore(%arg12 : memref<!tpu.dma_semaphore, #tpu.memory_space<semaphore_mem>>)
        } else {
        }
        %run_scoped3A_171 = arith.constant 3 : i32
        "tpu.region"() ({
          %run_scoped3A_172 = tpu.sem_alloc : memref<!tpu.dma_semaphore, #tpu.memory_space<semaphore_mem>>
          %dma_start3A_173 = arith.constant 0 : i32
          %dma_start3A_174 = arith.constant 0 : i32
          %dma_start3A_175 = tpu.memref_slice %arg9[%run_scoped3A_171, %dma_start3A_173, %dma_start3A_174] : memref<4x128x64xf32, #tpu.memory_space<vmem>> -> memref<1x128x64xf32, #tpu.memory_space<vmem>>
          %dma_start3A_176 = tpu.memref_squeeze %dma_start3A_175 : memref<1x128x64xf32, #tpu.memory_space<vmem>> -> memref<128x64xf32, #tpu.memory_space<vmem>>
          %dma_start3A_177 = arith.constant 0 : i32
          %dma_start3A_178 = tpu.memref_slice %arg8[%add3A_150, %dma_start3A_177] : memref<128x128xi32, #tpu.memory_space<vmem>> -> memref<1x128xi32, #tpu.memory_space<vmem>>
          %dma_start3A_179 = tpu.memref_squeeze %dma_start3A_178 : memref<1x128xi32, #tpu.memory_space<vmem>> -> memref<128xi32, #tpu.memory_space<vmem>>
          %dma_start3A_180 = arith.constant 0 : i32
          %dma_start3A_181 = arith.constant 0 : i32
          %dma_start3A_182 = tpu.memref_slice %arg11[%dma_start3A_180, %dma_start3A_181] : memref<10112x64xf32, #tpu.memory_space<vmem_shared>> -> memref<10112x64xf32, #tpu.memory_space<vmem_shared>>
          tpu.enqueue_indirect_dma source(%dma_start3A_176 : memref<128x64xf32, #tpu.memory_space<vmem>>) target(%dma_start3A_182 : memref<10112x64xf32, #tpu.memory_space<vmem_shared>>) offsets(%dma_start3A_179 : memref<128xi32, #tpu.memory_space<vmem>>) semaphore(%run_scoped3A_172 : memref<!tpu.dma_semaphore, #tpu.memory_space<semaphore_mem>>) {add = true}
          %dma_wait3A_183 = arith.constant 0 : i32
          %dma_wait3A_184 = arith.constant 0 : i32
          %dma_wait3A_185 = tpu.memref_slice %arg9[%run_scoped3A_171, %dma_wait3A_183, %dma_wait3A_184] : memref<4x128x64xf32, #tpu.memory_space<vmem>> -> memref<1x128x64xf32, #tpu.memory_space<vmem>>
          %dma_wait3A_186 = tpu.memref_squeeze %dma_wait3A_185 : memref<1x128x64xf32, #tpu.memory_space<vmem>> -> memref<128x64xf32, #tpu.memory_space<vmem>>
          %dma_wait3A_187 = arith.constant 0 : i32
          %dma_wait3A_188 = tpu.memref_slice %arg8[%add3A_150, %dma_wait3A_187] : memref<128x128xi32, #tpu.memory_space<vmem>> -> memref<1x128xi32, #tpu.memory_space<vmem>>
          %dma_wait3A_189 = tpu.memref_squeeze %dma_wait3A_188 : memref<1x128xi32, #tpu.memory_space<vmem>> -> memref<128xi32, #tpu.memory_space<vmem>>
          %dma_wait3A_190 = arith.constant 0 : i32
          %dma_wait3A_191 = arith.constant 0 : i32
          %dma_wait3A_192 = tpu.memref_slice %arg11[%dma_wait3A_190, %dma_wait3A_191] : memref<10112x64xf32, #tpu.memory_space<vmem_shared>> -> memref<10112x64xf32, #tpu.memory_space<vmem_shared>>
          tpu.wait_indirect_dma semaphore(%run_scoped3A_172 : memref<!tpu.dma_semaphore, #tpu.memory_space<semaphore_mem>>) src(%dma_wait3A_186 : memref<128x64xf32, #tpu.memory_space<vmem>>) dst(%dma_wait3A_192 : memref<10112x64xf32, #tpu.memory_space<vmem_shared>>)
          tpu.yield
        }) : () -> ()
      }
      %scan3A_78 = arith.constant 32 : i32
    } else {
    }
    %eq3A_53 = arith.constant 1 : i32
    %eq3A_54 = arith.cmpi eq, %arg0, %eq3A_53 : i32
    %convert_element_type3A_55 = arith.extui %eq3A_54 : i1 to i32
    %cond3A_56 = arith.constant 0 : i32
    %cond3A_57 = arith.cmpi ne, %convert_element_type3A_55, %cond3A_56 : i32
    scf.if %cond3A_57 {
      %scan3A = arith.constant 0 : i32
      %scan3A_75 = arith.constant 8 : i32
      %scan3A_76 = arith.addi %scan3A, %scan3A_75 : i32
      %scan3A_77 = arith.constant 1 : i32
      scf.for %scan3A_79 = %scan3A to %scan3A_76 step %scan3A_77  : i32 {
        %mul3A_80 = arith.constant 4 : i32
        %mul3A_81 = arith.muli %scan3A_79, %mul3A_80 : i32
        %add3A_82 = arith.constant 0 : i32
        %add3A_83 = arith.addi %add3A_82, %mul3A_81 : i32
        %add3A_84 = arith.constant 0 : i32
        %add3A_85 = arith.addi %add3A_83, %add3A_84 : i32
        %dma_wait3A = arith.constant 0 : i32
        %dma_wait3A_86 = arith.constant 0 : i32
        %dma_wait3A_87 = arith.constant 0 : i32
        %dma_wait3A_88 = tpu.memref_slice %arg9[%dma_wait3A, %dma_wait3A_86, %dma_wait3A_87] : memref<4x128x64xf32, #tpu.memory_space<vmem>> -> memref<1x128x64xf32, #tpu.memory_space<vmem>>
        %dma_wait3A_89 = tpu.memref_squeeze %dma_wait3A_88 : memref<1x128x64xf32, #tpu.memory_space<vmem>> -> memref<128x64xf32, #tpu.memory_space<vmem>>
        %dma_wait3A_90 = arith.constant 0 : i32
        %dma_wait3A_91 = tpu.memref_slice %arg7[%add3A_85, %dma_wait3A_90] : memref<128x128xi32, #tpu.memory_space<vmem>> -> memref<1x128xi32, #tpu.memory_space<vmem>>
        %dma_wait3A_92 = tpu.memref_squeeze %dma_wait3A_91 : memref<1x128xi32, #tpu.memory_space<vmem>> -> memref<128xi32, #tpu.memory_space<vmem>>
        %dma_wait3A_93 = arith.constant 0 : i32
        %dma_wait3A_94 = arith.constant 0 : i32
        %dma_wait3A_95 = tpu.memref_slice %arg2[%dma_wait3A_93, %dma_wait3A_94] : memref<10000x64xf32, #tpu.memory_space<hbm>> -> memref<10000x64xf32, #tpu.memory_space<hbm>>
        tpu.wait_indirect_dma semaphore(%arg12 : memref<!tpu.dma_semaphore, #tpu.memory_space<semaphore_mem>>) src(%dma_wait3A_95 : memref<10000x64xf32, #tpu.memory_space<hbm>>) dst(%dma_wait3A_89 : memref<128x64xf32, #tpu.memory_space<vmem>>)
        %add3A_96 = arith.constant 4 : i32
        %add3A_97 = arith.addi %add3A_85, %add3A_96 : i32
        %sub3A = arith.constant 1 : i32
        %sub3A_98 = arith.subi %add3A_97, %sub3A : i32
        %lt3A = arith.constant 32 : i32
        %lt3A_99 = arith.cmpi slt, %sub3A_98, %lt3A : i32
        %convert_element_type3A_100 = arith.extui %lt3A_99 : i1 to i32
        %cond3A_101 = arith.constant 0 : i32
        %cond3A_102 = arith.cmpi ne, %convert_element_type3A_100, %cond3A_101 : i32
        scf.if %cond3A_102 {
          %add3A_172 = arith.constant 4 : i32
          %add3A_173 = arith.addi %add3A_85, %add3A_172 : i32
          %sub3A_174 = arith.constant 1 : i32
          %sub3A_175 = arith.subi %add3A_173, %sub3A_174 : i32
          %dma_start3A_176 = arith.constant 3 : i32
          %dma_start3A_177 = arith.constant 0 : i32
          %dma_start3A_178 = arith.constant 0 : i32
          %dma_start3A_179 = tpu.memref_slice %arg9[%dma_start3A_176, %dma_start3A_177, %dma_start3A_178] : memref<4x128x64xf32, #tpu.memory_space<vmem>> -> memref<1x128x64xf32, #tpu.memory_space<vmem>>
          %dma_start3A_180 = tpu.memref_squeeze %dma_start3A_179 : memref<1x128x64xf32, #tpu.memory_space<vmem>> -> memref<128x64xf32, #tpu.memory_space<vmem>>
          %dma_start3A_181 = arith.constant 0 : i32
          %dma_start3A_182 = tpu.memref_slice %arg7[%sub3A_175, %dma_start3A_181] : memref<128x128xi32, #tpu.memory_space<vmem>> -> memref<1x128xi32, #tpu.memory_space<vmem>>
          %dma_start3A_183 = tpu.memref_squeeze %dma_start3A_182 : memref<1x128xi32, #tpu.memory_space<vmem>> -> memref<128xi32, #tpu.memory_space<vmem>>
          %dma_start3A_184 = arith.constant 0 : i32
          %dma_start3A_185 = arith.constant 0 : i32
          %dma_start3A_186 = tpu.memref_slice %arg2[%dma_start3A_184, %dma_start3A_185] : memref<10000x64xf32, #tpu.memory_space<hbm>> -> memref<10000x64xf32, #tpu.memory_space<hbm>>
          tpu.enqueue_indirect_dma source(%dma_start3A_186 : memref<10000x64xf32, #tpu.memory_space<hbm>>) target(%dma_start3A_180 : memref<128x64xf32, #tpu.memory_space<vmem>>) offsets(%dma_start3A_183 : memref<128xi32, #tpu.memory_space<vmem>>) semaphore(%arg12 : memref<!tpu.dma_semaphore, #tpu.memory_space<semaphore_mem>>)
        } else {
        }
        %run_scoped3A = arith.constant 0 : i32
        "tpu.region"() ({
          %run_scoped3A_172 = tpu.sem_alloc : memref<!tpu.dma_semaphore, #tpu.memory_space<semaphore_mem>>
          %dma_start3A_173 = arith.constant 0 : i32
          %dma_start3A_174 = arith.constant 0 : i32
          %dma_start3A_175 = tpu.memref_slice %arg9[%run_scoped3A, %dma_start3A_173, %dma_start3A_174] : memref<4x128x64xf32, #tpu.memory_space<vmem>> -> memref<1x128x64xf32, #tpu.memory_space<vmem>>
          %dma_start3A_176 = tpu.memref_squeeze %dma_start3A_175 : memref<1x128x64xf32, #tpu.memory_space<vmem>> -> memref<128x64xf32, #tpu.memory_space<vmem>>
          %dma_start3A_177 = arith.constant 0 : i32
          %dma_start3A_178 = tpu.memref_slice %arg8[%add3A_85, %dma_start3A_177] : memref<128x128xi32, #tpu.memory_space<vmem>> -> memref<1x128xi32, #tpu.memory_space<vmem>>
          %dma_start3A_179 = tpu.memref_squeeze %dma_start3A_178 : memref<1x128xi32, #tpu.memory_space<vmem>> -> memref<128xi32, #tpu.memory_space<vmem>>
          %dma_start3A_180 = arith.constant 0 : i32
          %dma_start3A_181 = arith.constant 0 : i32
          %dma_start3A_182 = tpu.memref_slice %arg11[%dma_start3A_180, %dma_start3A_181] : memref<10112x64xf32, #tpu.memory_space<vmem_shared>> -> memref<10112x64xf32, #tpu.memory_space<vmem_shared>>
          tpu.enqueue_indirect_dma source(%dma_start3A_176 : memref<128x64xf32, #tpu.memory_space<vmem>>) target(%dma_start3A_182 : memref<10112x64xf32, #tpu.memory_space<vmem_shared>>) offsets(%dma_start3A_179 : memref<128xi32, #tpu.memory_space<vmem>>) semaphore(%run_scoped3A_172 : memref<!tpu.dma_semaphore, #tpu.memory_space<semaphore_mem>>) {add = true}
          %dma_wait3A_183 = arith.constant 0 : i32
          %dma_wait3A_184 = arith.constant 0 : i32
          %dma_wait3A_185 = tpu.memref_slice %arg9[%run_scoped3A, %dma_wait3A_183, %dma_wait3A_184] : memref<4x128x64xf32, #tpu.memory_space<vmem>> -> memref<1x128x64xf32, #tpu.memory_space<vmem>>
          %dma_wait3A_186 = tpu.memref_squeeze %dma_wait3A_185 : memref<1x128x64xf32, #tpu.memory_space<vmem>> -> memref<128x64xf32, #tpu.memory_space<vmem>>
          %dma_wait3A_187 = arith.constant 0 : i32
          %dma_wait3A_188 = tpu.memref_slice %arg8[%add3A_85, %dma_wait3A_187] : memref<128x128xi32, #tpu.memory_space<vmem>> -> memref<1x128xi32, #tpu.memory_space<vmem>>
          %dma_wait3A_189 = tpu.memref_squeeze %dma_wait3A_188 : memref<1x128xi32, #tpu.memory_space<vmem>> -> memref<128xi32, #tpu.memory_space<vmem>>
          %dma_wait3A_190 = arith.constant 0 : i32
          %dma_wait3A_191 = arith.constant 0 : i32
          %dma_wait3A_192 = tpu.memref_slice %arg11[%dma_wait3A_190, %dma_wait3A_191] : memref<10112x64xf32, #tpu.memory_space<vmem_shared>> -> memref<10112x64xf32, #tpu.memory_space<vmem_shared>>
          tpu.wait_indirect_dma semaphore(%run_scoped3A_172 : memref<!tpu.dma_semaphore, #tpu.memory_space<semaphore_mem>>) src(%dma_wait3A_186 : memref<128x64xf32, #tpu.memory_space<vmem>>) dst(%dma_wait3A_192 : memref<10112x64xf32, #tpu.memory_space<vmem_shared>>)
          tpu.yield
        }) : () -> ()
        %add3A_103 = arith.constant 1 : i32
        %add3A_104 = arith.addi %add3A_83, %add3A_103 : i32
        %dma_wait3A_105 = arith.constant 1 : i32
        %dma_wait3A_106 = arith.constant 0 : i32
        %dma_wait3A_107 = arith.constant 0 : i32
        %dma_wait3A_108 = tpu.memref_slice %arg9[%dma_wait3A_105, %dma_wait3A_106, %dma_wait3A_107] : memref<4x128x64xf32, #tpu.memory_space<vmem>> -> memref<1x128x64xf32, #tpu.memory_space<vmem>>
        %dma_wait3A_109 = tpu.memref_squeeze %dma_wait3A_108 : memref<1x128x64xf32, #tpu.memory_space<vmem>> -> memref<128x64xf32, #tpu.memory_space<vmem>>
        %dma_wait3A_110 = arith.constant 0 : i32
        %dma_wait3A_111 = tpu.memref_slice %arg7[%add3A_104, %dma_wait3A_110] : memref<128x128xi32, #tpu.memory_space<vmem>> -> memref<1x128xi32, #tpu.memory_space<vmem>>
        %dma_wait3A_112 = tpu.memref_squeeze %dma_wait3A_111 : memref<1x128xi32, #tpu.memory_space<vmem>> -> memref<128xi32, #tpu.memory_space<vmem>>
        %dma_wait3A_113 = arith.constant 0 : i32
        %dma_wait3A_114 = arith.constant 0 : i32
        %dma_wait3A_115 = tpu.memref_slice %arg2[%dma_wait3A_113, %dma_wait3A_114] : memref<10000x64xf32, #tpu.memory_space<hbm>> -> memref<10000x64xf32, #tpu.memory_space<hbm>>
        tpu.wait_indirect_dma semaphore(%arg12 : memref<!tpu.dma_semaphore, #tpu.memory_space<semaphore_mem>>) src(%dma_wait3A_115 : memref<10000x64xf32, #tpu.memory_space<hbm>>) dst(%dma_wait3A_109 : memref<128x64xf32, #tpu.memory_space<vmem>>)
        %add3A_116 = arith.constant 4 : i32
        %add3A_117 = arith.addi %add3A_104, %add3A_116 : i32
        %sub3A_118 = arith.constant 1 : i32
        %sub3A_119 = arith.subi %add3A_117, %sub3A_118 : i32
        %lt3A_120 = arith.constant 32 : i32
        %lt3A_121 = arith.cmpi slt, %sub3A_119, %lt3A_120 : i32
        %convert_element_type3A_122 = arith.extui %lt3A_121 : i1 to i32
        %cond3A_123 = arith.constant 0 : i32
        %cond3A_124 = arith.cmpi ne, %convert_element_type3A_122, %cond3A_123 : i32
        scf.if %cond3A_124 {
          %add3A_172 = arith.constant 4 : i32
          %add3A_173 = arith.addi %add3A_104, %add3A_172 : i32
          %sub3A_174 = arith.constant 1 : i32
          %sub3A_175 = arith.subi %add3A_173, %sub3A_174 : i32
          %dma_start3A_176 = arith.constant 0 : i32
          %dma_start3A_177 = arith.constant 0 : i32
          %dma_start3A_178 = arith.constant 0 : i32
          %dma_start3A_179 = tpu.memref_slice %arg9[%dma_start3A_176, %dma_start3A_177, %dma_start3A_178] : memref<4x128x64xf32, #tpu.memory_space<vmem>> -> memref<1x128x64xf32, #tpu.memory_space<vmem>>
          %dma_start3A_180 = tpu.memref_squeeze %dma_start3A_179 : memref<1x128x64xf32, #tpu.memory_space<vmem>> -> memref<128x64xf32, #tpu.memory_space<vmem>>
          %dma_start3A_181 = arith.constant 0 : i32
          %dma_start3A_182 = tpu.memref_slice %arg7[%sub3A_175, %dma_start3A_181] : memref<128x128xi32, #tpu.memory_space<vmem>> -> memref<1x128xi32, #tpu.memory_space<vmem>>
          %dma_start3A_183 = tpu.memref_squeeze %dma_start3A_182 : memref<1x128xi32, #tpu.memory_space<vmem>> -> memref<128xi32, #tpu.memory_space<vmem>>
          %dma_start3A_184 = arith.constant 0 : i32
          %dma_start3A_185 = arith.constant 0 : i32
          %dma_start3A_186 = tpu.memref_slice %arg2[%dma_start3A_184, %dma_start3A_185] : memref<10000x64xf32, #tpu.memory_space<hbm>> -> memref<10000x64xf32, #tpu.memory_space<hbm>>
          tpu.enqueue_indirect_dma source(%dma_start3A_186 : memref<10000x64xf32, #tpu.memory_space<hbm>>) target(%dma_start3A_180 : memref<128x64xf32, #tpu.memory_space<vmem>>) offsets(%dma_start3A_183 : memref<128xi32, #tpu.memory_space<vmem>>) semaphore(%arg12 : memref<!tpu.dma_semaphore, #tpu.memory_space<semaphore_mem>>)
        } else {
        }
        %run_scoped3A_125 = arith.constant 1 : i32
        "tpu.region"() ({
          %run_scoped3A_172 = tpu.sem_alloc : memref<!tpu.dma_semaphore, #tpu.memory_space<semaphore_mem>>
          %dma_start3A_173 = arith.constant 0 : i32
          %dma_start3A_174 = arith.constant 0 : i32
          %dma_start3A_175 = tpu.memref_slice %arg9[%run_scoped3A_125, %dma_start3A_173, %dma_start3A_174] : memref<4x128x64xf32, #tpu.memory_space<vmem>> -> memref<1x128x64xf32, #tpu.memory_space<vmem>>
          %dma_start3A_176 = tpu.memref_squeeze %dma_start3A_175 : memref<1x128x64xf32, #tpu.memory_space<vmem>> -> memref<128x64xf32, #tpu.memory_space<vmem>>
          %dma_start3A_177 = arith.constant 0 : i32
          %dma_start3A_178 = tpu.memref_slice %arg8[%add3A_104, %dma_start3A_177] : memref<128x128xi32, #tpu.memory_space<vmem>> -> memref<1x128xi32, #tpu.memory_space<vmem>>
          %dma_start3A_179 = tpu.memref_squeeze %dma_start3A_178 : memref<1x128xi32, #tpu.memory_space<vmem>> -> memref<128xi32, #tpu.memory_space<vmem>>
          %dma_start3A_180 = arith.constant 0 : i32
          %dma_start3A_181 = arith.constant 0 : i32
          %dma_start3A_182 = tpu.memref_slice %arg11[%dma_start3A_180, %dma_start3A_181] : memref<10112x64xf32, #tpu.memory_space<vmem_shared>> -> memref<10112x64xf32, #tpu.memory_space<vmem_shared>>
          tpu.enqueue_indirect_dma source(%dma_start3A_176 : memref<128x64xf32, #tpu.memory_space<vmem>>) target(%dma_start3A_182 : memref<10112x64xf32, #tpu.memory_space<vmem_shared>>) offsets(%dma_start3A_179 : memref<128xi32, #tpu.memory_space<vmem>>) semaphore(%run_scoped3A_172 : memref<!tpu.dma_semaphore, #tpu.memory_space<semaphore_mem>>) {add = true}
          %dma_wait3A_183 = arith.constant 0 : i32
          %dma_wait3A_184 = arith.constant 0 : i32
          %dma_wait3A_185 = tpu.memref_slice %arg9[%run_scoped3A_125, %dma_wait3A_183, %dma_wait3A_184] : memref<4x128x64xf32, #tpu.memory_space<vmem>> -> memref<1x128x64xf32, #tpu.memory_space<vmem>>
          %dma_wait3A_186 = tpu.memref_squeeze %dma_wait3A_185 : memref<1x128x64xf32, #tpu.memory_space<vmem>> -> memref<128x64xf32, #tpu.memory_space<vmem>>
          %dma_wait3A_187 = arith.constant 0 : i32
          %dma_wait3A_188 = tpu.memref_slice %arg8[%add3A_104, %dma_wait3A_187] : memref<128x128xi32, #tpu.memory_space<vmem>> -> memref<1x128xi32, #tpu.memory_space<vmem>>
          %dma_wait3A_189 = tpu.memref_squeeze %dma_wait3A_188 : memref<1x128xi32, #tpu.memory_space<vmem>> -> memref<128xi32, #tpu.memory_space<vmem>>
          %dma_wait3A_190 = arith.constant 0 : i32
          %dma_wait3A_191 = arith.constant 0 : i32
          %dma_wait3A_192 = tpu.memref_slice %arg11[%dma_wait3A_190, %dma_wait3A_191] : memref<10112x64xf32, #tpu.memory_space<vmem_shared>> -> memref<10112x64xf32, #tpu.memory_space<vmem_shared>>
          tpu.wait_indirect_dma semaphore(%run_scoped3A_172 : memref<!tpu.dma_semaphore, #tpu.memory_space<semaphore_mem>>) src(%dma_wait3A_186 : memref<128x64xf32, #tpu.memory_space<vmem>>) dst(%dma_wait3A_192 : memref<10112x64xf32, #tpu.memory_space<vmem_shared>>)
          tpu.yield
        }) : () -> ()
        %add3A_126 = arith.constant 2 : i32
        %add3A_127 = arith.addi %add3A_83, %add3A_126 : i32
        %dma_wait3A_128 = arith.constant 2 : i32
        %dma_wait3A_129 = arith.constant 0 : i32
        %dma_wait3A_130 = arith.constant 0 : i32
        %dma_wait3A_131 = tpu.memref_slice %arg9[%dma_wait3A_128, %dma_wait3A_129, %dma_wait3A_130] : memref<4x128x64xf32, #tpu.memory_space<vmem>> -> memref<1x128x64xf32, #tpu.memory_space<vmem>>
        %dma_wait3A_132 = tpu.memref_squeeze %dma_wait3A_131 : memref<1x128x64xf32, #tpu.memory_space<vmem>> -> memref<128x64xf32, #tpu.memory_space<vmem>>
        %dma_wait3A_133 = arith.constant 0 : i32
        %dma_wait3A_134 = tpu.memref_slice %arg7[%add3A_127, %dma_wait3A_133] : memref<128x128xi32, #tpu.memory_space<vmem>> -> memref<1x128xi32, #tpu.memory_space<vmem>>
        %dma_wait3A_135 = tpu.memref_squeeze %dma_wait3A_134 : memref<1x128xi32, #tpu.memory_space<vmem>> -> memref<128xi32, #tpu.memory_space<vmem>>
        %dma_wait3A_136 = arith.constant 0 : i32
        %dma_wait3A_137 = arith.constant 0 : i32
        %dma_wait3A_138 = tpu.memref_slice %arg2[%dma_wait3A_136, %dma_wait3A_137] : memref<10000x64xf32, #tpu.memory_space<hbm>> -> memref<10000x64xf32, #tpu.memory_space<hbm>>
        tpu.wait_indirect_dma semaphore(%arg12 : memref<!tpu.dma_semaphore, #tpu.memory_space<semaphore_mem>>) src(%dma_wait3A_138 : memref<10000x64xf32, #tpu.memory_space<hbm>>) dst(%dma_wait3A_132 : memref<128x64xf32, #tpu.memory_space<vmem>>)
        %add3A_139 = arith.constant 4 : i32
        %add3A_140 = arith.addi %add3A_127, %add3A_139 : i32
        %sub3A_141 = arith.constant 1 : i32
        %sub3A_142 = arith.subi %add3A_140, %sub3A_141 : i32
        %lt3A_143 = arith.constant 32 : i32
        %lt3A_144 = arith.cmpi slt, %sub3A_142, %lt3A_143 : i32
        %convert_element_type3A_145 = arith.extui %lt3A_144 : i1 to i32
        %cond3A_146 = arith.constant 0 : i32
        %cond3A_147 = arith.cmpi ne, %convert_element_type3A_145, %cond3A_146 : i32
        scf.if %cond3A_147 {
          %add3A_172 = arith.constant 4 : i32
          %add3A_173 = arith.addi %add3A_127, %add3A_172 : i32
          %sub3A_174 = arith.constant 1 : i32
          %sub3A_175 = arith.subi %add3A_173, %sub3A_174 : i32
          %dma_start3A_176 = arith.constant 1 : i32
          %dma_start3A_177 = arith.constant 0 : i32
          %dma_start3A_178 = arith.constant 0 : i32
          %dma_start3A_179 = tpu.memref_slice %arg9[%dma_start3A_176, %dma_start3A_177, %dma_start3A_178] : memref<4x128x64xf32, #tpu.memory_space<vmem>> -> memref<1x128x64xf32, #tpu.memory_space<vmem>>
          %dma_start3A_180 = tpu.memref_squeeze %dma_start3A_179 : memref<1x128x64xf32, #tpu.memory_space<vmem>> -> memref<128x64xf32, #tpu.memory_space<vmem>>
          %dma_start3A_181 = arith.constant 0 : i32
          %dma_start3A_182 = tpu.memref_slice %arg7[%sub3A_175, %dma_start3A_181] : memref<128x128xi32, #tpu.memory_space<vmem>> -> memref<1x128xi32, #tpu.memory_space<vmem>>
          %dma_start3A_183 = tpu.memref_squeeze %dma_start3A_182 : memref<1x128xi32, #tpu.memory_space<vmem>> -> memref<128xi32, #tpu.memory_space<vmem>>
          %dma_start3A_184 = arith.constant 0 : i32
          %dma_start3A_185 = arith.constant 0 : i32
          %dma_start3A_186 = tpu.memref_slice %arg2[%dma_start3A_184, %dma_start3A_185] : memref<10000x64xf32, #tpu.memory_space<hbm>> -> memref<10000x64xf32, #tpu.memory_space<hbm>>
          tpu.enqueue_indirect_dma source(%dma_start3A_186 : memref<10000x64xf32, #tpu.memory_space<hbm>>) target(%dma_start3A_180 : memref<128x64xf32, #tpu.memory_space<vmem>>) offsets(%dma_start3A_183 : memref<128xi32, #tpu.memory_space<vmem>>) semaphore(%arg12 : memref<!tpu.dma_semaphore, #tpu.memory_space<semaphore_mem>>)
        } else {
        }
        %run_scoped3A_148 = arith.constant 2 : i32
        "tpu.region"() ({
          %run_scoped3A_172 = tpu.sem_alloc : memref<!tpu.dma_semaphore, #tpu.memory_space<semaphore_mem>>
          %dma_start3A_173 = arith.constant 0 : i32
          %dma_start3A_174 = arith.constant 0 : i32
          %dma_start3A_175 = tpu.memref_slice %arg9[%run_scoped3A_148, %dma_start3A_173, %dma_start3A_174] : memref<4x128x64xf32, #tpu.memory_space<vmem>> -> memref<1x128x64xf32, #tpu.memory_space<vmem>>
          %dma_start3A_176 = tpu.memref_squeeze %dma_start3A_175 : memref<1x128x64xf32, #tpu.memory_space<vmem>> -> memref<128x64xf32, #tpu.memory_space<vmem>>
          %dma_start3A_177 = arith.constant 0 : i32
          %dma_start3A_178 = tpu.memref_slice %arg8[%add3A_127, %dma_start3A_177] : memref<128x128xi32, #tpu.memory_space<vmem>> -> memref<1x128xi32, #tpu.memory_space<vmem>>
          %dma_start3A_179 = tpu.memref_squeeze %dma_start3A_178 : memref<1x128xi32, #tpu.memory_space<vmem>> -> memref<128xi32, #tpu.memory_space<vmem>>
          %dma_start3A_180 = arith.constant 0 : i32
          %dma_start3A_181 = arith.constant 0 : i32
          %dma_start3A_182 = tpu.memref_slice %arg11[%dma_start3A_180, %dma_start3A_181] : memref<10112x64xf32, #tpu.memory_space<vmem_shared>> -> memref<10112x64xf32, #tpu.memory_space<vmem_shared>>
          tpu.enqueue_indirect_dma source(%dma_start3A_176 : memref<128x64xf32, #tpu.memory_space<vmem>>) target(%dma_start3A_182 : memref<10112x64xf32, #tpu.memory_space<vmem_shared>>) offsets(%dma_start3A_179 : memref<128xi32, #tpu.memory_space<vmem>>) semaphore(%run_scoped3A_172 : memref<!tpu.dma_semaphore, #tpu.memory_space<semaphore_mem>>) {add = true}
          %dma_wait3A_183 = arith.constant 0 : i32
          %dma_wait3A_184 = arith.constant 0 : i32
          %dma_wait3A_185 = tpu.memref_slice %arg9[%run_scoped3A_148, %dma_wait3A_183, %dma_wait3A_184] : memref<4x128x64xf32, #tpu.memory_space<vmem>> -> memref<1x128x64xf32, #tpu.memory_space<vmem>>
          %dma_wait3A_186 = tpu.memref_squeeze %dma_wait3A_185 : memref<1x128x64xf32, #tpu.memory_space<vmem>> -> memref<128x64xf32, #tpu.memory_space<vmem>>
          %dma_wait3A_187 = arith.constant 0 : i32
          %dma_wait3A_188 = tpu.memref_slice %arg8[%add3A_127, %dma_wait3A_187] : memref<128x128xi32, #tpu.memory_space<vmem>> -> memref<1x128xi32, #tpu.memory_space<vmem>>
          %dma_wait3A_189 = tpu.memref_squeeze %dma_wait3A_188 : memref<1x128xi32, #tpu.memory_space<vmem>> -> memref<128xi32, #tpu.memory_space<vmem>>
          %dma_wait3A_190 = arith.constant 0 : i32
          %dma_wait3A_191 = arith.constant 0 : i32
          %dma_wait3A_192 = tpu.memref_slice %arg11[%dma_wait3A_190, %dma_wait3A_191] : memref<10112x64xf32, #tpu.memory_space<vmem_shared>> -> memref<10112x64xf32, #tpu.memory_space<vmem_shared>>
          tpu.wait_indirect_dma semaphore(%run_scoped3A_172 : memref<!tpu.dma_semaphore, #tpu.memory_space<semaphore_mem>>) src(%dma_wait3A_186 : memref<128x64xf32, #tpu.memory_space<vmem>>) dst(%dma_wait3A_192 : memref<10112x64xf32, #tpu.memory_space<vmem_shared>>)
          tpu.yield
        }) : () -> ()
        %add3A_149 = arith.constant 3 : i32
        %add3A_150 = arith.addi %add3A_83, %add3A_149 : i32
        %dma_wait3A_151 = arith.constant 3 : i32
        %dma_wait3A_152 = arith.constant 0 : i32
        %dma_wait3A_153 = arith.constant 0 : i32
        %dma_wait3A_154 = tpu.memref_slice %arg9[%dma_wait3A_151, %dma_wait3A_152, %dma_wait3A_153] : memref<4x128x64xf32, #tpu.memory_space<vmem>> -> memref<1x128x64xf32, #tpu.memory_space<vmem>>
        %dma_wait3A_155 = tpu.memref_squeeze %dma_wait3A_154 : memref<1x128x64xf32, #tpu.memory_space<vmem>> -> memref<128x64xf32, #tpu.memory_space<vmem>>
        %dma_wait3A_156 = arith.constant 0 : i32
        %dma_wait3A_157 = tpu.memref_slice %arg7[%add3A_150, %dma_wait3A_156] : memref<128x128xi32, #tpu.memory_space<vmem>> -> memref<1x128xi32, #tpu.memory_space<vmem>>
        %dma_wait3A_158 = tpu.memref_squeeze %dma_wait3A_157 : memref<1x128xi32, #tpu.memory_space<vmem>> -> memref<128xi32, #tpu.memory_space<vmem>>
        %dma_wait3A_159 = arith.constant 0 : i32
        %dma_wait3A_160 = arith.constant 0 : i32
        %dma_wait3A_161 = tpu.memref_slice %arg2[%dma_wait3A_159, %dma_wait3A_160] : memref<10000x64xf32, #tpu.memory_space<hbm>> -> memref<10000x64xf32, #tpu.memory_space<hbm>>
        tpu.wait_indirect_dma semaphore(%arg12 : memref<!tpu.dma_semaphore, #tpu.memory_space<semaphore_mem>>) src(%dma_wait3A_161 : memref<10000x64xf32, #tpu.memory_space<hbm>>) dst(%dma_wait3A_155 : memref<128x64xf32, #tpu.memory_space<vmem>>)
        %add3A_162 = arith.constant 4 : i32
        %add3A_163 = arith.addi %add3A_150, %add3A_162 : i32
        %sub3A_164 = arith.constant 1 : i32
        %sub3A_165 = arith.subi %add3A_163, %sub3A_164 : i32
        %lt3A_166 = arith.constant 32 : i32
        %lt3A_167 = arith.cmpi slt, %sub3A_165, %lt3A_166 : i32
        %convert_element_type3A_168 = arith.extui %lt3A_167 : i1 to i32
        %cond3A_169 = arith.constant 0 : i32
        %cond3A_170 = arith.cmpi ne, %convert_element_type3A_168, %cond3A_169 : i32
        scf.if %cond3A_170 {
          %add3A_172 = arith.constant 4 : i32
          %add3A_173 = arith.addi %add3A_150, %add3A_172 : i32
          %sub3A_174 = arith.constant 1 : i32
          %sub3A_175 = arith.subi %add3A_173, %sub3A_174 : i32
          %dma_start3A_176 = arith.constant 2 : i32
          %dma_start3A_177 = arith.constant 0 : i32
          %dma_start3A_178 = arith.constant 0 : i32
          %dma_start3A_179 = tpu.memref_slice %arg9[%dma_start3A_176, %dma_start3A_177, %dma_start3A_178] : memref<4x128x64xf32, #tpu.memory_space<vmem>> -> memref<1x128x64xf32, #tpu.memory_space<vmem>>
          %dma_start3A_180 = tpu.memref_squeeze %dma_start3A_179 : memref<1x128x64xf32, #tpu.memory_space<vmem>> -> memref<128x64xf32, #tpu.memory_space<vmem>>
          %dma_start3A_181 = arith.constant 0 : i32
          %dma_start3A_182 = tpu.memref_slice %arg7[%sub3A_175, %dma_start3A_181] : memref<128x128xi32, #tpu.memory_space<vmem>> -> memref<1x128xi32, #tpu.memory_space<vmem>>
          %dma_start3A_183 = tpu.memref_squeeze %dma_start3A_182 : memref<1x128xi32, #tpu.memory_space<vmem>> -> memref<128xi32, #tpu.memory_space<vmem>>
          %dma_start3A_184 = arith.constant 0 : i32
          %dma_start3A_185 = arith.constant 0 : i32
          %dma_start3A_186 = tpu.memref_slice %arg2[%dma_start3A_184, %dma_start3A_185] : memref<10000x64xf32, #tpu.memory_space<hbm>> -> memref<10000x64xf32, #tpu.memory_space<hbm>>
          tpu.enqueue_indirect_dma source(%dma_start3A_186 : memref<10000x64xf32, #tpu.memory_space<hbm>>) target(%dma_start3A_180 : memref<128x64xf32, #tpu.memory_space<vmem>>) offsets(%dma_start3A_183 : memref<128xi32, #tpu.memory_space<vmem>>) semaphore(%arg12 : memref<!tpu.dma_semaphore, #tpu.memory_space<semaphore_mem>>)
        } else {
        }
        %run_scoped3A_171 = arith.constant 3 : i32
        "tpu.region"() ({
          %run_scoped3A_172 = tpu.sem_alloc : memref<!tpu.dma_semaphore, #tpu.memory_space<semaphore_mem>>
          %dma_start3A_173 = arith.constant 0 : i32
          %dma_start3A_174 = arith.constant 0 : i32
          %dma_start3A_175 = tpu.memref_slice %arg9[%run_scoped3A_171, %dma_start3A_173, %dma_start3A_174] : memref<4x128x64xf32, #tpu.memory_space<vmem>> -> memref<1x128x64xf32, #tpu.memory_space<vmem>>
          %dma_start3A_176 = tpu.memref_squeeze %dma_start3A_175 : memref<1x128x64xf32, #tpu.memory_space<vmem>> -> memref<128x64xf32, #tpu.memory_space<vmem>>
          %dma_start3A_177 = arith.constant 0 : i32
          %dma_start3A_178 = tpu.memref_slice %arg8[%add3A_150, %dma_start3A_177] : memref<128x128xi32, #tpu.memory_space<vmem>> -> memref<1x128xi32, #tpu.memory_space<vmem>>
          %dma_start3A_179 = tpu.memref_squeeze %dma_start3A_178 : memref<1x128xi32, #tpu.memory_space<vmem>> -> memref<128xi32, #tpu.memory_space<vmem>>
          %dma_start3A_180 = arith.constant 0 : i32
          %dma_start3A_181 = arith.constant 0 : i32
          %dma_start3A_182 = tpu.memref_slice %arg11[%dma_start3A_180, %dma_start3A_181] : memref<10112x64xf32, #tpu.memory_space<vmem_shared>> -> memref<10112x64xf32, #tpu.memory_space<vmem_shared>>
          tpu.enqueue_indirect_dma source(%dma_start3A_176 : memref<128x64xf32, #tpu.memory_space<vmem>>) target(%dma_start3A_182 : memref<10112x64xf32, #tpu.memory_space<vmem_shared>>) offsets(%dma_start3A_179 : memref<128xi32, #tpu.memory_space<vmem>>) semaphore(%run_scoped3A_172 : memref<!tpu.dma_semaphore, #tpu.memory_space<semaphore_mem>>) {add = true}
          %dma_wait3A_183 = arith.constant 0 : i32
          %dma_wait3A_184 = arith.constant 0 : i32
          %dma_wait3A_185 = tpu.memref_slice %arg9[%run_scoped3A_171, %dma_wait3A_183, %dma_wait3A_184] : memref<4x128x64xf32, #tpu.memory_space<vmem>> -> memref<1x128x64xf32, #tpu.memory_space<vmem>>
          %dma_wait3A_186 = tpu.memref_squeeze %dma_wait3A_185 : memref<1x128x64xf32, #tpu.memory_space<vmem>> -> memref<128x64xf32, #tpu.memory_space<vmem>>
          %dma_wait3A_187 = arith.constant 0 : i32
          %dma_wait3A_188 = tpu.memref_slice %arg8[%add3A_150, %dma_wait3A_187] : memref<128x128xi32, #tpu.memory_space<vmem>> -> memref<1x128xi32, #tpu.memory_space<vmem>>
          %dma_wait3A_189 = tpu.memref_squeeze %dma_wait3A_188 : memref<1x128xi32, #tpu.memory_space<vmem>> -> memref<128xi32, #tpu.memory_space<vmem>>
          %dma_wait3A_190 = arith.constant 0 : i32
          %dma_wait3A_191 = arith.constant 0 : i32
          %dma_wait3A_192 = tpu.memref_slice %arg11[%dma_wait3A_190, %dma_wait3A_191] : memref<10112x64xf32, #tpu.memory_space<vmem_shared>> -> memref<10112x64xf32, #tpu.memory_space<vmem_shared>>
          tpu.wait_indirect_dma semaphore(%run_scoped3A_172 : memref<!tpu.dma_semaphore, #tpu.memory_space<semaphore_mem>>) src(%dma_wait3A_186 : memref<128x64xf32, #tpu.memory_space<vmem>>) dst(%dma_wait3A_192 : memref<10112x64xf32, #tpu.memory_space<vmem_shared>>)
          tpu.yield
        }) : () -> ()
      }
      %scan3A_78 = arith.constant 8 : i32
    } else {
    }
    %barrier3A_58 = arith.constant 0 : index
    tpu.barrier barrier_id(%barrier3A_58)
    %mul3A_59 = arith.constant 632 : i32
    %mul3A_60 = arith.muli %arg1, %mul3A_59 : i32
    %add3A_61 = arith.constant 0 : i32
    %add3A_62 = arith.addi %mul3A_60, %add3A_61 : i32
    "tpu.region"() ({
      %run_scoped3A = tpu.sem_alloc : memref<!tpu.dma_semaphore, #tpu.memory_space<semaphore_mem>>
      %dma_start3A_75 = arith.constant 0 : i32
      %dma_start3A_76 = tpu.memref_slice %arg11[%add3A_62, %dma_start3A_75] : memref<10112x64xf32, #tpu.memory_space<vmem_shared>> -> memref<316x64xf32, #tpu.memory_space<vmem_shared>>
      %dma_start3A_77 = arith.constant 0 : i32
      %dma_start3A_78 = tpu.memref_slice %arg11[%add3A_62, %dma_start3A_77] : memref<10112x64xf32, #tpu.memory_space<vmem_shared>> -> memref<316x64xf32, #tpu.memory_space<vmem_shared>>
      tpu.enqueue_dma source(%dma_start3A_78 : memref<316x64xf32, #tpu.memory_space<vmem_shared>>) target(%arg10 : memref<316x64xf32, #tpu.memory_space<vmem>>) target_semaphore(%run_scoped3A : memref<!tpu.dma_semaphore, #tpu.memory_space<semaphore_mem>>)
      %dma_wait3A = arith.constant 0 : i32
      %dma_wait3A_79 = tpu.memref_slice %arg11[%add3A_62, %dma_wait3A] : memref<10112x64xf32, #tpu.memory_space<vmem_shared>> -> memref<316x64xf32, #tpu.memory_space<vmem_shared>>
      %dma_wait3A_80 = arith.constant 0 : i32
      %dma_wait3A_81 = tpu.memref_slice %arg11[%add3A_62, %dma_wait3A_80] : memref<10112x64xf32, #tpu.memory_space<vmem_shared>> -> memref<316x64xf32, #tpu.memory_space<vmem_shared>>
      tpu.wait_dma2 semaphore(%run_scoped3A : memref<!tpu.dma_semaphore, #tpu.memory_space<semaphore_mem>>) src(%dma_wait3A_81 : memref<316x64xf32, #tpu.memory_space<vmem_shared>>) dst(%arg10 : memref<316x64xf32, #tpu.memory_space<vmem>>)
      tpu.yield
    }) : () -> ()
    %mul3A_63 = arith.constant 632 : i32
    %mul3A_64 = arith.muli %arg1, %mul3A_63 : i32
    %add3A_65 = arith.constant 0 : i32
    %add3A_66 = arith.addi %mul3A_64, %add3A_65 : i32
    "tpu.region"() ({
      %run_scoped3A = tpu.sem_alloc : memref<!tpu.dma_semaphore, #tpu.memory_space<semaphore_mem>>
      %dma_start3A_75 = arith.constant 0 : i32
      %dma_start3A_76 = tpu.memref_slice %arg6[%arg0, %add3A_66, %dma_start3A_75] : memref<2x10112x64xf32, #tpu.memory_space<hbm>> -> memref<1x316x64xf32, #tpu.memory_space<hbm>>
      %dma_start3A_77 = tpu.memref_squeeze %dma_start3A_76 : memref<1x316x64xf32, #tpu.memory_space<hbm>> -> memref<316x64xf32, #tpu.memory_space<hbm>>
      %dma_start3A_78 = arith.constant 0 : i32
      %dma_start3A_79 = tpu.memref_slice %arg6[%arg0, %add3A_66, %dma_start3A_78] : memref<2x10112x64xf32, #tpu.memory_space<hbm>> -> memref<1x316x64xf32, #tpu.memory_space<hbm>>
      %dma_start3A_80 = tpu.memref_squeeze %dma_start3A_79 : memref<1x316x64xf32, #tpu.memory_space<hbm>> -> memref<316x64xf32, #tpu.memory_space<hbm>>
      tpu.enqueue_dma source(%arg10 : memref<316x64xf32, #tpu.memory_space<vmem>>) target(%dma_start3A_80 : memref<316x64xf32, #tpu.memory_space<hbm>>) target_semaphore(%run_scoped3A : memref<!tpu.dma_semaphore, #tpu.memory_space<semaphore_mem>>)
      %dma_wait3A = arith.constant 0 : i32
      %dma_wait3A_81 = tpu.memref_slice %arg6[%arg0, %add3A_66, %dma_wait3A] : memref<2x10112x64xf32, #tpu.memory_space<hbm>> -> memref<1x316x64xf32, #tpu.memory_space<hbm>>
      %dma_wait3A_82 = tpu.memref_squeeze %dma_wait3A_81 : memref<1x316x64xf32, #tpu.memory_space<hbm>> -> memref<316x64xf32, #tpu.memory_space<hbm>>
      %dma_wait3A_83 = arith.constant 0 : i32
      %dma_wait3A_84 = tpu.memref_slice %arg6[%arg0, %add3A_66, %dma_wait3A_83] : memref<2x10112x64xf32, #tpu.memory_space<hbm>> -> memref<1x316x64xf32, #tpu.memory_space<hbm>>
      %dma_wait3A_85 = tpu.memref_squeeze %dma_wait3A_84 : memref<1x316x64xf32, #tpu.memory_space<hbm>> -> memref<316x64xf32, #tpu.memory_space<hbm>>
      tpu.wait_dma2 semaphore(%run_scoped3A : memref<!tpu.dma_semaphore, #tpu.memory_space<semaphore_mem>>) src(%arg10 : memref<316x64xf32, #tpu.memory_space<vmem>>) dst(%dma_wait3A_85 : memref<316x64xf32, #tpu.memory_space<hbm>>)
      tpu.yield
    }) : () -> ()
    %mul3A_67 = arith.constant 632 : i32
    %mul3A_68 = arith.muli %arg1, %mul3A_67 : i32
    %add3A_69 = arith.constant 316 : i32
    %add3A_70 = arith.addi %mul3A_68, %add3A_69 : i32
    "tpu.region"() ({
      %run_scoped3A = tpu.sem_alloc : memref<!tpu.dma_semaphore, #tpu.memory_space<semaphore_mem>>
      %dma_start3A_75 = arith.constant 0 : i32
      %dma_start3A_76 = tpu.memref_slice %arg11[%add3A_70, %dma_start3A_75] : memref<10112x64xf32, #tpu.memory_space<vmem_shared>> -> memref<316x64xf32, #tpu.memory_space<vmem_shared>>
      %dma_start3A_77 = arith.constant 0 : i32
      %dma_start3A_78 = tpu.memref_slice %arg11[%add3A_70, %dma_start3A_77] : memref<10112x64xf32, #tpu.memory_space<vmem_shared>> -> memref<316x64xf32, #tpu.memory_space<vmem_shared>>
      tpu.enqueue_dma source(%dma_start3A_78 : memref<316x64xf32, #tpu.memory_space<vmem_shared>>) target(%arg10 : memref<316x64xf32, #tpu.memory_space<vmem>>) target_semaphore(%run_scoped3A : memref<!tpu.dma_semaphore, #tpu.memory_space<semaphore_mem>>)
      %dma_wait3A = arith.constant 0 : i32
      %dma_wait3A_79 = tpu.memref_slice %arg11[%add3A_70, %dma_wait3A] : memref<10112x64xf32, #tpu.memory_space<vmem_shared>> -> memref<316x64xf32, #tpu.memory_space<vmem_shared>>
      %dma_wait3A_80 = arith.constant 0 : i32
      %dma_wait3A_81 = tpu.memref_slice %arg11[%add3A_70, %dma_wait3A_80] : memref<10112x64xf32, #tpu.memory_space<vmem_shared>> -> memref<316x64xf32, #tpu.memory_space<vmem_shared>>
      tpu.wait_dma2 semaphore(%run_scoped3A : memref<!tpu.dma_semaphore, #tpu.memory_space<semaphore_mem>>) src(%dma_wait3A_81 : memref<316x64xf32, #tpu.memory_space<vmem_shared>>) dst(%arg10 : memref<316x64xf32, #tpu.memory_space<vmem>>)
      tpu.yield
    }) : () -> ()
    %mul3A_71 = arith.constant 632 : i32
    %mul3A_72 = arith.muli %arg1, %mul3A_71 : i32
    %add3A_73 = arith.constant 316 : i32
    %add3A_74 = arith.addi %mul3A_72, %add3A_73 : i32
    "tpu.region"() ({
      %run_scoped3A = tpu.sem_alloc : memref<!tpu.dma_semaphore, #tpu.memory_space<semaphore_mem>>
      %dma_start3A_75 = arith.constant 0 : i32
      %dma_start3A_76 = tpu.memref_slice %arg6[%arg0, %add3A_74, %dma_start3A_75] : memref<2x10112x64xf32, #tpu.memory_space<hbm>> -> memref<1x316x64xf32, #tpu.memory_space<hbm>>
      %dma_start3A_77 = tpu.memref_squeeze %dma_start3A_76 : memref<1x316x64xf32, #tpu.memory_space<hbm>> -> memref<316x64xf32, #tpu.memory_space<hbm>>
      %dma_start3A_78 = arith.constant 0 : i32
      %dma_start3A_79 = tpu.memref_slice %arg6[%arg0, %add3A_74, %dma_start3A_78] : memref<2x10112x64xf32, #tpu.memory_space<hbm>> -> memref<1x316x64xf32, #tpu.memory_space<hbm>>
      %dma_start3A_80 = tpu.memref_squeeze %dma_start3A_79 : memref<1x316x64xf32, #tpu.memory_space<hbm>> -> memref<316x64xf32, #tpu.memory_space<hbm>>
      tpu.enqueue_dma source(%arg10 : memref<316x64xf32, #tpu.memory_space<vmem>>) target(%dma_start3A_80 : memref<316x64xf32, #tpu.memory_space<hbm>>) target_semaphore(%run_scoped3A : memref<!tpu.dma_semaphore, #tpu.memory_space<semaphore_mem>>)
      %dma_wait3A = arith.constant 0 : i32
      %dma_wait3A_81 = tpu.memref_slice %arg6[%arg0, %add3A_74, %dma_wait3A] : memref<2x10112x64xf32, #tpu.memory_space<hbm>> -> memref<1x316x64xf32, #tpu.memory_space<hbm>>
      %dma_wait3A_82 = tpu.memref_squeeze %dma_wait3A_81 : memref<1x316x64xf32, #tpu.memory_space<hbm>> -> memref<316x64xf32, #tpu.memory_space<hbm>>
      %dma_wait3A_83 = arith.constant 0 : i32
      %dma_wait3A_84 = tpu.memref_slice %arg6[%arg0, %add3A_74, %dma_wait3A_83] : memref<2x10112x64xf32, #tpu.memory_space<hbm>> -> memref<1x316x64xf32, #tpu.memory_space<hbm>>
      %dma_wait3A_85 = tpu.memref_squeeze %dma_wait3A_84 : memref<1x316x64xf32, #tpu.memory_space<hbm>> -> memref<316x64xf32, #tpu.memory_space<hbm>>
      tpu.wait_dma2 semaphore(%run_scoped3A : memref<!tpu.dma_semaphore, #tpu.memory_space<semaphore_mem>>) src(%arg10 : memref<316x64xf32, #tpu.memory_space<vmem>>) dst(%dma_wait3A_85 : memref<316x64xf32, #tpu.memory_space<hbm>>)
      tpu.yield
    }) : () -> ()
    return
  }
}

#map = affine_map<(d0, d1) -> (0, 0)>
#map1 = affine_map<(d0, d1) -> (0, 0, 0)>
module attributes {stable_mosaic.version = 14 : i64} {
  func.func @agg_kernel(%arg0: i32, %arg1: i32, %arg2: memref<10000x64xf32, #tpu.memory_space<hbm>>, %arg3: memref<16x160x128xi32, #tpu.memory_space<hbm>>, %arg4: memref<16x160x128xi32, #tpu.memory_space<hbm>>, %arg5: memref<316x64xf32, #tpu.memory_space<hbm>>, %arg6: memref<2x10112x64xf32, #tpu.memory_space<hbm>>, %arg7: memref<128x128xi32, #tpu.memory_space<vmem>>, %arg8: memref<128x128xi32, #tpu.memory_space<vmem>>, %arg9: memref<4x128x64xf32, #tpu.memory_space<vmem>>, %arg10: memref<316x64xf32, #tpu.memory_space<vmem>>, %arg11: memref<10112x64xf32, #tpu.memory_space<vmem_shared>>, %arg12: memref<!tpu.dma_semaphore, #tpu.memory_space<semaphore_mem>>) attributes {dimension_semantics = [#tpu.dimension_semantics<core_parallel>, #tpu.dimension_semantics<subcore_parallel>], iteration_bounds = array<i64: 2, 16>, scalar_prefetch = 0 : i64, scratch_operands = 6 : i64, tpu.core_type = #tpu.core_type<sc_vector_subcore>, window_params = [{transform_indices = #map}, {transform_indices = #map1}, {transform_indices = #map1}, {transform_indices = #map}, {transform_indices = #map1}]} {
    %eq3A = arith.constant 0 : i32
    %eq3A_0 = arith.cmpi eq, %arg0, %eq3A : i32
    %convert_element_type3A = arith.extui %eq3A_0 : i1 to i32
    %cond3A = arith.constant 0 : i32
    %cond3A_1 = arith.cmpi ne, %convert_element_type3A, %cond3A : i32
    scf.if %cond3A_1 {
      "tpu.region"() ({
        %run_scoped3A = tpu.sem_alloc : memref<!tpu.dma_semaphore, #tpu.memory_space<semaphore_mem>>
        %dma_start3A_75 = arith.constant 0 : i32
        %dma_start3A_76 = arith.constant 0 : i32
        %dma_start3A_77 = tpu.memref_slice %arg7[%dma_start3A_75, %dma_start3A_76] : memref<128x128xi32, #tpu.memory_space<vmem>> -> memref<128x128xi32, #tpu.memory_space<vmem>>
        %dma_start3A_78 = arith.constant 0 : i32
        %dma_start3A_79 = arith.constant 0 : i32
        %dma_start3A_80 = tpu.memref_slice %arg3[%arg1, %dma_start3A_78, %dma_start3A_79] : memref<16x160x128xi32, #tpu.memory_space<hbm>> -> memref<1x128x128xi32, #tpu.memory_space<hbm>>
        %dma_start3A_81 = tpu.memref_squeeze %dma_start3A_80 : memref<1x128x128xi32, #tpu.memory_space<hbm>> -> memref<128x128xi32, #tpu.memory_space<hbm>>
        %dma_start3A_82 = arith.constant 0 : i32
        %dma_start3A_83 = arith.constant 0 : i32
        %dma_start3A_84 = tpu.memref_slice %arg7[%dma_start3A_82, %dma_start3A_83] : memref<128x128xi32, #tpu.memory_space<vmem>> -> memref<128x128xi32, #tpu.memory_space<vmem>>
        %dma_start3A_85 = arith.constant 0 : i32
        %dma_start3A_86 = arith.constant 0 : i32
        %dma_start3A_87 = tpu.memref_slice %arg3[%arg1, %dma_start3A_85, %dma_start3A_86] : memref<16x160x128xi32, #tpu.memory_space<hbm>> -> memref<1x128x128xi32, #tpu.memory_space<hbm>>
        %dma_start3A_88 = tpu.memref_squeeze %dma_start3A_87 : memref<1x128x128xi32, #tpu.memory_space<hbm>> -> memref<128x128xi32, #tpu.memory_space<hbm>>
        tpu.enqueue_dma source(%dma_start3A_88 : memref<128x128xi32, #tpu.memory_space<hbm>>) target(%dma_start3A_84 : memref<128x128xi32, #tpu.memory_space<vmem>>) target_semaphore(%run_scoped3A : memref<!tpu.dma_semaphore, #tpu.memory_space<semaphore_mem>>)
        %dma_wait3A = arith.constant 0 : i32
        %dma_wait3A_89 = arith.constant 0 : i32
        %dma_wait3A_90 = tpu.memref_slice %arg7[%dma_wait3A, %dma_wait3A_89] : memref<128x128xi32, #tpu.memory_space<vmem>> -> memref<128x128xi32, #tpu.memory_space<vmem>>
        %dma_wait3A_91 = arith.constant 0 : i32
        %dma_wait3A_92 = arith.constant 0 : i32
        %dma_wait3A_93 = tpu.memref_slice %arg3[%arg1, %dma_wait3A_91, %dma_wait3A_92] : memref<16x160x128xi32, #tpu.memory_space<hbm>> -> memref<1x128x128xi32, #tpu.memory_space<hbm>>
        %dma_wait3A_94 = tpu.memref_squeeze %dma_wait3A_93 : memref<1x128x128xi32, #tpu.memory_space<hbm>> -> memref<128x128xi32, #tpu.memory_space<hbm>>
        %dma_wait3A_95 = arith.constant 0 : i32
        %dma_wait3A_96 = arith.constant 0 : i32
        %dma_wait3A_97 = tpu.memref_slice %arg7[%dma_wait3A_95, %dma_wait3A_96] : memref<128x128xi32, #tpu.memory_space<vmem>> -> memref<128x128xi32, #tpu.memory_space<vmem>>
        %dma_wait3A_98 = arith.constant 0 : i32
        %dma_wait3A_99 = arith.constant 0 : i32
        %dma_wait3A_100 = tpu.memref_slice %arg3[%arg1, %dma_wait3A_98, %dma_wait3A_99] : memref<16x160x128xi32, #tpu.memory_space<hbm>> -> memref<1x128x128xi32, #tpu.memory_space<hbm>>
        %dma_wait3A_101 = tpu.memref_squeeze %dma_wait3A_100 : memref<1x128x128xi32, #tpu.memory_space<hbm>> -> memref<128x128xi32, #tpu.memory_space<hbm>>
        tpu.wait_dma2 semaphore(%run_scoped3A : memref<!tpu.dma_semaphore, #tpu.memory_space<semaphore_mem>>) src(%dma_wait3A_101 : memref<128x128xi32, #tpu.memory_space<hbm>>) dst(%dma_wait3A_97 : memref<128x128xi32, #tpu.memory_space<vmem>>)
        tpu.yield
      }) : () -> ()
      "tpu.region"() ({
        %run_scoped3A = tpu.sem_alloc : memref<!tpu.dma_semaphore, #tpu.memory_space<semaphore_mem>>
        %dma_start3A_75 = arith.constant 0 : i32
        %dma_start3A_76 = arith.constant 0 : i32
        %dma_start3A_77 = tpu.memref_slice %arg8[%dma_start3A_75, %dma_start3A_76] : memref<128x128xi32, #tpu.memory_space<vmem>> -> memref<128x128xi32, #tpu.memory_space<vmem>>
        %dma_start3A_78 = arith.constant 0 : i32
        %dma_start3A_79 = arith.constant 0 : i32
        %dma_start3A_80 = tpu.memref_slice %arg4[%arg1, %dma_start3A_78, %dma_start3A_79] : memref<16x160x128xi32, #tpu.memory_space<hbm>> -> memref<1x128x128xi32, #tpu.memory_space<hbm>>
        %dma_start3A_81 = tpu.memref_squeeze %dma_start3A_80 : memref<1x128x128xi32, #tpu.memory_space<hbm>> -> memref<128x128xi32, #tpu.memory_space<hbm>>
        %dma_start3A_82 = arith.constant 0 : i32
        %dma_start3A_83 = arith.constant 0 : i32
        %dma_start3A_84 = tpu.memref_slice %arg8[%dma_start3A_82, %dma_start3A_83] : memref<128x128xi32, #tpu.memory_space<vmem>> -> memref<128x128xi32, #tpu.memory_space<vmem>>
        %dma_start3A_85 = arith.constant 0 : i32
        %dma_start3A_86 = arith.constant 0 : i32
        %dma_start3A_87 = tpu.memref_slice %arg4[%arg1, %dma_start3A_85, %dma_start3A_86] : memref<16x160x128xi32, #tpu.memory_space<hbm>> -> memref<1x128x128xi32, #tpu.memory_space<hbm>>
        %dma_start3A_88 = tpu.memref_squeeze %dma_start3A_87 : memref<1x128x128xi32, #tpu.memory_space<hbm>> -> memref<128x128xi32, #tpu.memory_space<hbm>>
        tpu.enqueue_dma source(%dma_start3A_88 : memref<128x128xi32, #tpu.memory_space<hbm>>) target(%dma_start3A_84 : memref<128x128xi32, #tpu.memory_space<vmem>>) target_semaphore(%run_scoped3A : memref<!tpu.dma_semaphore, #tpu.memory_space<semaphore_mem>>)
        %dma_wait3A = arith.constant 0 : i32
        %dma_wait3A_89 = arith.constant 0 : i32
        %dma_wait3A_90 = tpu.memref_slice %arg8[%dma_wait3A, %dma_wait3A_89] : memref<128x128xi32, #tpu.memory_space<vmem>> -> memref<128x128xi32, #tpu.memory_space<vmem>>
        %dma_wait3A_91 = arith.constant 0 : i32
        %dma_wait3A_92 = arith.constant 0 : i32
        %dma_wait3A_93 = tpu.memref_slice %arg4[%arg1, %dma_wait3A_91, %dma_wait3A_92] : memref<16x160x128xi32, #tpu.memory_space<hbm>> -> memref<1x128x128xi32, #tpu.memory_space<hbm>>
        %dma_wait3A_94 = tpu.memref_squeeze %dma_wait3A_93 : memref<1x128x128xi32, #tpu.memory_space<hbm>> -> memref<128x128xi32, #tpu.memory_space<hbm>>
        %dma_wait3A_95 = arith.constant 0 : i32
        %dma_wait3A_96 = arith.constant 0 : i32
        %dma_wait3A_97 = tpu.memref_slice %arg8[%dma_wait3A_95, %dma_wait3A_96] : memref<128x128xi32, #tpu.memory_space<vmem>> -> memref<128x128xi32, #tpu.memory_space<vmem>>
        %dma_wait3A_98 = arith.constant 0 : i32
        %dma_wait3A_99 = arith.constant 0 : i32
        %dma_wait3A_100 = tpu.memref_slice %arg4[%arg1, %dma_wait3A_98, %dma_wait3A_99] : memref<16x160x128xi32, #tpu.memory_space<hbm>> -> memref<1x128x128xi32, #tpu.memory_space<hbm>>
        %dma_wait3A_101 = tpu.memref_squeeze %dma_wait3A_100 : memref<1x128x128xi32, #tpu.memory_space<hbm>> -> memref<128x128xi32, #tpu.memory_space<hbm>>
        tpu.wait_dma2 semaphore(%run_scoped3A : memref<!tpu.dma_semaphore, #tpu.memory_space<semaphore_mem>>) src(%dma_wait3A_101 : memref<128x128xi32, #tpu.memory_space<hbm>>) dst(%dma_wait3A_97 : memref<128x128xi32, #tpu.memory_space<vmem>>)
        tpu.yield
      }) : () -> ()
    } else {
    }
    %eq3A_2 = arith.constant 1 : i32
    %eq3A_3 = arith.cmpi eq, %arg0, %eq3A_2 : i32
    %convert_element_type3A_4 = arith.extui %eq3A_3 : i1 to i32
    %cond3A_5 = arith.constant 0 : i32
    %cond3A_6 = arith.cmpi ne, %convert_element_type3A_4, %cond3A_5 : i32
    scf.if %cond3A_6 {
      "tpu.region"() ({
        %run_scoped3A = tpu.sem_alloc : memref<!tpu.dma_semaphore, #tpu.memory_space<semaphore_mem>>
        %dma_start3A_75 = arith.constant 0 : i32
        %dma_start3A_76 = arith.constant 0 : i32
        %dma_start3A_77 = tpu.memref_slice %arg7[%dma_start3A_75, %dma_start3A_76] : memref<128x128xi32, #tpu.memory_space<vmem>> -> memref<32x128xi32, #tpu.memory_space<vmem>>
        %dma_start3A_78 = arith.constant 128 : i32
        %dma_start3A_79 = arith.constant 0 : i32
        %dma_start3A_80 = tpu.memref_slice %arg3[%arg1, %dma_start3A_78, %dma_start3A_79] : memref<16x160x128xi32, #tpu.memory_space<hbm>> -> memref<1x32x128xi32, #tpu.memory_space<hbm>>
        %dma_start3A_81 = tpu.memref_squeeze %dma_start3A_80 : memref<1x32x128xi32, #tpu.memory_space<hbm>> -> memref<32x128xi32, #tpu.memory_space<hbm>>
        %dma_start3A_82 = arith.constant 0 : i32
        %dma_start3A_83 = arith.constant 0 : i32
        %dma_start3A_84 = tpu.memref_slice %arg7[%dma_start3A_82, %dma_start3A_83] : memref<128x128xi32, #tpu.memory_space<vmem>> -> memref<32x128xi32, #tpu.memory_space<vmem>>
        %dma_start3A_85 = arith.constant 128 : i32
        %dma_start3A_86 = arith.constant 0 : i32
        %dma_start3A_87 = tpu.memref_slice %arg3[%arg1, %dma_start3A_85, %dma_start3A_86] : memref<16x160x128xi32, #tpu.memory_space<hbm>> -> memref<1x32x128xi32, #tpu.memory_space<hbm>>
        %dma_start3A_88 = tpu.memref_squeeze %dma_start3A_87 : memref<1x32x128xi32, #tpu.memory_space<hbm>> -> memref<32x128xi32, #tpu.memory_space<hbm>>
        tpu.enqueue_dma source(%dma_start3A_88 : memref<32x128xi32, #tpu.memory_space<hbm>>) target(%dma_start3A_84 : memref<32x128xi32, #tpu.memory_space<vmem>>) target_semaphore(%run_scoped3A : memref<!tpu.dma_semaphore, #tpu.memory_space<semaphore_mem>>)
        %dma_wait3A = arith.constant 0 : i32
        %dma_wait3A_89 = arith.constant 0 : i32
        %dma_wait3A_90 = tpu.memref_slice %arg7[%dma_wait3A, %dma_wait3A_89] : memref<128x128xi32, #tpu.memory_space<vmem>> -> memref<32x128xi32, #tpu.memory_space<vmem>>
        %dma_wait3A_91 = arith.constant 128 : i32
        %dma_wait3A_92 = arith.constant 0 : i32
        %dma_wait3A_93 = tpu.memref_slice %arg3[%arg1, %dma_wait3A_91, %dma_wait3A_92] : memref<16x160x128xi32, #tpu.memory_space<hbm>> -> memref<1x32x128xi32, #tpu.memory_space<hbm>>
        %dma_wait3A_94 = tpu.memref_squeeze %dma_wait3A_93 : memref<1x32x128xi32, #tpu.memory_space<hbm>> -> memref<32x128xi32, #tpu.memory_space<hbm>>
        %dma_wait3A_95 = arith.constant 0 : i32
        %dma_wait3A_96 = arith.constant 0 : i32
        %dma_wait3A_97 = tpu.memref_slice %arg7[%dma_wait3A_95, %dma_wait3A_96] : memref<128x128xi32, #tpu.memory_space<vmem>> -> memref<32x128xi32, #tpu.memory_space<vmem>>
        %dma_wait3A_98 = arith.constant 128 : i32
        %dma_wait3A_99 = arith.constant 0 : i32
        %dma_wait3A_100 = tpu.memref_slice %arg3[%arg1, %dma_wait3A_98, %dma_wait3A_99] : memref<16x160x128xi32, #tpu.memory_space<hbm>> -> memref<1x32x128xi32, #tpu.memory_space<hbm>>
        %dma_wait3A_101 = tpu.memref_squeeze %dma_wait3A_100 : memref<1x32x128xi32, #tpu.memory_space<hbm>> -> memref<32x128xi32, #tpu.memory_space<hbm>>
        tpu.wait_dma2 semaphore(%run_scoped3A : memref<!tpu.dma_semaphore, #tpu.memory_space<semaphore_mem>>) src(%dma_wait3A_101 : memref<32x128xi32, #tpu.memory_space<hbm>>) dst(%dma_wait3A_97 : memref<32x128xi32, #tpu.memory_space<vmem>>)
        tpu.yield
      }) : () -> ()
      "tpu.region"() ({
        %run_scoped3A = tpu.sem_alloc : memref<!tpu.dma_semaphore, #tpu.memory_space<semaphore_mem>>
        %dma_start3A_75 = arith.constant 0 : i32
        %dma_start3A_76 = arith.constant 0 : i32
        %dma_start3A_77 = tpu.memref_slice %arg8[%dma_start3A_75, %dma_start3A_76] : memref<128x128xi32, #tpu.memory_space<vmem>> -> memref<32x128xi32, #tpu.memory_space<vmem>>
        %dma_start3A_78 = arith.constant 128 : i32
        %dma_start3A_79 = arith.constant 0 : i32
        %dma_start3A_80 = tpu.memref_slice %arg4[%arg1, %dma_start3A_78, %dma_start3A_79] : memref<16x160x128xi32, #tpu.memory_space<hbm>> -> memref<1x32x128xi32, #tpu.memory_space<hbm>>
        %dma_start3A_81 = tpu.memref_squeeze %dma_start3A_80 : memref<1x32x128xi32, #tpu.memory_space<hbm>> -> memref<32x128xi32, #tpu.memory_space<hbm>>
        %dma_start3A_82 = arith.constant 0 : i32
        %dma_start3A_83 = arith.constant 0 : i32
        %dma_start3A_84 = tpu.memref_slice %arg8[%dma_start3A_82, %dma_start3A_83] : memref<128x128xi32, #tpu.memory_space<vmem>> -> memref<32x128xi32, #tpu.memory_space<vmem>>
        %dma_start3A_85 = arith.constant 128 : i32
        %dma_start3A_86 = arith.constant 0 : i32
        %dma_start3A_87 = tpu.memref_slice %arg4[%arg1, %dma_start3A_85, %dma_start3A_86] : memref<16x160x128xi32, #tpu.memory_space<hbm>> -> memref<1x32x128xi32, #tpu.memory_space<hbm>>
        %dma_start3A_88 = tpu.memref_squeeze %dma_start3A_87 : memref<1x32x128xi32, #tpu.memory_space<hbm>> -> memref<32x128xi32, #tpu.memory_space<hbm>>
        tpu.enqueue_dma source(%dma_start3A_88 : memref<32x128xi32, #tpu.memory_space<hbm>>) target(%dma_start3A_84 : memref<32x128xi32, #tpu.memory_space<vmem>>) target_semaphore(%run_scoped3A : memref<!tpu.dma_semaphore, #tpu.memory_space<semaphore_mem>>)
        %dma_wait3A = arith.constant 0 : i32
        %dma_wait3A_89 = arith.constant 0 : i32
        %dma_wait3A_90 = tpu.memref_slice %arg8[%dma_wait3A, %dma_wait3A_89] : memref<128x128xi32, #tpu.memory_space<vmem>> -> memref<32x128xi32, #tpu.memory_space<vmem>>
        %dma_wait3A_91 = arith.constant 128 : i32
        %dma_wait3A_92 = arith.constant 0 : i32
        %dma_wait3A_93 = tpu.memref_slice %arg4[%arg1, %dma_wait3A_91, %dma_wait3A_92] : memref<16x160x128xi32, #tpu.memory_space<hbm>> -> memref<1x32x128xi32, #tpu.memory_space<hbm>>
        %dma_wait3A_94 = tpu.memref_squeeze %dma_wait3A_93 : memref<1x32x128xi32, #tpu.memory_space<hbm>> -> memref<32x128xi32, #tpu.memory_space<hbm>>
        %dma_wait3A_95 = arith.constant 0 : i32
        %dma_wait3A_96 = arith.constant 0 : i32
        %dma_wait3A_97 = tpu.memref_slice %arg8[%dma_wait3A_95, %dma_wait3A_96] : memref<128x128xi32, #tpu.memory_space<vmem>> -> memref<32x128xi32, #tpu.memory_space<vmem>>
        %dma_wait3A_98 = arith.constant 128 : i32
        %dma_wait3A_99 = arith.constant 0 : i32
        %dma_wait3A_100 = tpu.memref_slice %arg4[%arg1, %dma_wait3A_98, %dma_wait3A_99] : memref<16x160x128xi32, #tpu.memory_space<hbm>> -> memref<1x32x128xi32, #tpu.memory_space<hbm>>
        %dma_wait3A_101 = tpu.memref_squeeze %dma_wait3A_100 : memref<1x32x128xi32, #tpu.memory_space<hbm>> -> memref<32x128xi32, #tpu.memory_space<hbm>>
        tpu.wait_dma2 semaphore(%run_scoped3A : memref<!tpu.dma_semaphore, #tpu.memory_space<semaphore_mem>>) src(%dma_wait3A_101 : memref<32x128xi32, #tpu.memory_space<hbm>>) dst(%dma_wait3A_97 : memref<32x128xi32, #tpu.memory_space<vmem>>)
        tpu.yield
      }) : () -> ()
    } else {
    }
    %dma_start3A = arith.constant 0 : i32
    %dma_start3A_7 = arith.constant 0 : i32
    %dma_start3A_8 = arith.constant 0 : i32
    %dma_start3A_9 = arith.constant 0 : i32
    %dma_start3A_10 = tpu.memref_slice %arg9[%dma_start3A_7, %dma_start3A_8, %dma_start3A_9] : memref<4x128x64xf32, #tpu.memory_space<vmem>> -> memref<1x128x64xf32, #tpu.memory_space<vmem>>
    %dma_start3A_11 = tpu.memref_squeeze %dma_start3A_10 : memref<1x128x64xf32, #tpu.memory_space<vmem>> -> memref<128x64xf32, #tpu.memory_space<vmem>>
    %dma_start3A_12 = arith.constant 0 : i32
    %dma_start3A_13 = tpu.memref_slice %arg7[%dma_start3A, %dma_start3A_12] : memref<128x128xi32, #tpu.memory_space<vmem>> -> memref<1x128xi32, #tpu.memory_space<vmem>>
    %dma_start3A_14 = tpu.memref_squeeze %dma_start3A_13 : memref<1x128xi32, #tpu.memory_space<vmem>> -> memref<128xi32, #tpu.memory_space<vmem>>
    %dma_start3A_15 = arith.constant 0 : i32
    %dma_start3A_16 = arith.constant 0 : i32
    %dma_start3A_17 = tpu.memref_slice %arg2[%dma_start3A_15, %dma_start3A_16] : memref<10000x64xf32, #tpu.memory_space<hbm>> -> memref<10000x64xf32, #tpu.memory_space<hbm>>
    tpu.enqueue_indirect_dma source(%dma_start3A_17 : memref<10000x64xf32, #tpu.memory_space<hbm>>) target(%dma_start3A_11 : memref<128x64xf32, #tpu.memory_space<vmem>>) offsets(%dma_start3A_14 : memref<128xi32, #tpu.memory_space<vmem>>) semaphore(%arg12 : memref<!tpu.dma_semaphore, #tpu.memory_space<semaphore_mem>>)
    %dma_start3A_18 = arith.constant 1 : i32
    %dma_start3A_19 = arith.constant 1 : i32
    %dma_start3A_20 = arith.constant 0 : i32
    %dma_start3A_21 = arith.constant 0 : i32
    %dma_start3A_22 = tpu.memref_slice %arg9[%dma_start3A_19, %dma_start3A_20, %dma_start3A_21] : memref<4x128x64xf32, #tpu.memory_space<vmem>> -> memref<1x128x64xf32, #tpu.memory_space<vmem>>
    %dma_start3A_23 = tpu.memref_squeeze %dma_start3A_22 : memref<1x128x64xf32, #tpu.memory_space<vmem>> -> memref<128x64xf32, #tpu.memory_space<vmem>>
    %dma_start3A_24 = arith.constant 0 : i32
    %dma_start3A_25 = tpu.memref_slice %arg7[%dma_start3A_18, %dma_start3A_24] : memref<128x128xi32, #tpu.memory_space<vmem>> -> memref<1x128xi32, #tpu.memory_space<vmem>>
    %dma_start3A_26 = tpu.memref_squeeze %dma_start3A_25 : memref<1x128xi32, #tpu.memory_space<vmem>> -> memref<128xi32, #tpu.memory_space<vmem>>
    %dma_start3A_27 = arith.constant 0 : i32
    %dma_start3A_28 = arith.constant 0 : i32
    %dma_start3A_29 = tpu.memref_slice %arg2[%dma_start3A_27, %dma_start3A_28] : memref<10000x64xf32, #tpu.memory_space<hbm>> -> memref<10000x64xf32, #tpu.memory_space<hbm>>
    tpu.enqueue_indirect_dma source(%dma_start3A_29 : memref<10000x64xf32, #tpu.memory_space<hbm>>) target(%dma_start3A_23 : memref<128x64xf32, #tpu.memory_space<vmem>>) offsets(%dma_start3A_26 : memref<128xi32, #tpu.memory_space<vmem>>) semaphore(%arg12 : memref<!tpu.dma_semaphore, #tpu.memory_space<semaphore_mem>>)
    %dma_start3A_30 = arith.constant 2 : i32
    %dma_start3A_31 = arith.constant 2 : i32
    %dma_start3A_32 = arith.constant 0 : i32
    %dma_start3A_33 = arith.constant 0 : i32
    %dma_start3A_34 = tpu.memref_slice %arg9[%dma_start3A_31, %dma_start3A_32, %dma_start3A_33] : memref<4x128x64xf32, #tpu.memory_space<vmem>> -> memref<1x128x64xf32, #tpu.memory_space<vmem>>
    %dma_start3A_35 = tpu.memref_squeeze %dma_start3A_34 : memref<1x128x64xf32, #tpu.memory_space<vmem>> -> memref<128x64xf32, #tpu.memory_space<vmem>>
    %dma_start3A_36 = arith.constant 0 : i32
    %dma_start3A_37 = tpu.memref_slice %arg7[%dma_start3A_30, %dma_start3A_36] : memref<128x128xi32, #tpu.memory_space<vmem>> -> memref<1x128xi32, #tpu.memory_space<vmem>>
    %dma_start3A_38 = tpu.memref_squeeze %dma_start3A_37 : memref<1x128xi32, #tpu.memory_space<vmem>> -> memref<128xi32, #tpu.memory_space<vmem>>
    %dma_start3A_39 = arith.constant 0 : i32
    %dma_start3A_40 = arith.constant 0 : i32
    %dma_start3A_41 = tpu.memref_slice %arg2[%dma_start3A_39, %dma_start3A_40] : memref<10000x64xf32, #tpu.memory_space<hbm>> -> memref<10000x64xf32, #tpu.memory_space<hbm>>
    tpu.enqueue_indirect_dma source(%dma_start3A_41 : memref<10000x64xf32, #tpu.memory_space<hbm>>) target(%dma_start3A_35 : memref<128x64xf32, #tpu.memory_space<vmem>>) offsets(%dma_start3A_38 : memref<128xi32, #tpu.memory_space<vmem>>) semaphore(%arg12 : memref<!tpu.dma_semaphore, #tpu.memory_space<semaphore_mem>>)
    "tpu.region"() ({
      %run_scoped3A = tpu.sem_alloc : memref<!tpu.dma_semaphore, #tpu.memory_space<semaphore_mem>>
      tpu.enqueue_dma source(%arg5 : memref<316x64xf32, #tpu.memory_space<hbm>>) target(%arg10 : memref<316x64xf32, #tpu.memory_space<vmem>>) target_semaphore(%run_scoped3A : memref<!tpu.dma_semaphore, #tpu.memory_space<semaphore_mem>>)
      tpu.wait_dma2 semaphore(%run_scoped3A : memref<!tpu.dma_semaphore, #tpu.memory_space<semaphore_mem>>) src(%arg5 : memref<316x64xf32, #tpu.memory_space<hbm>>) dst(%arg10 : memref<316x64xf32, #tpu.memory_space<vmem>>)
      tpu.yield
    }) : () -> ()
    %mul3A = arith.constant 632 : i32
    %mul3A_42 = arith.muli %arg1, %mul3A : i32
    %add3A = arith.constant 0 : i32
    %add3A_43 = arith.addi %mul3A_42, %add3A : i32
    "tpu.region"() ({
      %run_scoped3A = tpu.sem_alloc : memref<!tpu.dma_semaphore, #tpu.memory_space<semaphore_mem>>
      %dma_start3A_75 = arith.constant 0 : i32
      %dma_start3A_76 = tpu.memref_slice %arg11[%add3A_43, %dma_start3A_75] : memref<10112x64xf32, #tpu.memory_space<vmem_shared>> -> memref<316x64xf32, #tpu.memory_space<vmem_shared>>
      %dma_start3A_77 = arith.constant 0 : i32
      %dma_start3A_78 = tpu.memref_slice %arg11[%add3A_43, %dma_start3A_77] : memref<10112x64xf32, #tpu.memory_space<vmem_shared>> -> memref<316x64xf32, #tpu.memory_space<vmem_shared>>
      tpu.enqueue_dma source(%arg10 : memref<316x64xf32, #tpu.memory_space<vmem>>) target(%dma_start3A_78 : memref<316x64xf32, #tpu.memory_space<vmem_shared>>) target_semaphore(%run_scoped3A : memref<!tpu.dma_semaphore, #tpu.memory_space<semaphore_mem>>)
      %dma_wait3A = arith.constant 0 : i32
      %dma_wait3A_79 = tpu.memref_slice %arg11[%add3A_43, %dma_wait3A] : memref<10112x64xf32, #tpu.memory_space<vmem_shared>> -> memref<316x64xf32, #tpu.memory_space<vmem_shared>>
      %dma_wait3A_80 = arith.constant 0 : i32
      %dma_wait3A_81 = tpu.memref_slice %arg11[%add3A_43, %dma_wait3A_80] : memref<10112x64xf32, #tpu.memory_space<vmem_shared>> -> memref<316x64xf32, #tpu.memory_space<vmem_shared>>
      tpu.wait_dma2 semaphore(%run_scoped3A : memref<!tpu.dma_semaphore, #tpu.memory_space<semaphore_mem>>) src(%arg10 : memref<316x64xf32, #tpu.memory_space<vmem>>) dst(%dma_wait3A_81 : memref<316x64xf32, #tpu.memory_space<vmem_shared>>)
      tpu.yield
    }) : () -> ()
    %mul3A_44 = arith.constant 632 : i32
    %mul3A_45 = arith.muli %arg1, %mul3A_44 : i32
    %add3A_46 = arith.constant 316 : i32
    %add3A_47 = arith.addi %mul3A_45, %add3A_46 : i32
    "tpu.region"() ({
      %run_scoped3A = tpu.sem_alloc : memref<!tpu.dma_semaphore, #tpu.memory_space<semaphore_mem>>
      %dma_start3A_75 = arith.constant 0 : i32
      %dma_start3A_76 = tpu.memref_slice %arg11[%add3A_47, %dma_start3A_75] : memref<10112x64xf32, #tpu.memory_space<vmem_shared>> -> memref<316x64xf32, #tpu.memory_space<vmem_shared>>
      %dma_start3A_77 = arith.constant 0 : i32
      %dma_start3A_78 = tpu.memref_slice %arg11[%add3A_47, %dma_start3A_77] : memref<10112x64xf32, #tpu.memory_space<vmem_shared>> -> memref<316x64xf32, #tpu.memory_space<vmem_shared>>
      tpu.enqueue_dma source(%arg10 : memref<316x64xf32, #tpu.memory_space<vmem>>) target(%dma_start3A_78 : memref<316x64xf32, #tpu.memory_space<vmem_shared>>) target_semaphore(%run_scoped3A : memref<!tpu.dma_semaphore, #tpu.memory_space<semaphore_mem>>)
      %dma_wait3A = arith.constant 0 : i32
      %dma_wait3A_79 = tpu.memref_slice %arg11[%add3A_47, %dma_wait3A] : memref<10112x64xf32, #tpu.memory_space<vmem_shared>> -> memref<316x64xf32, #tpu.memory_space<vmem_shared>>
      %dma_wait3A_80 = arith.constant 0 : i32
      %dma_wait3A_81 = tpu.memref_slice %arg11[%add3A_47, %dma_wait3A_80] : memref<10112x64xf32, #tpu.memory_space<vmem_shared>> -> memref<316x64xf32, #tpu.memory_space<vmem_shared>>
      tpu.wait_dma2 semaphore(%run_scoped3A : memref<!tpu.dma_semaphore, #tpu.memory_space<semaphore_mem>>) src(%arg10 : memref<316x64xf32, #tpu.memory_space<vmem>>) dst(%dma_wait3A_81 : memref<316x64xf32, #tpu.memory_space<vmem_shared>>)
      tpu.yield
    }) : () -> ()
    %barrier3A = arith.constant 0 : index
    tpu.barrier barrier_id(%barrier3A)
    %eq3A_48 = arith.constant 0 : i32
    %eq3A_49 = arith.cmpi eq, %arg0, %eq3A_48 : i32
    %convert_element_type3A_50 = arith.extui %eq3A_49 : i1 to i32
    %cond3A_51 = arith.constant 0 : i32
    %cond3A_52 = arith.cmpi ne, %convert_element_type3A_50, %cond3A_51 : i32
    scf.if %cond3A_52 {
      %scan3A = arith.constant 0 : i32
      %scan3A_75 = arith.constant 32 : i32
      %scan3A_76 = arith.addi %scan3A, %scan3A_75 : i32
      %scan3A_77 = arith.constant 1 : i32
      scf.for %scan3A_79 = %scan3A to %scan3A_76 step %scan3A_77  : i32 {
        %mul3A_80 = arith.constant 4 : i32
        %mul3A_81 = arith.muli %scan3A_79, %mul3A_80 : i32
        %add3A_82 = arith.constant 0 : i32
        %add3A_83 = arith.addi %add3A_82, %mul3A_81 : i32
        %add3A_84 = arith.constant 0 : i32
        %add3A_85 = arith.addi %add3A_83, %add3A_84 : i32
        %dma_wait3A = arith.constant 0 : i32
        %dma_wait3A_86 = arith.constant 0 : i32
        %dma_wait3A_87 = arith.constant 0 : i32
        %dma_wait3A_88 = tpu.memref_slice %arg9[%dma_wait3A, %dma_wait3A_86, %dma_wait3A_87] : memref<4x128x64xf32, #tpu.memory_space<vmem>> -> memref<1x128x64xf32, #tpu.memory_space<vmem>>
        %dma_wait3A_89 = tpu.memref_squeeze %dma_wait3A_88 : memref<1x128x64xf32, #tpu.memory_space<vmem>> -> memref<128x64xf32, #tpu.memory_space<vmem>>
        %dma_wait3A_90 = arith.constant 0 : i32
        %dma_wait3A_91 = tpu.memref_slice %arg7[%add3A_85, %dma_wait3A_90] : memref<128x128xi32, #tpu.memory_space<vmem>> -> memref<1x128xi32, #tpu.memory_space<vmem>>
        %dma_wait3A_92 = tpu.memref_squeeze %dma_wait3A_91 : memref<1x128xi32, #tpu.memory_space<vmem>> -> memref<128xi32, #tpu.memory_space<vmem>>
        %dma_wait3A_93 = arith.constant 0 : i32
        %dma_wait3A_94 = arith.constant 0 : i32
        %dma_wait3A_95 = tpu.memref_slice %arg2[%dma_wait3A_93, %dma_wait3A_94] : memref<10000x64xf32, #tpu.memory_space<hbm>> -> memref<10000x64xf32, #tpu.memory_space<hbm>>
        tpu.wait_indirect_dma semaphore(%arg12 : memref<!tpu.dma_semaphore, #tpu.memory_space<semaphore_mem>>) src(%dma_wait3A_95 : memref<10000x64xf32, #tpu.memory_space<hbm>>) dst(%dma_wait3A_89 : memref<128x64xf32, #tpu.memory_space<vmem>>)
        %add3A_96 = arith.constant 4 : i32
        %add3A_97 = arith.addi %add3A_85, %add3A_96 : i32
        %sub3A = arith.constant 1 : i32
        %sub3A_98 = arith.subi %add3A_97, %sub3A : i32
        %lt3A = arith.constant 128 : i32
        %lt3A_99 = arith.cmpi slt, %sub3A_98, %lt3A : i32
        %convert_element_type3A_100 = arith.extui %lt3A_99 : i1 to i32
        %cond3A_101 = arith.constant 0 : i32
        %cond3A_102 = arith.cmpi ne, %convert_element_type3A_100, %cond3A_101 : i32
        scf.if %cond3A_102 {
          %add3A_172 = arith.constant 4 : i32
          %add3A_173 = arith.addi %add3A_85, %add3A_172 : i32
          %sub3A_174 = arith.constant 1 : i32
          %sub3A_175 = arith.subi %add3A_173, %sub3A_174 : i32
          %dma_start3A_176 = arith.constant 3 : i32
          %dma_start3A_177 = arith.constant 0 : i32
          %dma_start3A_178 = arith.constant 0 : i32
          %dma_start3A_179 = tpu.memref_slice %arg9[%dma_start3A_176, %dma_start3A_177, %dma_start3A_178] : memref<4x128x64xf32, #tpu.memory_space<vmem>> -> memref<1x128x64xf32, #tpu.memory_space<vmem>>
          %dma_start3A_180 = tpu.memref_squeeze %dma_start3A_179 : memref<1x128x64xf32, #tpu.memory_space<vmem>> -> memref<128x64xf32, #tpu.memory_space<vmem>>
          %dma_start3A_181 = arith.constant 0 : i32
          %dma_start3A_182 = tpu.memref_slice %arg7[%sub3A_175, %dma_start3A_181] : memref<128x128xi32, #tpu.memory_space<vmem>> -> memref<1x128xi32, #tpu.memory_space<vmem>>
          %dma_start3A_183 = tpu.memref_squeeze %dma_start3A_182 : memref<1x128xi32, #tpu.memory_space<vmem>> -> memref<128xi32, #tpu.memory_space<vmem>>
          %dma_start3A_184 = arith.constant 0 : i32
          %dma_start3A_185 = arith.constant 0 : i32
          %dma_start3A_186 = tpu.memref_slice %arg2[%dma_start3A_184, %dma_start3A_185] : memref<10000x64xf32, #tpu.memory_space<hbm>> -> memref<10000x64xf32, #tpu.memory_space<hbm>>
          tpu.enqueue_indirect_dma source(%dma_start3A_186 : memref<10000x64xf32, #tpu.memory_space<hbm>>) target(%dma_start3A_180 : memref<128x64xf32, #tpu.memory_space<vmem>>) offsets(%dma_start3A_183 : memref<128xi32, #tpu.memory_space<vmem>>) semaphore(%arg12 : memref<!tpu.dma_semaphore, #tpu.memory_space<semaphore_mem>>)
        } else {
        }
        %run_scoped3A = arith.constant 0 : i32
        "tpu.region"() ({
          %run_scoped3A_172 = tpu.sem_alloc : memref<!tpu.dma_semaphore, #tpu.memory_space<semaphore_mem>>
          %dma_start3A_173 = arith.constant 0 : i32
          %dma_start3A_174 = arith.constant 0 : i32
          %dma_start3A_175 = tpu.memref_slice %arg9[%run_scoped3A, %dma_start3A_173, %dma_start3A_174] : memref<4x128x64xf32, #tpu.memory_space<vmem>> -> memref<1x128x64xf32, #tpu.memory_space<vmem>>
          %dma_start3A_176 = tpu.memref_squeeze %dma_start3A_175 : memref<1x128x64xf32, #tpu.memory_space<vmem>> -> memref<128x64xf32, #tpu.memory_space<vmem>>
          %dma_start3A_177 = arith.constant 0 : i32
          %dma_start3A_178 = tpu.memref_slice %arg8[%add3A_85, %dma_start3A_177] : memref<128x128xi32, #tpu.memory_space<vmem>> -> memref<1x128xi32, #tpu.memory_space<vmem>>
          %dma_start3A_179 = tpu.memref_squeeze %dma_start3A_178 : memref<1x128xi32, #tpu.memory_space<vmem>> -> memref<128xi32, #tpu.memory_space<vmem>>
          %dma_start3A_180 = arith.constant 0 : i32
          %dma_start3A_181 = arith.constant 0 : i32
          %dma_start3A_182 = tpu.memref_slice %arg11[%dma_start3A_180, %dma_start3A_181] : memref<10112x64xf32, #tpu.memory_space<vmem_shared>> -> memref<10112x64xf32, #tpu.memory_space<vmem_shared>>
          tpu.enqueue_indirect_dma source(%dma_start3A_176 : memref<128x64xf32, #tpu.memory_space<vmem>>) target(%dma_start3A_182 : memref<10112x64xf32, #tpu.memory_space<vmem_shared>>) offsets(%dma_start3A_179 : memref<128xi32, #tpu.memory_space<vmem>>) semaphore(%run_scoped3A_172 : memref<!tpu.dma_semaphore, #tpu.memory_space<semaphore_mem>>) {add = true}
          %dma_wait3A_183 = arith.constant 0 : i32
          %dma_wait3A_184 = arith.constant 0 : i32
          %dma_wait3A_185 = tpu.memref_slice %arg9[%run_scoped3A, %dma_wait3A_183, %dma_wait3A_184] : memref<4x128x64xf32, #tpu.memory_space<vmem>> -> memref<1x128x64xf32, #tpu.memory_space<vmem>>
          %dma_wait3A_186 = tpu.memref_squeeze %dma_wait3A_185 : memref<1x128x64xf32, #tpu.memory_space<vmem>> -> memref<128x64xf32, #tpu.memory_space<vmem>>
          %dma_wait3A_187 = arith.constant 0 : i32
          %dma_wait3A_188 = tpu.memref_slice %arg8[%add3A_85, %dma_wait3A_187] : memref<128x128xi32, #tpu.memory_space<vmem>> -> memref<1x128xi32, #tpu.memory_space<vmem>>
          %dma_wait3A_189 = tpu.memref_squeeze %dma_wait3A_188 : memref<1x128xi32, #tpu.memory_space<vmem>> -> memref<128xi32, #tpu.memory_space<vmem>>
          %dma_wait3A_190 = arith.constant 0 : i32
          %dma_wait3A_191 = arith.constant 0 : i32
          %dma_wait3A_192 = tpu.memref_slice %arg11[%dma_wait3A_190, %dma_wait3A_191] : memref<10112x64xf32, #tpu.memory_space<vmem_shared>> -> memref<10112x64xf32, #tpu.memory_space<vmem_shared>>
          tpu.wait_indirect_dma semaphore(%run_scoped3A_172 : memref<!tpu.dma_semaphore, #tpu.memory_space<semaphore_mem>>) src(%dma_wait3A_186 : memref<128x64xf32, #tpu.memory_space<vmem>>) dst(%dma_wait3A_192 : memref<10112x64xf32, #tpu.memory_space<vmem_shared>>)
          tpu.yield
        }) : () -> ()
        %add3A_103 = arith.constant 1 : i32
        %add3A_104 = arith.addi %add3A_83, %add3A_103 : i32
        %dma_wait3A_105 = arith.constant 1 : i32
        %dma_wait3A_106 = arith.constant 0 : i32
        %dma_wait3A_107 = arith.constant 0 : i32
        %dma_wait3A_108 = tpu.memref_slice %arg9[%dma_wait3A_105, %dma_wait3A_106, %dma_wait3A_107] : memref<4x128x64xf32, #tpu.memory_space<vmem>> -> memref<1x128x64xf32, #tpu.memory_space<vmem>>
        %dma_wait3A_109 = tpu.memref_squeeze %dma_wait3A_108 : memref<1x128x64xf32, #tpu.memory_space<vmem>> -> memref<128x64xf32, #tpu.memory_space<vmem>>
        %dma_wait3A_110 = arith.constant 0 : i32
        %dma_wait3A_111 = tpu.memref_slice %arg7[%add3A_104, %dma_wait3A_110] : memref<128x128xi32, #tpu.memory_space<vmem>> -> memref<1x128xi32, #tpu.memory_space<vmem>>
        %dma_wait3A_112 = tpu.memref_squeeze %dma_wait3A_111 : memref<1x128xi32, #tpu.memory_space<vmem>> -> memref<128xi32, #tpu.memory_space<vmem>>
        %dma_wait3A_113 = arith.constant 0 : i32
        %dma_wait3A_114 = arith.constant 0 : i32
        %dma_wait3A_115 = tpu.memref_slice %arg2[%dma_wait3A_113, %dma_wait3A_114] : memref<10000x64xf32, #tpu.memory_space<hbm>> -> memref<10000x64xf32, #tpu.memory_space<hbm>>
        tpu.wait_indirect_dma semaphore(%arg12 : memref<!tpu.dma_semaphore, #tpu.memory_space<semaphore_mem>>) src(%dma_wait3A_115 : memref<10000x64xf32, #tpu.memory_space<hbm>>) dst(%dma_wait3A_109 : memref<128x64xf32, #tpu.memory_space<vmem>>)
        %add3A_116 = arith.constant 4 : i32
        %add3A_117 = arith.addi %add3A_104, %add3A_116 : i32
        %sub3A_118 = arith.constant 1 : i32
        %sub3A_119 = arith.subi %add3A_117, %sub3A_118 : i32
        %lt3A_120 = arith.constant 128 : i32
        %lt3A_121 = arith.cmpi slt, %sub3A_119, %lt3A_120 : i32
        %convert_element_type3A_122 = arith.extui %lt3A_121 : i1 to i32
        %cond3A_123 = arith.constant 0 : i32
        %cond3A_124 = arith.cmpi ne, %convert_element_type3A_122, %cond3A_123 : i32
        scf.if %cond3A_124 {
          %add3A_172 = arith.constant 4 : i32
          %add3A_173 = arith.addi %add3A_104, %add3A_172 : i32
          %sub3A_174 = arith.constant 1 : i32
          %sub3A_175 = arith.subi %add3A_173, %sub3A_174 : i32
          %dma_start3A_176 = arith.constant 0 : i32
          %dma_start3A_177 = arith.constant 0 : i32
          %dma_start3A_178 = arith.constant 0 : i32
          %dma_start3A_179 = tpu.memref_slice %arg9[%dma_start3A_176, %dma_start3A_177, %dma_start3A_178] : memref<4x128x64xf32, #tpu.memory_space<vmem>> -> memref<1x128x64xf32, #tpu.memory_space<vmem>>
          %dma_start3A_180 = tpu.memref_squeeze %dma_start3A_179 : memref<1x128x64xf32, #tpu.memory_space<vmem>> -> memref<128x64xf32, #tpu.memory_space<vmem>>
          %dma_start3A_181 = arith.constant 0 : i32
          %dma_start3A_182 = tpu.memref_slice %arg7[%sub3A_175, %dma_start3A_181] : memref<128x128xi32, #tpu.memory_space<vmem>> -> memref<1x128xi32, #tpu.memory_space<vmem>>
          %dma_start3A_183 = tpu.memref_squeeze %dma_start3A_182 : memref<1x128xi32, #tpu.memory_space<vmem>> -> memref<128xi32, #tpu.memory_space<vmem>>
          %dma_start3A_184 = arith.constant 0 : i32
          %dma_start3A_185 = arith.constant 0 : i32
          %dma_start3A_186 = tpu.memref_slice %arg2[%dma_start3A_184, %dma_start3A_185] : memref<10000x64xf32, #tpu.memory_space<hbm>> -> memref<10000x64xf32, #tpu.memory_space<hbm>>
          tpu.enqueue_indirect_dma source(%dma_start3A_186 : memref<10000x64xf32, #tpu.memory_space<hbm>>) target(%dma_start3A_180 : memref<128x64xf32, #tpu.memory_space<vmem>>) offsets(%dma_start3A_183 : memref<128xi32, #tpu.memory_space<vmem>>) semaphore(%arg12 : memref<!tpu.dma_semaphore, #tpu.memory_space<semaphore_mem>>)
        } else {
        }
        %run_scoped3A_125 = arith.constant 1 : i32
        "tpu.region"() ({
          %run_scoped3A_172 = tpu.sem_alloc : memref<!tpu.dma_semaphore, #tpu.memory_space<semaphore_mem>>
          %dma_start3A_173 = arith.constant 0 : i32
          %dma_start3A_174 = arith.constant 0 : i32
          %dma_start3A_175 = tpu.memref_slice %arg9[%run_scoped3A_125, %dma_start3A_173, %dma_start3A_174] : memref<4x128x64xf32, #tpu.memory_space<vmem>> -> memref<1x128x64xf32, #tpu.memory_space<vmem>>
          %dma_start3A_176 = tpu.memref_squeeze %dma_start3A_175 : memref<1x128x64xf32, #tpu.memory_space<vmem>> -> memref<128x64xf32, #tpu.memory_space<vmem>>
          %dma_start3A_177 = arith.constant 0 : i32
          %dma_start3A_178 = tpu.memref_slice %arg8[%add3A_104, %dma_start3A_177] : memref<128x128xi32, #tpu.memory_space<vmem>> -> memref<1x128xi32, #tpu.memory_space<vmem>>
          %dma_start3A_179 = tpu.memref_squeeze %dma_start3A_178 : memref<1x128xi32, #tpu.memory_space<vmem>> -> memref<128xi32, #tpu.memory_space<vmem>>
          %dma_start3A_180 = arith.constant 0 : i32
          %dma_start3A_181 = arith.constant 0 : i32
          %dma_start3A_182 = tpu.memref_slice %arg11[%dma_start3A_180, %dma_start3A_181] : memref<10112x64xf32, #tpu.memory_space<vmem_shared>> -> memref<10112x64xf32, #tpu.memory_space<vmem_shared>>
          tpu.enqueue_indirect_dma source(%dma_start3A_176 : memref<128x64xf32, #tpu.memory_space<vmem>>) target(%dma_start3A_182 : memref<10112x64xf32, #tpu.memory_space<vmem_shared>>) offsets(%dma_start3A_179 : memref<128xi32, #tpu.memory_space<vmem>>) semaphore(%run_scoped3A_172 : memref<!tpu.dma_semaphore, #tpu.memory_space<semaphore_mem>>) {add = true}
          %dma_wait3A_183 = arith.constant 0 : i32
          %dma_wait3A_184 = arith.constant 0 : i32
          %dma_wait3A_185 = tpu.memref_slice %arg9[%run_scoped3A_125, %dma_wait3A_183, %dma_wait3A_184] : memref<4x128x64xf32, #tpu.memory_space<vmem>> -> memref<1x128x64xf32, #tpu.memory_space<vmem>>
          %dma_wait3A_186 = tpu.memref_squeeze %dma_wait3A_185 : memref<1x128x64xf32, #tpu.memory_space<vmem>> -> memref<128x64xf32, #tpu.memory_space<vmem>>
          %dma_wait3A_187 = arith.constant 0 : i32
          %dma_wait3A_188 = tpu.memref_slice %arg8[%add3A_104, %dma_wait3A_187] : memref<128x128xi32, #tpu.memory_space<vmem>> -> memref<1x128xi32, #tpu.memory_space<vmem>>
          %dma_wait3A_189 = tpu.memref_squeeze %dma_wait3A_188 : memref<1x128xi32, #tpu.memory_space<vmem>> -> memref<128xi32, #tpu.memory_space<vmem>>
          %dma_wait3A_190 = arith.constant 0 : i32
          %dma_wait3A_191 = arith.constant 0 : i32
          %dma_wait3A_192 = tpu.memref_slice %arg11[%dma_wait3A_190, %dma_wait3A_191] : memref<10112x64xf32, #tpu.memory_space<vmem_shared>> -> memref<10112x64xf32, #tpu.memory_space<vmem_shared>>
          tpu.wait_indirect_dma semaphore(%run_scoped3A_172 : memref<!tpu.dma_semaphore, #tpu.memory_space<semaphore_mem>>) src(%dma_wait3A_186 : memref<128x64xf32, #tpu.memory_space<vmem>>) dst(%dma_wait3A_192 : memref<10112x64xf32, #tpu.memory_space<vmem_shared>>)
          tpu.yield
        }) : () -> ()
        %add3A_126 = arith.constant 2 : i32
        %add3A_127 = arith.addi %add3A_83, %add3A_126 : i32
        %dma_wait3A_128 = arith.constant 2 : i32
        %dma_wait3A_129 = arith.constant 0 : i32
        %dma_wait3A_130 = arith.constant 0 : i32
        %dma_wait3A_131 = tpu.memref_slice %arg9[%dma_wait3A_128, %dma_wait3A_129, %dma_wait3A_130] : memref<4x128x64xf32, #tpu.memory_space<vmem>> -> memref<1x128x64xf32, #tpu.memory_space<vmem>>
        %dma_wait3A_132 = tpu.memref_squeeze %dma_wait3A_131 : memref<1x128x64xf32, #tpu.memory_space<vmem>> -> memref<128x64xf32, #tpu.memory_space<vmem>>
        %dma_wait3A_133 = arith.constant 0 : i32
        %dma_wait3A_134 = tpu.memref_slice %arg7[%add3A_127, %dma_wait3A_133] : memref<128x128xi32, #tpu.memory_space<vmem>> -> memref<1x128xi32, #tpu.memory_space<vmem>>
        %dma_wait3A_135 = tpu.memref_squeeze %dma_wait3A_134 : memref<1x128xi32, #tpu.memory_space<vmem>> -> memref<128xi32, #tpu.memory_space<vmem>>
        %dma_wait3A_136 = arith.constant 0 : i32
        %dma_wait3A_137 = arith.constant 0 : i32
        %dma_wait3A_138 = tpu.memref_slice %arg2[%dma_wait3A_136, %dma_wait3A_137] : memref<10000x64xf32, #tpu.memory_space<hbm>> -> memref<10000x64xf32, #tpu.memory_space<hbm>>
        tpu.wait_indirect_dma semaphore(%arg12 : memref<!tpu.dma_semaphore, #tpu.memory_space<semaphore_mem>>) src(%dma_wait3A_138 : memref<10000x64xf32, #tpu.memory_space<hbm>>) dst(%dma_wait3A_132 : memref<128x64xf32, #tpu.memory_space<vmem>>)
        %add3A_139 = arith.constant 4 : i32
        %add3A_140 = arith.addi %add3A_127, %add3A_139 : i32
        %sub3A_141 = arith.constant 1 : i32
        %sub3A_142 = arith.subi %add3A_140, %sub3A_141 : i32
        %lt3A_143 = arith.constant 128 : i32
        %lt3A_144 = arith.cmpi slt, %sub3A_142, %lt3A_143 : i32
        %convert_element_type3A_145 = arith.extui %lt3A_144 : i1 to i32
        %cond3A_146 = arith.constant 0 : i32
        %cond3A_147 = arith.cmpi ne, %convert_element_type3A_145, %cond3A_146 : i32
        scf.if %cond3A_147 {
          %add3A_172 = arith.constant 4 : i32
          %add3A_173 = arith.addi %add3A_127, %add3A_172 : i32
          %sub3A_174 = arith.constant 1 : i32
          %sub3A_175 = arith.subi %add3A_173, %sub3A_174 : i32
          %dma_start3A_176 = arith.constant 1 : i32
          %dma_start3A_177 = arith.constant 0 : i32
          %dma_start3A_178 = arith.constant 0 : i32
          %dma_start3A_179 = tpu.memref_slice %arg9[%dma_start3A_176, %dma_start3A_177, %dma_start3A_178] : memref<4x128x64xf32, #tpu.memory_space<vmem>> -> memref<1x128x64xf32, #tpu.memory_space<vmem>>
          %dma_start3A_180 = tpu.memref_squeeze %dma_start3A_179 : memref<1x128x64xf32, #tpu.memory_space<vmem>> -> memref<128x64xf32, #tpu.memory_space<vmem>>
          %dma_start3A_181 = arith.constant 0 : i32
          %dma_start3A_182 = tpu.memref_slice %arg7[%sub3A_175, %dma_start3A_181] : memref<128x128xi32, #tpu.memory_space<vmem>> -> memref<1x128xi32, #tpu.memory_space<vmem>>
          %dma_start3A_183 = tpu.memref_squeeze %dma_start3A_182 : memref<1x128xi32, #tpu.memory_space<vmem>> -> memref<128xi32, #tpu.memory_space<vmem>>
          %dma_start3A_184 = arith.constant 0 : i32
          %dma_start3A_185 = arith.constant 0 : i32
          %dma_start3A_186 = tpu.memref_slice %arg2[%dma_start3A_184, %dma_start3A_185] : memref<10000x64xf32, #tpu.memory_space<hbm>> -> memref<10000x64xf32, #tpu.memory_space<hbm>>
          tpu.enqueue_indirect_dma source(%dma_start3A_186 : memref<10000x64xf32, #tpu.memory_space<hbm>>) target(%dma_start3A_180 : memref<128x64xf32, #tpu.memory_space<vmem>>) offsets(%dma_start3A_183 : memref<128xi32, #tpu.memory_space<vmem>>) semaphore(%arg12 : memref<!tpu.dma_semaphore, #tpu.memory_space<semaphore_mem>>)
        } else {
        }
        %run_scoped3A_148 = arith.constant 2 : i32
        "tpu.region"() ({
          %run_scoped3A_172 = tpu.sem_alloc : memref<!tpu.dma_semaphore, #tpu.memory_space<semaphore_mem>>
          %dma_start3A_173 = arith.constant 0 : i32
          %dma_start3A_174 = arith.constant 0 : i32
          %dma_start3A_175 = tpu.memref_slice %arg9[%run_scoped3A_148, %dma_start3A_173, %dma_start3A_174] : memref<4x128x64xf32, #tpu.memory_space<vmem>> -> memref<1x128x64xf32, #tpu.memory_space<vmem>>
          %dma_start3A_176 = tpu.memref_squeeze %dma_start3A_175 : memref<1x128x64xf32, #tpu.memory_space<vmem>> -> memref<128x64xf32, #tpu.memory_space<vmem>>
          %dma_start3A_177 = arith.constant 0 : i32
          %dma_start3A_178 = tpu.memref_slice %arg8[%add3A_127, %dma_start3A_177] : memref<128x128xi32, #tpu.memory_space<vmem>> -> memref<1x128xi32, #tpu.memory_space<vmem>>
          %dma_start3A_179 = tpu.memref_squeeze %dma_start3A_178 : memref<1x128xi32, #tpu.memory_space<vmem>> -> memref<128xi32, #tpu.memory_space<vmem>>
          %dma_start3A_180 = arith.constant 0 : i32
          %dma_start3A_181 = arith.constant 0 : i32
          %dma_start3A_182 = tpu.memref_slice %arg11[%dma_start3A_180, %dma_start3A_181] : memref<10112x64xf32, #tpu.memory_space<vmem_shared>> -> memref<10112x64xf32, #tpu.memory_space<vmem_shared>>
          tpu.enqueue_indirect_dma source(%dma_start3A_176 : memref<128x64xf32, #tpu.memory_space<vmem>>) target(%dma_start3A_182 : memref<10112x64xf32, #tpu.memory_space<vmem_shared>>) offsets(%dma_start3A_179 : memref<128xi32, #tpu.memory_space<vmem>>) semaphore(%run_scoped3A_172 : memref<!tpu.dma_semaphore, #tpu.memory_space<semaphore_mem>>) {add = true}
          %dma_wait3A_183 = arith.constant 0 : i32
          %dma_wait3A_184 = arith.constant 0 : i32
          %dma_wait3A_185 = tpu.memref_slice %arg9[%run_scoped3A_148, %dma_wait3A_183, %dma_wait3A_184] : memref<4x128x64xf32, #tpu.memory_space<vmem>> -> memref<1x128x64xf32, #tpu.memory_space<vmem>>
          %dma_wait3A_186 = tpu.memref_squeeze %dma_wait3A_185 : memref<1x128x64xf32, #tpu.memory_space<vmem>> -> memref<128x64xf32, #tpu.memory_space<vmem>>
          %dma_wait3A_187 = arith.constant 0 : i32
          %dma_wait3A_188 = tpu.memref_slice %arg8[%add3A_127, %dma_wait3A_187] : memref<128x128xi32, #tpu.memory_space<vmem>> -> memref<1x128xi32, #tpu.memory_space<vmem>>
          %dma_wait3A_189 = tpu.memref_squeeze %dma_wait3A_188 : memref<1x128xi32, #tpu.memory_space<vmem>> -> memref<128xi32, #tpu.memory_space<vmem>>
          %dma_wait3A_190 = arith.constant 0 : i32
          %dma_wait3A_191 = arith.constant 0 : i32
          %dma_wait3A_192 = tpu.memref_slice %arg11[%dma_wait3A_190, %dma_wait3A_191] : memref<10112x64xf32, #tpu.memory_space<vmem_shared>> -> memref<10112x64xf32, #tpu.memory_space<vmem_shared>>
          tpu.wait_indirect_dma semaphore(%run_scoped3A_172 : memref<!tpu.dma_semaphore, #tpu.memory_space<semaphore_mem>>) src(%dma_wait3A_186 : memref<128x64xf32, #tpu.memory_space<vmem>>) dst(%dma_wait3A_192 : memref<10112x64xf32, #tpu.memory_space<vmem_shared>>)
          tpu.yield
        }) : () -> ()
        %add3A_149 = arith.constant 3 : i32
        %add3A_150 = arith.addi %add3A_83, %add3A_149 : i32
        %dma_wait3A_151 = arith.constant 3 : i32
        %dma_wait3A_152 = arith.constant 0 : i32
        %dma_wait3A_153 = arith.constant 0 : i32
        %dma_wait3A_154 = tpu.memref_slice %arg9[%dma_wait3A_151, %dma_wait3A_152, %dma_wait3A_153] : memref<4x128x64xf32, #tpu.memory_space<vmem>> -> memref<1x128x64xf32, #tpu.memory_space<vmem>>
        %dma_wait3A_155 = tpu.memref_squeeze %dma_wait3A_154 : memref<1x128x64xf32, #tpu.memory_space<vmem>> -> memref<128x64xf32, #tpu.memory_space<vmem>>
        %dma_wait3A_156 = arith.constant 0 : i32
        %dma_wait3A_157 = tpu.memref_slice %arg7[%add3A_150, %dma_wait3A_156] : memref<128x128xi32, #tpu.memory_space<vmem>> -> memref<1x128xi32, #tpu.memory_space<vmem>>
        %dma_wait3A_158 = tpu.memref_squeeze %dma_wait3A_157 : memref<1x128xi32, #tpu.memory_space<vmem>> -> memref<128xi32, #tpu.memory_space<vmem>>
        %dma_wait3A_159 = arith.constant 0 : i32
        %dma_wait3A_160 = arith.constant 0 : i32
        %dma_wait3A_161 = tpu.memref_slice %arg2[%dma_wait3A_159, %dma_wait3A_160] : memref<10000x64xf32, #tpu.memory_space<hbm>> -> memref<10000x64xf32, #tpu.memory_space<hbm>>
        tpu.wait_indirect_dma semaphore(%arg12 : memref<!tpu.dma_semaphore, #tpu.memory_space<semaphore_mem>>) src(%dma_wait3A_161 : memref<10000x64xf32, #tpu.memory_space<hbm>>) dst(%dma_wait3A_155 : memref<128x64xf32, #tpu.memory_space<vmem>>)
        %add3A_162 = arith.constant 4 : i32
        %add3A_163 = arith.addi %add3A_150, %add3A_162 : i32
        %sub3A_164 = arith.constant 1 : i32
        %sub3A_165 = arith.subi %add3A_163, %sub3A_164 : i32
        %lt3A_166 = arith.constant 128 : i32
        %lt3A_167 = arith.cmpi slt, %sub3A_165, %lt3A_166 : i32
        %convert_element_type3A_168 = arith.extui %lt3A_167 : i1 to i32
        %cond3A_169 = arith.constant 0 : i32
        %cond3A_170 = arith.cmpi ne, %convert_element_type3A_168, %cond3A_169 : i32
        scf.if %cond3A_170 {
          %add3A_172 = arith.constant 4 : i32
          %add3A_173 = arith.addi %add3A_150, %add3A_172 : i32
          %sub3A_174 = arith.constant 1 : i32
          %sub3A_175 = arith.subi %add3A_173, %sub3A_174 : i32
          %dma_start3A_176 = arith.constant 2 : i32
          %dma_start3A_177 = arith.constant 0 : i32
          %dma_start3A_178 = arith.constant 0 : i32
          %dma_start3A_179 = tpu.memref_slice %arg9[%dma_start3A_176, %dma_start3A_177, %dma_start3A_178] : memref<4x128x64xf32, #tpu.memory_space<vmem>> -> memref<1x128x64xf32, #tpu.memory_space<vmem>>
          %dma_start3A_180 = tpu.memref_squeeze %dma_start3A_179 : memref<1x128x64xf32, #tpu.memory_space<vmem>> -> memref<128x64xf32, #tpu.memory_space<vmem>>
          %dma_start3A_181 = arith.constant 0 : i32
          %dma_start3A_182 = tpu.memref_slice %arg7[%sub3A_175, %dma_start3A_181] : memref<128x128xi32, #tpu.memory_space<vmem>> -> memref<1x128xi32, #tpu.memory_space<vmem>>
          %dma_start3A_183 = tpu.memref_squeeze %dma_start3A_182 : memref<1x128xi32, #tpu.memory_space<vmem>> -> memref<128xi32, #tpu.memory_space<vmem>>
          %dma_start3A_184 = arith.constant 0 : i32
          %dma_start3A_185 = arith.constant 0 : i32
          %dma_start3A_186 = tpu.memref_slice %arg2[%dma_start3A_184, %dma_start3A_185] : memref<10000x64xf32, #tpu.memory_space<hbm>> -> memref<10000x64xf32, #tpu.memory_space<hbm>>
          tpu.enqueue_indirect_dma source(%dma_start3A_186 : memref<10000x64xf32, #tpu.memory_space<hbm>>) target(%dma_start3A_180 : memref<128x64xf32, #tpu.memory_space<vmem>>) offsets(%dma_start3A_183 : memref<128xi32, #tpu.memory_space<vmem>>) semaphore(%arg12 : memref<!tpu.dma_semaphore, #tpu.memory_space<semaphore_mem>>)
        } else {
        }
        %run_scoped3A_171 = arith.constant 3 : i32
        "tpu.region"() ({
          %run_scoped3A_172 = tpu.sem_alloc : memref<!tpu.dma_semaphore, #tpu.memory_space<semaphore_mem>>
          %dma_start3A_173 = arith.constant 0 : i32
          %dma_start3A_174 = arith.constant 0 : i32
          %dma_start3A_175 = tpu.memref_slice %arg9[%run_scoped3A_171, %dma_start3A_173, %dma_start3A_174] : memref<4x128x64xf32, #tpu.memory_space<vmem>> -> memref<1x128x64xf32, #tpu.memory_space<vmem>>
          %dma_start3A_176 = tpu.memref_squeeze %dma_start3A_175 : memref<1x128x64xf32, #tpu.memory_space<vmem>> -> memref<128x64xf32, #tpu.memory_space<vmem>>
          %dma_start3A_177 = arith.constant 0 : i32
          %dma_start3A_178 = tpu.memref_slice %arg8[%add3A_150, %dma_start3A_177] : memref<128x128xi32, #tpu.memory_space<vmem>> -> memref<1x128xi32, #tpu.memory_space<vmem>>
          %dma_start3A_179 = tpu.memref_squeeze %dma_start3A_178 : memref<1x128xi32, #tpu.memory_space<vmem>> -> memref<128xi32, #tpu.memory_space<vmem>>
          %dma_start3A_180 = arith.constant 0 : i32
          %dma_start3A_181 = arith.constant 0 : i32
          %dma_start3A_182 = tpu.memref_slice %arg11[%dma_start3A_180, %dma_start3A_181] : memref<10112x64xf32, #tpu.memory_space<vmem_shared>> -> memref<10112x64xf32, #tpu.memory_space<vmem_shared>>
          tpu.enqueue_indirect_dma source(%dma_start3A_176 : memref<128x64xf32, #tpu.memory_space<vmem>>) target(%dma_start3A_182 : memref<10112x64xf32, #tpu.memory_space<vmem_shared>>) offsets(%dma_start3A_179 : memref<128xi32, #tpu.memory_space<vmem>>) semaphore(%run_scoped3A_172 : memref<!tpu.dma_semaphore, #tpu.memory_space<semaphore_mem>>) {add = true}
          %dma_wait3A_183 = arith.constant 0 : i32
          %dma_wait3A_184 = arith.constant 0 : i32
          %dma_wait3A_185 = tpu.memref_slice %arg9[%run_scoped3A_171, %dma_wait3A_183, %dma_wait3A_184] : memref<4x128x64xf32, #tpu.memory_space<vmem>> -> memref<1x128x64xf32, #tpu.memory_space<vmem>>
          %dma_wait3A_186 = tpu.memref_squeeze %dma_wait3A_185 : memref<1x128x64xf32, #tpu.memory_space<vmem>> -> memref<128x64xf32, #tpu.memory_space<vmem>>
          %dma_wait3A_187 = arith.constant 0 : i32
          %dma_wait3A_188 = tpu.memref_slice %arg8[%add3A_150, %dma_wait3A_187] : memref<128x128xi32, #tpu.memory_space<vmem>> -> memref<1x128xi32, #tpu.memory_space<vmem>>
          %dma_wait3A_189 = tpu.memref_squeeze %dma_wait3A_188 : memref<1x128xi32, #tpu.memory_space<vmem>> -> memref<128xi32, #tpu.memory_space<vmem>>
          %dma_wait3A_190 = arith.constant 0 : i32
          %dma_wait3A_191 = arith.constant 0 : i32
          %dma_wait3A_192 = tpu.memref_slice %arg11[%dma_wait3A_190, %dma_wait3A_191] : memref<10112x64xf32, #tpu.memory_space<vmem_shared>> -> memref<10112x64xf32, #tpu.memory_space<vmem_shared>>
          tpu.wait_indirect_dma semaphore(%run_scoped3A_172 : memref<!tpu.dma_semaphore, #tpu.memory_space<semaphore_mem>>) src(%dma_wait3A_186 : memref<128x64xf32, #tpu.memory_space<vmem>>) dst(%dma_wait3A_192 : memref<10112x64xf32, #tpu.memory_space<vmem_shared>>)
          tpu.yield
        }) : () -> ()
      }
      %scan3A_78 = arith.constant 32 : i32
    } else {
    }
    %eq3A_53 = arith.constant 1 : i32
    %eq3A_54 = arith.cmpi eq, %arg0, %eq3A_53 : i32
    %convert_element_type3A_55 = arith.extui %eq3A_54 : i1 to i32
    %cond3A_56 = arith.constant 0 : i32
    %cond3A_57 = arith.cmpi ne, %convert_element_type3A_55, %cond3A_56 : i32
    scf.if %cond3A_57 {
      %scan3A = arith.constant 0 : i32
      %scan3A_75 = arith.constant 8 : i32
      %scan3A_76 = arith.addi %scan3A, %scan3A_75 : i32
      %scan3A_77 = arith.constant 1 : i32
      scf.for %scan3A_79 = %scan3A to %scan3A_76 step %scan3A_77  : i32 {
        %mul3A_80 = arith.constant 4 : i32
        %mul3A_81 = arith.muli %scan3A_79, %mul3A_80 : i32
        %add3A_82 = arith.constant 0 : i32
        %add3A_83 = arith.addi %add3A_82, %mul3A_81 : i32
        %add3A_84 = arith.constant 0 : i32
        %add3A_85 = arith.addi %add3A_83, %add3A_84 : i32
        %dma_wait3A = arith.constant 0 : i32
        %dma_wait3A_86 = arith.constant 0 : i32
        %dma_wait3A_87 = arith.constant 0 : i32
        %dma_wait3A_88 = tpu.memref_slice %arg9[%dma_wait3A, %dma_wait3A_86, %dma_wait3A_87] : memref<4x128x64xf32, #tpu.memory_space<vmem>> -> memref<1x128x64xf32, #tpu.memory_space<vmem>>
        %dma_wait3A_89 = tpu.memref_squeeze %dma_wait3A_88 : memref<1x128x64xf32, #tpu.memory_space<vmem>> -> memref<128x64xf32, #tpu.memory_space<vmem>>
        %dma_wait3A_90 = arith.constant 0 : i32
        %dma_wait3A_91 = tpu.memref_slice %arg7[%add3A_85, %dma_wait3A_90] : memref<128x128xi32, #tpu.memory_space<vmem>> -> memref<1x128xi32, #tpu.memory_space<vmem>>
        %dma_wait3A_92 = tpu.memref_squeeze %dma_wait3A_91 : memref<1x128xi32, #tpu.memory_space<vmem>> -> memref<128xi32, #tpu.memory_space<vmem>>
        %dma_wait3A_93 = arith.constant 0 : i32
        %dma_wait3A_94 = arith.constant 0 : i32
        %dma_wait3A_95 = tpu.memref_slice %arg2[%dma_wait3A_93, %dma_wait3A_94] : memref<10000x64xf32, #tpu.memory_space<hbm>> -> memref<10000x64xf32, #tpu.memory_space<hbm>>
        tpu.wait_indirect_dma semaphore(%arg12 : memref<!tpu.dma_semaphore, #tpu.memory_space<semaphore_mem>>) src(%dma_wait3A_95 : memref<10000x64xf32, #tpu.memory_space<hbm>>) dst(%dma_wait3A_89 : memref<128x64xf32, #tpu.memory_space<vmem>>)
        %add3A_96 = arith.constant 4 : i32
        %add3A_97 = arith.addi %add3A_85, %add3A_96 : i32
        %sub3A = arith.constant 1 : i32
        %sub3A_98 = arith.subi %add3A_97, %sub3A : i32
        %lt3A = arith.constant 32 : i32
        %lt3A_99 = arith.cmpi slt, %sub3A_98, %lt3A : i32
        %convert_element_type3A_100 = arith.extui %lt3A_99 : i1 to i32
        %cond3A_101 = arith.constant 0 : i32
        %cond3A_102 = arith.cmpi ne, %convert_element_type3A_100, %cond3A_101 : i32
        scf.if %cond3A_102 {
          %add3A_172 = arith.constant 4 : i32
          %add3A_173 = arith.addi %add3A_85, %add3A_172 : i32
          %sub3A_174 = arith.constant 1 : i32
          %sub3A_175 = arith.subi %add3A_173, %sub3A_174 : i32
          %dma_start3A_176 = arith.constant 3 : i32
          %dma_start3A_177 = arith.constant 0 : i32
          %dma_start3A_178 = arith.constant 0 : i32
          %dma_start3A_179 = tpu.memref_slice %arg9[%dma_start3A_176, %dma_start3A_177, %dma_start3A_178] : memref<4x128x64xf32, #tpu.memory_space<vmem>> -> memref<1x128x64xf32, #tpu.memory_space<vmem>>
          %dma_start3A_180 = tpu.memref_squeeze %dma_start3A_179 : memref<1x128x64xf32, #tpu.memory_space<vmem>> -> memref<128x64xf32, #tpu.memory_space<vmem>>
          %dma_start3A_181 = arith.constant 0 : i32
          %dma_start3A_182 = tpu.memref_slice %arg7[%sub3A_175, %dma_start3A_181] : memref<128x128xi32, #tpu.memory_space<vmem>> -> memref<1x128xi32, #tpu.memory_space<vmem>>
          %dma_start3A_183 = tpu.memref_squeeze %dma_start3A_182 : memref<1x128xi32, #tpu.memory_space<vmem>> -> memref<128xi32, #tpu.memory_space<vmem>>
          %dma_start3A_184 = arith.constant 0 : i32
          %dma_start3A_185 = arith.constant 0 : i32
          %dma_start3A_186 = tpu.memref_slice %arg2[%dma_start3A_184, %dma_start3A_185] : memref<10000x64xf32, #tpu.memory_space<hbm>> -> memref<10000x64xf32, #tpu.memory_space<hbm>>
          tpu.enqueue_indirect_dma source(%dma_start3A_186 : memref<10000x64xf32, #tpu.memory_space<hbm>>) target(%dma_start3A_180 : memref<128x64xf32, #tpu.memory_space<vmem>>) offsets(%dma_start3A_183 : memref<128xi32, #tpu.memory_space<vmem>>) semaphore(%arg12 : memref<!tpu.dma_semaphore, #tpu.memory_space<semaphore_mem>>)
        } else {
        }
        %run_scoped3A = arith.constant 0 : i32
        "tpu.region"() ({
          %run_scoped3A_172 = tpu.sem_alloc : memref<!tpu.dma_semaphore, #tpu.memory_space<semaphore_mem>>
          %dma_start3A_173 = arith.constant 0 : i32
          %dma_start3A_174 = arith.constant 0 : i32
          %dma_start3A_175 = tpu.memref_slice %arg9[%run_scoped3A, %dma_start3A_173, %dma_start3A_174] : memref<4x128x64xf32, #tpu.memory_space<vmem>> -> memref<1x128x64xf32, #tpu.memory_space<vmem>>
          %dma_start3A_176 = tpu.memref_squeeze %dma_start3A_175 : memref<1x128x64xf32, #tpu.memory_space<vmem>> -> memref<128x64xf32, #tpu.memory_space<vmem>>
          %dma_start3A_177 = arith.constant 0 : i32
          %dma_start3A_178 = tpu.memref_slice %arg8[%add3A_85, %dma_start3A_177] : memref<128x128xi32, #tpu.memory_space<vmem>> -> memref<1x128xi32, #tpu.memory_space<vmem>>
          %dma_start3A_179 = tpu.memref_squeeze %dma_start3A_178 : memref<1x128xi32, #tpu.memory_space<vmem>> -> memref<128xi32, #tpu.memory_space<vmem>>
          %dma_start3A_180 = arith.constant 0 : i32
          %dma_start3A_181 = arith.constant 0 : i32
          %dma_start3A_182 = tpu.memref_slice %arg11[%dma_start3A_180, %dma_start3A_181] : memref<10112x64xf32, #tpu.memory_space<vmem_shared>> -> memref<10112x64xf32, #tpu.memory_space<vmem_shared>>
          tpu.enqueue_indirect_dma source(%dma_start3A_176 : memref<128x64xf32, #tpu.memory_space<vmem>>) target(%dma_start3A_182 : memref<10112x64xf32, #tpu.memory_space<vmem_shared>>) offsets(%dma_start3A_179 : memref<128xi32, #tpu.memory_space<vmem>>) semaphore(%run_scoped3A_172 : memref<!tpu.dma_semaphore, #tpu.memory_space<semaphore_mem>>) {add = true}
          %dma_wait3A_183 = arith.constant 0 : i32
          %dma_wait3A_184 = arith.constant 0 : i32
          %dma_wait3A_185 = tpu.memref_slice %arg9[%run_scoped3A, %dma_wait3A_183, %dma_wait3A_184] : memref<4x128x64xf32, #tpu.memory_space<vmem>> -> memref<1x128x64xf32, #tpu.memory_space<vmem>>
          %dma_wait3A_186 = tpu.memref_squeeze %dma_wait3A_185 : memref<1x128x64xf32, #tpu.memory_space<vmem>> -> memref<128x64xf32, #tpu.memory_space<vmem>>
          %dma_wait3A_187 = arith.constant 0 : i32
          %dma_wait3A_188 = tpu.memref_slice %arg8[%add3A_85, %dma_wait3A_187] : memref<128x128xi32, #tpu.memory_space<vmem>> -> memref<1x128xi32, #tpu.memory_space<vmem>>
          %dma_wait3A_189 = tpu.memref_squeeze %dma_wait3A_188 : memref<1x128xi32, #tpu.memory_space<vmem>> -> memref<128xi32, #tpu.memory_space<vmem>>
          %dma_wait3A_190 = arith.constant 0 : i32
          %dma_wait3A_191 = arith.constant 0 : i32
          %dma_wait3A_192 = tpu.memref_slice %arg11[%dma_wait3A_190, %dma_wait3A_191] : memref<10112x64xf32, #tpu.memory_space<vmem_shared>> -> memref<10112x64xf32, #tpu.memory_space<vmem_shared>>
          tpu.wait_indirect_dma semaphore(%run_scoped3A_172 : memref<!tpu.dma_semaphore, #tpu.memory_space<semaphore_mem>>) src(%dma_wait3A_186 : memref<128x64xf32, #tpu.memory_space<vmem>>) dst(%dma_wait3A_192 : memref<10112x64xf32, #tpu.memory_space<vmem_shared>>)
          tpu.yield
        }) : () -> ()
        %add3A_103 = arith.constant 1 : i32
        %add3A_104 = arith.addi %add3A_83, %add3A_103 : i32
        %dma_wait3A_105 = arith.constant 1 : i32
        %dma_wait3A_106 = arith.constant 0 : i32
        %dma_wait3A_107 = arith.constant 0 : i32
        %dma_wait3A_108 = tpu.memref_slice %arg9[%dma_wait3A_105, %dma_wait3A_106, %dma_wait3A_107] : memref<4x128x64xf32, #tpu.memory_space<vmem>> -> memref<1x128x64xf32, #tpu.memory_space<vmem>>
        %dma_wait3A_109 = tpu.memref_squeeze %dma_wait3A_108 : memref<1x128x64xf32, #tpu.memory_space<vmem>> -> memref<128x64xf32, #tpu.memory_space<vmem>>
        %dma_wait3A_110 = arith.constant 0 : i32
        %dma_wait3A_111 = tpu.memref_slice %arg7[%add3A_104, %dma_wait3A_110] : memref<128x128xi32, #tpu.memory_space<vmem>> -> memref<1x128xi32, #tpu.memory_space<vmem>>
        %dma_wait3A_112 = tpu.memref_squeeze %dma_wait3A_111 : memref<1x128xi32, #tpu.memory_space<vmem>> -> memref<128xi32, #tpu.memory_space<vmem>>
        %dma_wait3A_113 = arith.constant 0 : i32
        %dma_wait3A_114 = arith.constant 0 : i32
        %dma_wait3A_115 = tpu.memref_slice %arg2[%dma_wait3A_113, %dma_wait3A_114] : memref<10000x64xf32, #tpu.memory_space<hbm>> -> memref<10000x64xf32, #tpu.memory_space<hbm>>
        tpu.wait_indirect_dma semaphore(%arg12 : memref<!tpu.dma_semaphore, #tpu.memory_space<semaphore_mem>>) src(%dma_wait3A_115 : memref<10000x64xf32, #tpu.memory_space<hbm>>) dst(%dma_wait3A_109 : memref<128x64xf32, #tpu.memory_space<vmem>>)
        %add3A_116 = arith.constant 4 : i32
        %add3A_117 = arith.addi %add3A_104, %add3A_116 : i32
        %sub3A_118 = arith.constant 1 : i32
        %sub3A_119 = arith.subi %add3A_117, %sub3A_118 : i32
        %lt3A_120 = arith.constant 32 : i32
        %lt3A_121 = arith.cmpi slt, %sub3A_119, %lt3A_120 : i32
        %convert_element_type3A_122 = arith.extui %lt3A_121 : i1 to i32
        %cond3A_123 = arith.constant 0 : i32
        %cond3A_124 = arith.cmpi ne, %convert_element_type3A_122, %cond3A_123 : i32
        scf.if %cond3A_124 {
          %add3A_172 = arith.constant 4 : i32
          %add3A_173 = arith.addi %add3A_104, %add3A_172 : i32
          %sub3A_174 = arith.constant 1 : i32
          %sub3A_175 = arith.subi %add3A_173, %sub3A_174 : i32
          %dma_start3A_176 = arith.constant 0 : i32
          %dma_start3A_177 = arith.constant 0 : i32
          %dma_start3A_178 = arith.constant 0 : i32
          %dma_start3A_179 = tpu.memref_slice %arg9[%dma_start3A_176, %dma_start3A_177, %dma_start3A_178] : memref<4x128x64xf32, #tpu.memory_space<vmem>> -> memref<1x128x64xf32, #tpu.memory_space<vmem>>
          %dma_start3A_180 = tpu.memref_squeeze %dma_start3A_179 : memref<1x128x64xf32, #tpu.memory_space<vmem>> -> memref<128x64xf32, #tpu.memory_space<vmem>>
          %dma_start3A_181 = arith.constant 0 : i32
          %dma_start3A_182 = tpu.memref_slice %arg7[%sub3A_175, %dma_start3A_181] : memref<128x128xi32, #tpu.memory_space<vmem>> -> memref<1x128xi32, #tpu.memory_space<vmem>>
          %dma_start3A_183 = tpu.memref_squeeze %dma_start3A_182 : memref<1x128xi32, #tpu.memory_space<vmem>> -> memref<128xi32, #tpu.memory_space<vmem>>
          %dma_start3A_184 = arith.constant 0 : i32
          %dma_start3A_185 = arith.constant 0 : i32
          %dma_start3A_186 = tpu.memref_slice %arg2[%dma_start3A_184, %dma_start3A_185] : memref<10000x64xf32, #tpu.memory_space<hbm>> -> memref<10000x64xf32, #tpu.memory_space<hbm>>
          tpu.enqueue_indirect_dma source(%dma_start3A_186 : memref<10000x64xf32, #tpu.memory_space<hbm>>) target(%dma_start3A_180 : memref<128x64xf32, #tpu.memory_space<vmem>>) offsets(%dma_start3A_183 : memref<128xi32, #tpu.memory_space<vmem>>) semaphore(%arg12 : memref<!tpu.dma_semaphore, #tpu.memory_space<semaphore_mem>>)
        } else {
        }
        %run_scoped3A_125 = arith.constant 1 : i32
        "tpu.region"() ({
          %run_scoped3A_172 = tpu.sem_alloc : memref<!tpu.dma_semaphore, #tpu.memory_space<semaphore_mem>>
          %dma_start3A_173 = arith.constant 0 : i32
          %dma_start3A_174 = arith.constant 0 : i32
          %dma_start3A_175 = tpu.memref_slice %arg9[%run_scoped3A_125, %dma_start3A_173, %dma_start3A_174] : memref<4x128x64xf32, #tpu.memory_space<vmem>> -> memref<1x128x64xf32, #tpu.memory_space<vmem>>
          %dma_start3A_176 = tpu.memref_squeeze %dma_start3A_175 : memref<1x128x64xf32, #tpu.memory_space<vmem>> -> memref<128x64xf32, #tpu.memory_space<vmem>>
          %dma_start3A_177 = arith.constant 0 : i32
          %dma_start3A_178 = tpu.memref_slice %arg8[%add3A_104, %dma_start3A_177] : memref<128x128xi32, #tpu.memory_space<vmem>> -> memref<1x128xi32, #tpu.memory_space<vmem>>
          %dma_start3A_179 = tpu.memref_squeeze %dma_start3A_178 : memref<1x128xi32, #tpu.memory_space<vmem>> -> memref<128xi32, #tpu.memory_space<vmem>>
          %dma_start3A_180 = arith.constant 0 : i32
          %dma_start3A_181 = arith.constant 0 : i32
          %dma_start3A_182 = tpu.memref_slice %arg11[%dma_start3A_180, %dma_start3A_181] : memref<10112x64xf32, #tpu.memory_space<vmem_shared>> -> memref<10112x64xf32, #tpu.memory_space<vmem_shared>>
          tpu.enqueue_indirect_dma source(%dma_start3A_176 : memref<128x64xf32, #tpu.memory_space<vmem>>) target(%dma_start3A_182 : memref<10112x64xf32, #tpu.memory_space<vmem_shared>>) offsets(%dma_start3A_179 : memref<128xi32, #tpu.memory_space<vmem>>) semaphore(%run_scoped3A_172 : memref<!tpu.dma_semaphore, #tpu.memory_space<semaphore_mem>>) {add = true}
          %dma_wait3A_183 = arith.constant 0 : i32
          %dma_wait3A_184 = arith.constant 0 : i32
          %dma_wait3A_185 = tpu.memref_slice %arg9[%run_scoped3A_125, %dma_wait3A_183, %dma_wait3A_184] : memref<4x128x64xf32, #tpu.memory_space<vmem>> -> memref<1x128x64xf32, #tpu.memory_space<vmem>>
          %dma_wait3A_186 = tpu.memref_squeeze %dma_wait3A_185 : memref<1x128x64xf32, #tpu.memory_space<vmem>> -> memref<128x64xf32, #tpu.memory_space<vmem>>
          %dma_wait3A_187 = arith.constant 0 : i32
          %dma_wait3A_188 = tpu.memref_slice %arg8[%add3A_104, %dma_wait3A_187] : memref<128x128xi32, #tpu.memory_space<vmem>> -> memref<1x128xi32, #tpu.memory_space<vmem>>
          %dma_wait3A_189 = tpu.memref_squeeze %dma_wait3A_188 : memref<1x128xi32, #tpu.memory_space<vmem>> -> memref<128xi32, #tpu.memory_space<vmem>>
          %dma_wait3A_190 = arith.constant 0 : i32
          %dma_wait3A_191 = arith.constant 0 : i32
          %dma_wait3A_192 = tpu.memref_slice %arg11[%dma_wait3A_190, %dma_wait3A_191] : memref<10112x64xf32, #tpu.memory_space<vmem_shared>> -> memref<10112x64xf32, #tpu.memory_space<vmem_shared>>
          tpu.wait_indirect_dma semaphore(%run_scoped3A_172 : memref<!tpu.dma_semaphore, #tpu.memory_space<semaphore_mem>>) src(%dma_wait3A_186 : memref<128x64xf32, #tpu.memory_space<vmem>>) dst(%dma_wait3A_192 : memref<10112x64xf32, #tpu.memory_space<vmem_shared>>)
          tpu.yield
        }) : () -> ()
        %add3A_126 = arith.constant 2 : i32
        %add3A_127 = arith.addi %add3A_83, %add3A_126 : i32
        %dma_wait3A_128 = arith.constant 2 : i32
        %dma_wait3A_129 = arith.constant 0 : i32
        %dma_wait3A_130 = arith.constant 0 : i32
        %dma_wait3A_131 = tpu.memref_slice %arg9[%dma_wait3A_128, %dma_wait3A_129, %dma_wait3A_130] : memref<4x128x64xf32, #tpu.memory_space<vmem>> -> memref<1x128x64xf32, #tpu.memory_space<vmem>>
        %dma_wait3A_132 = tpu.memref_squeeze %dma_wait3A_131 : memref<1x128x64xf32, #tpu.memory_space<vmem>> -> memref<128x64xf32, #tpu.memory_space<vmem>>
        %dma_wait3A_133 = arith.constant 0 : i32
        %dma_wait3A_134 = tpu.memref_slice %arg7[%add3A_127, %dma_wait3A_133] : memref<128x128xi32, #tpu.memory_space<vmem>> -> memref<1x128xi32, #tpu.memory_space<vmem>>
        %dma_wait3A_135 = tpu.memref_squeeze %dma_wait3A_134 : memref<1x128xi32, #tpu.memory_space<vmem>> -> memref<128xi32, #tpu.memory_space<vmem>>
        %dma_wait3A_136 = arith.constant 0 : i32
        %dma_wait3A_137 = arith.constant 0 : i32
        %dma_wait3A_138 = tpu.memref_slice %arg2[%dma_wait3A_136, %dma_wait3A_137] : memref<10000x64xf32, #tpu.memory_space<hbm>> -> memref<10000x64xf32, #tpu.memory_space<hbm>>
        tpu.wait_indirect_dma semaphore(%arg12 : memref<!tpu.dma_semaphore, #tpu.memory_space<semaphore_mem>>) src(%dma_wait3A_138 : memref<10000x64xf32, #tpu.memory_space<hbm>>) dst(%dma_wait3A_132 : memref<128x64xf32, #tpu.memory_space<vmem>>)
        %add3A_139 = arith.constant 4 : i32
        %add3A_140 = arith.addi %add3A_127, %add3A_139 : i32
        %sub3A_141 = arith.constant 1 : i32
        %sub3A_142 = arith.subi %add3A_140, %sub3A_141 : i32
        %lt3A_143 = arith.constant 32 : i32
        %lt3A_144 = arith.cmpi slt, %sub3A_142, %lt3A_143 : i32
        %convert_element_type3A_145 = arith.extui %lt3A_144 : i1 to i32
        %cond3A_146 = arith.constant 0 : i32
        %cond3A_147 = arith.cmpi ne, %convert_element_type3A_145, %cond3A_146 : i32
        scf.if %cond3A_147 {
          %add3A_172 = arith.constant 4 : i32
          %add3A_173 = arith.addi %add3A_127, %add3A_172 : i32
          %sub3A_174 = arith.constant 1 : i32
          %sub3A_175 = arith.subi %add3A_173, %sub3A_174 : i32
          %dma_start3A_176 = arith.constant 1 : i32
          %dma_start3A_177 = arith.constant 0 : i32
          %dma_start3A_178 = arith.constant 0 : i32
          %dma_start3A_179 = tpu.memref_slice %arg9[%dma_start3A_176, %dma_start3A_177, %dma_start3A_178] : memref<4x128x64xf32, #tpu.memory_space<vmem>> -> memref<1x128x64xf32, #tpu.memory_space<vmem>>
          %dma_start3A_180 = tpu.memref_squeeze %dma_start3A_179 : memref<1x128x64xf32, #tpu.memory_space<vmem>> -> memref<128x64xf32, #tpu.memory_space<vmem>>
          %dma_start3A_181 = arith.constant 0 : i32
          %dma_start3A_182 = tpu.memref_slice %arg7[%sub3A_175, %dma_start3A_181] : memref<128x128xi32, #tpu.memory_space<vmem>> -> memref<1x128xi32, #tpu.memory_space<vmem>>
          %dma_start3A_183 = tpu.memref_squeeze %dma_start3A_182 : memref<1x128xi32, #tpu.memory_space<vmem>> -> memref<128xi32, #tpu.memory_space<vmem>>
          %dma_start3A_184 = arith.constant 0 : i32
          %dma_start3A_185 = arith.constant 0 : i32
          %dma_start3A_186 = tpu.memref_slice %arg2[%dma_start3A_184, %dma_start3A_185] : memref<10000x64xf32, #tpu.memory_space<hbm>> -> memref<10000x64xf32, #tpu.memory_space<hbm>>
          tpu.enqueue_indirect_dma source(%dma_start3A_186 : memref<10000x64xf32, #tpu.memory_space<hbm>>) target(%dma_start3A_180 : memref<128x64xf32, #tpu.memory_space<vmem>>) offsets(%dma_start3A_183 : memref<128xi32, #tpu.memory_space<vmem>>) semaphore(%arg12 : memref<!tpu.dma_semaphore, #tpu.memory_space<semaphore_mem>>)
        } else {
        }
        %run_scoped3A_148 = arith.constant 2 : i32
        "tpu.region"() ({
          %run_scoped3A_172 = tpu.sem_alloc : memref<!tpu.dma_semaphore, #tpu.memory_space<semaphore_mem>>
          %dma_start3A_173 = arith.constant 0 : i32
          %dma_start3A_174 = arith.constant 0 : i32
          %dma_start3A_175 = tpu.memref_slice %arg9[%run_scoped3A_148, %dma_start3A_173, %dma_start3A_174] : memref<4x128x64xf32, #tpu.memory_space<vmem>> -> memref<1x128x64xf32, #tpu.memory_space<vmem>>
          %dma_start3A_176 = tpu.memref_squeeze %dma_start3A_175 : memref<1x128x64xf32, #tpu.memory_space<vmem>> -> memref<128x64xf32, #tpu.memory_space<vmem>>
          %dma_start3A_177 = arith.constant 0 : i32
          %dma_start3A_178 = tpu.memref_slice %arg8[%add3A_127, %dma_start3A_177] : memref<128x128xi32, #tpu.memory_space<vmem>> -> memref<1x128xi32, #tpu.memory_space<vmem>>
          %dma_start3A_179 = tpu.memref_squeeze %dma_start3A_178 : memref<1x128xi32, #tpu.memory_space<vmem>> -> memref<128xi32, #tpu.memory_space<vmem>>
          %dma_start3A_180 = arith.constant 0 : i32
          %dma_start3A_181 = arith.constant 0 : i32
          %dma_start3A_182 = tpu.memref_slice %arg11[%dma_start3A_180, %dma_start3A_181] : memref<10112x64xf32, #tpu.memory_space<vmem_shared>> -> memref<10112x64xf32, #tpu.memory_space<vmem_shared>>
          tpu.enqueue_indirect_dma source(%dma_start3A_176 : memref<128x64xf32, #tpu.memory_space<vmem>>) target(%dma_start3A_182 : memref<10112x64xf32, #tpu.memory_space<vmem_shared>>) offsets(%dma_start3A_179 : memref<128xi32, #tpu.memory_space<vmem>>) semaphore(%run_scoped3A_172 : memref<!tpu.dma_semaphore, #tpu.memory_space<semaphore_mem>>) {add = true}
          %dma_wait3A_183 = arith.constant 0 : i32
          %dma_wait3A_184 = arith.constant 0 : i32
          %dma_wait3A_185 = tpu.memref_slice %arg9[%run_scoped3A_148, %dma_wait3A_183, %dma_wait3A_184] : memref<4x128x64xf32, #tpu.memory_space<vmem>> -> memref<1x128x64xf32, #tpu.memory_space<vmem>>
          %dma_wait3A_186 = tpu.memref_squeeze %dma_wait3A_185 : memref<1x128x64xf32, #tpu.memory_space<vmem>> -> memref<128x64xf32, #tpu.memory_space<vmem>>
          %dma_wait3A_187 = arith.constant 0 : i32
          %dma_wait3A_188 = tpu.memref_slice %arg8[%add3A_127, %dma_wait3A_187] : memref<128x128xi32, #tpu.memory_space<vmem>> -> memref<1x128xi32, #tpu.memory_space<vmem>>
          %dma_wait3A_189 = tpu.memref_squeeze %dma_wait3A_188 : memref<1x128xi32, #tpu.memory_space<vmem>> -> memref<128xi32, #tpu.memory_space<vmem>>
          %dma_wait3A_190 = arith.constant 0 : i32
          %dma_wait3A_191 = arith.constant 0 : i32
          %dma_wait3A_192 = tpu.memref_slice %arg11[%dma_wait3A_190, %dma_wait3A_191] : memref<10112x64xf32, #tpu.memory_space<vmem_shared>> -> memref<10112x64xf32, #tpu.memory_space<vmem_shared>>
          tpu.wait_indirect_dma semaphore(%run_scoped3A_172 : memref<!tpu.dma_semaphore, #tpu.memory_space<semaphore_mem>>) src(%dma_wait3A_186 : memref<128x64xf32, #tpu.memory_space<vmem>>) dst(%dma_wait3A_192 : memref<10112x64xf32, #tpu.memory_space<vmem_shared>>)
          tpu.yield
        }) : () -> ()
        %add3A_149 = arith.constant 3 : i32
        %add3A_150 = arith.addi %add3A_83, %add3A_149 : i32
        %dma_wait3A_151 = arith.constant 3 : i32
        %dma_wait3A_152 = arith.constant 0 : i32
        %dma_wait3A_153 = arith.constant 0 : i32
        %dma_wait3A_154 = tpu.memref_slice %arg9[%dma_wait3A_151, %dma_wait3A_152, %dma_wait3A_153] : memref<4x128x64xf32, #tpu.memory_space<vmem>> -> memref<1x128x64xf32, #tpu.memory_space<vmem>>
        %dma_wait3A_155 = tpu.memref_squeeze %dma_wait3A_154 : memref<1x128x64xf32, #tpu.memory_space<vmem>> -> memref<128x64xf32, #tpu.memory_space<vmem>>
        %dma_wait3A_156 = arith.constant 0 : i32
        %dma_wait3A_157 = tpu.memref_slice %arg7[%add3A_150, %dma_wait3A_156] : memref<128x128xi32, #tpu.memory_space<vmem>> -> memref<1x128xi32, #tpu.memory_space<vmem>>
        %dma_wait3A_158 = tpu.memref_squeeze %dma_wait3A_157 : memref<1x128xi32, #tpu.memory_space<vmem>> -> memref<128xi32, #tpu.memory_space<vmem>>
        %dma_wait3A_159 = arith.constant 0 : i32
        %dma_wait3A_160 = arith.constant 0 : i32
        %dma_wait3A_161 = tpu.memref_slice %arg2[%dma_wait3A_159, %dma_wait3A_160] : memref<10000x64xf32, #tpu.memory_space<hbm>> -> memref<10000x64xf32, #tpu.memory_space<hbm>>
        tpu.wait_indirect_dma semaphore(%arg12 : memref<!tpu.dma_semaphore, #tpu.memory_space<semaphore_mem>>) src(%dma_wait3A_161 : memref<10000x64xf32, #tpu.memory_space<hbm>>) dst(%dma_wait3A_155 : memref<128x64xf32, #tpu.memory_space<vmem>>)
        %add3A_162 = arith.constant 4 : i32
        %add3A_163 = arith.addi %add3A_150, %add3A_162 : i32
        %sub3A_164 = arith.constant 1 : i32
        %sub3A_165 = arith.subi %add3A_163, %sub3A_164 : i32
        %lt3A_166 = arith.constant 32 : i32
        %lt3A_167 = arith.cmpi slt, %sub3A_165, %lt3A_166 : i32
        %convert_element_type3A_168 = arith.extui %lt3A_167 : i1 to i32
        %cond3A_169 = arith.constant 0 : i32
        %cond3A_170 = arith.cmpi ne, %convert_element_type3A_168, %cond3A_169 : i32
        scf.if %cond3A_170 {
          %add3A_172 = arith.constant 4 : i32
          %add3A_173 = arith.addi %add3A_150, %add3A_172 : i32
          %sub3A_174 = arith.constant 1 : i32
          %sub3A_175 = arith.subi %add3A_173, %sub3A_174 : i32
          %dma_start3A_176 = arith.constant 2 : i32
          %dma_start3A_177 = arith.constant 0 : i32
          %dma_start3A_178 = arith.constant 0 : i32
          %dma_start3A_179 = tpu.memref_slice %arg9[%dma_start3A_176, %dma_start3A_177, %dma_start3A_178] : memref<4x128x64xf32, #tpu.memory_space<vmem>> -> memref<1x128x64xf32, #tpu.memory_space<vmem>>
          %dma_start3A_180 = tpu.memref_squeeze %dma_start3A_179 : memref<1x128x64xf32, #tpu.memory_space<vmem>> -> memref<128x64xf32, #tpu.memory_space<vmem>>
          %dma_start3A_181 = arith.constant 0 : i32
          %dma_start3A_182 = tpu.memref_slice %arg7[%sub3A_175, %dma_start3A_181] : memref<128x128xi32, #tpu.memory_space<vmem>> -> memref<1x128xi32, #tpu.memory_space<vmem>>
          %dma_start3A_183 = tpu.memref_squeeze %dma_start3A_182 : memref<1x128xi32, #tpu.memory_space<vmem>> -> memref<128xi32, #tpu.memory_space<vmem>>
          %dma_start3A_184 = arith.constant 0 : i32
          %dma_start3A_185 = arith.constant 0 : i32
          %dma_start3A_186 = tpu.memref_slice %arg2[%dma_start3A_184, %dma_start3A_185] : memref<10000x64xf32, #tpu.memory_space<hbm>> -> memref<10000x64xf32, #tpu.memory_space<hbm>>
          tpu.enqueue_indirect_dma source(%dma_start3A_186 : memref<10000x64xf32, #tpu.memory_space<hbm>>) target(%dma_start3A_180 : memref<128x64xf32, #tpu.memory_space<vmem>>) offsets(%dma_start3A_183 : memref<128xi32, #tpu.memory_space<vmem>>) semaphore(%arg12 : memref<!tpu.dma_semaphore, #tpu.memory_space<semaphore_mem>>)
        } else {
        }
        %run_scoped3A_171 = arith.constant 3 : i32
        "tpu.region"() ({
          %run_scoped3A_172 = tpu.sem_alloc : memref<!tpu.dma_semaphore, #tpu.memory_space<semaphore_mem>>
          %dma_start3A_173 = arith.constant 0 : i32
          %dma_start3A_174 = arith.constant 0 : i32
          %dma_start3A_175 = tpu.memref_slice %arg9[%run_scoped3A_171, %dma_start3A_173, %dma_start3A_174] : memref<4x128x64xf32, #tpu.memory_space<vmem>> -> memref<1x128x64xf32, #tpu.memory_space<vmem>>
          %dma_start3A_176 = tpu.memref_squeeze %dma_start3A_175 : memref<1x128x64xf32, #tpu.memory_space<vmem>> -> memref<128x64xf32, #tpu.memory_space<vmem>>
          %dma_start3A_177 = arith.constant 0 : i32
          %dma_start3A_178 = tpu.memref_slice %arg8[%add3A_150, %dma_start3A_177] : memref<128x128xi32, #tpu.memory_space<vmem>> -> memref<1x128xi32, #tpu.memory_space<vmem>>
          %dma_start3A_179 = tpu.memref_squeeze %dma_start3A_178 : memref<1x128xi32, #tpu.memory_space<vmem>> -> memref<128xi32, #tpu.memory_space<vmem>>
          %dma_start3A_180 = arith.constant 0 : i32
          %dma_start3A_181 = arith.constant 0 : i32
          %dma_start3A_182 = tpu.memref_slice %arg11[%dma_start3A_180, %dma_start3A_181] : memref<10112x64xf32, #tpu.memory_space<vmem_shared>> -> memref<10112x64xf32, #tpu.memory_space<vmem_shared>>
          tpu.enqueue_indirect_dma source(%dma_start3A_176 : memref<128x64xf32, #tpu.memory_space<vmem>>) target(%dma_start3A_182 : memref<10112x64xf32, #tpu.memory_space<vmem_shared>>) offsets(%dma_start3A_179 : memref<128xi32, #tpu.memory_space<vmem>>) semaphore(%run_scoped3A_172 : memref<!tpu.dma_semaphore, #tpu.memory_space<semaphore_mem>>) {add = true}
          %dma_wait3A_183 = arith.constant 0 : i32
          %dma_wait3A_184 = arith.constant 0 : i32
          %dma_wait3A_185 = tpu.memref_slice %arg9[%run_scoped3A_171, %dma_wait3A_183, %dma_wait3A_184] : memref<4x128x64xf32, #tpu.memory_space<vmem>> -> memref<1x128x64xf32, #tpu.memory_space<vmem>>
          %dma_wait3A_186 = tpu.memref_squeeze %dma_wait3A_185 : memref<1x128x64xf32, #tpu.memory_space<vmem>> -> memref<128x64xf32, #tpu.memory_space<vmem>>
          %dma_wait3A_187 = arith.constant 0 : i32
          %dma_wait3A_188 = tpu.memref_slice %arg8[%add3A_150, %dma_wait3A_187] : memref<128x128xi32, #tpu.memory_space<vmem>> -> memref<1x128xi32, #tpu.memory_space<vmem>>
          %dma_wait3A_189 = tpu.memref_squeeze %dma_wait3A_188 : memref<1x128xi32, #tpu.memory_space<vmem>> -> memref<128xi32, #tpu.memory_space<vmem>>
          %dma_wait3A_190 = arith.constant 0 : i32
          %dma_wait3A_191 = arith.constant 0 : i32
          %dma_wait3A_192 = tpu.memref_slice %arg11[%dma_wait3A_190, %dma_wait3A_191] : memref<10112x64xf32, #tpu.memory_space<vmem_shared>> -> memref<10112x64xf32, #tpu.memory_space<vmem_shared>>
          tpu.wait_indirect_dma semaphore(%run_scoped3A_172 : memref<!tpu.dma_semaphore, #tpu.memory_space<semaphore_mem>>) src(%dma_wait3A_186 : memref<128x64xf32, #tpu.memory_space<vmem>>) dst(%dma_wait3A_192 : memref<10112x64xf32, #tpu.memory_space<vmem_shared>>)
          tpu.yield
        }) : () -> ()
      }
      %scan3A_78 = arith.constant 8 : i32
    } else {
    }
    %barrier3A_58 = arith.constant 0 : index
    tpu.barrier barrier_id(%barrier3A_58)
    %mul3A_59 = arith.constant 632 : i32
    %mul3A_60 = arith.muli %arg1, %mul3A_59 : i32
    %add3A_61 = arith.constant 0 : i32
    %add3A_62 = arith.addi %mul3A_60, %add3A_61 : i32
    "tpu.region"() ({
      %run_scoped3A = tpu.sem_alloc : memref<!tpu.dma_semaphore, #tpu.memory_space<semaphore_mem>>
      %dma_start3A_75 = arith.constant 0 : i32
      %dma_start3A_76 = tpu.memref_slice %arg11[%add3A_62, %dma_start3A_75] : memref<10112x64xf32, #tpu.memory_space<vmem_shared>> -> memref<316x64xf32, #tpu.memory_space<vmem_shared>>
      %dma_start3A_77 = arith.constant 0 : i32
      %dma_start3A_78 = tpu.memref_slice %arg11[%add3A_62, %dma_start3A_77] : memref<10112x64xf32, #tpu.memory_space<vmem_shared>> -> memref<316x64xf32, #tpu.memory_space<vmem_shared>>
      tpu.enqueue_dma source(%dma_start3A_78 : memref<316x64xf32, #tpu.memory_space<vmem_shared>>) target(%arg10 : memref<316x64xf32, #tpu.memory_space<vmem>>) target_semaphore(%run_scoped3A : memref<!tpu.dma_semaphore, #tpu.memory_space<semaphore_mem>>)
      %dma_wait3A = arith.constant 0 : i32
      %dma_wait3A_79 = tpu.memref_slice %arg11[%add3A_62, %dma_wait3A] : memref<10112x64xf32, #tpu.memory_space<vmem_shared>> -> memref<316x64xf32, #tpu.memory_space<vmem_shared>>
      %dma_wait3A_80 = arith.constant 0 : i32
      %dma_wait3A_81 = tpu.memref_slice %arg11[%add3A_62, %dma_wait3A_80] : memref<10112x64xf32, #tpu.memory_space<vmem_shared>> -> memref<316x64xf32, #tpu.memory_space<vmem_shared>>
      tpu.wait_dma2 semaphore(%run_scoped3A : memref<!tpu.dma_semaphore, #tpu.memory_space<semaphore_mem>>) src(%dma_wait3A_81 : memref<316x64xf32, #tpu.memory_space<vmem_shared>>) dst(%arg10 : memref<316x64xf32, #tpu.memory_space<vmem>>)
      tpu.yield
    }) : () -> ()
    %mul3A_63 = arith.constant 632 : i32
    %mul3A_64 = arith.muli %arg1, %mul3A_63 : i32
    %add3A_65 = arith.constant 0 : i32
    %add3A_66 = arith.addi %mul3A_64, %add3A_65 : i32
    "tpu.region"() ({
      %run_scoped3A = tpu.sem_alloc : memref<!tpu.dma_semaphore, #tpu.memory_space<semaphore_mem>>
      %dma_start3A_75 = arith.constant 0 : i32
      %dma_start3A_76 = tpu.memref_slice %arg6[%arg0, %add3A_66, %dma_start3A_75] : memref<2x10112x64xf32, #tpu.memory_space<hbm>> -> memref<1x316x64xf32, #tpu.memory_space<hbm>>
      %dma_start3A_77 = tpu.memref_squeeze %dma_start3A_76 : memref<1x316x64xf32, #tpu.memory_space<hbm>> -> memref<316x64xf32, #tpu.memory_space<hbm>>
      %dma_start3A_78 = arith.constant 0 : i32
      %dma_start3A_79 = tpu.memref_slice %arg6[%arg0, %add3A_66, %dma_start3A_78] : memref<2x10112x64xf32, #tpu.memory_space<hbm>> -> memref<1x316x64xf32, #tpu.memory_space<hbm>>
      %dma_start3A_80 = tpu.memref_squeeze %dma_start3A_79 : memref<1x316x64xf32, #tpu.memory_space<hbm>> -> memref<316x64xf32, #tpu.memory_space<hbm>>
      tpu.enqueue_dma source(%arg10 : memref<316x64xf32, #tpu.memory_space<vmem>>) target(%dma_start3A_80 : memref<316x64xf32, #tpu.memory_space<hbm>>) target_semaphore(%run_scoped3A : memref<!tpu.dma_semaphore, #tpu.memory_space<semaphore_mem>>)
      %dma_wait3A = arith.constant 0 : i32
      %dma_wait3A_81 = tpu.memref_slice %arg6[%arg0, %add3A_66, %dma_wait3A] : memref<2x10112x64xf32, #tpu.memory_space<hbm>> -> memref<1x316x64xf32, #tpu.memory_space<hbm>>
      %dma_wait3A_82 = tpu.memref_squeeze %dma_wait3A_81 : memref<1x316x64xf32, #tpu.memory_space<hbm>> -> memref<316x64xf32, #tpu.memory_space<hbm>>
      %dma_wait3A_83 = arith.constant 0 : i32
      %dma_wait3A_84 = tpu.memref_slice %arg6[%arg0, %add3A_66, %dma_wait3A_83] : memref<2x10112x64xf32, #tpu.memory_space<hbm>> -> memref<1x316x64xf32, #tpu.memory_space<hbm>>
      %dma_wait3A_85 = tpu.memref_squeeze %dma_wait3A_84 : memref<1x316x64xf32, #tpu.memory_space<hbm>> -> memref<316x64xf32, #tpu.memory_space<hbm>>
      tpu.wait_dma2 semaphore(%run_scoped3A : memref<!tpu.dma_semaphore, #tpu.memory_space<semaphore_mem>>) src(%arg10 : memref<316x64xf32, #tpu.memory_space<vmem>>) dst(%dma_wait3A_85 : memref<316x64xf32, #tpu.memory_space<hbm>>)
      tpu.yield
    }) : () -> ()
    %mul3A_67 = arith.constant 632 : i32
    %mul3A_68 = arith.muli %arg1, %mul3A_67 : i32
    %add3A_69 = arith.constant 316 : i32
    %add3A_70 = arith.addi %mul3A_68, %add3A_69 : i32
    "tpu.region"() ({
      %run_scoped3A = tpu.sem_alloc : memref<!tpu.dma_semaphore, #tpu.memory_space<semaphore_mem>>
      %dma_start3A_75 = arith.constant 0 : i32
      %dma_start3A_76 = tpu.memref_slice %arg11[%add3A_70, %dma_start3A_75] : memref<10112x64xf32, #tpu.memory_space<vmem_shared>> -> memref<316x64xf32, #tpu.memory_space<vmem_shared>>
      %dma_start3A_77 = arith.constant 0 : i32
      %dma_start3A_78 = tpu.memref_slice %arg11[%add3A_70, %dma_start3A_77] : memref<10112x64xf32, #tpu.memory_space<vmem_shared>> -> memref<316x64xf32, #tpu.memory_space<vmem_shared>>
      tpu.enqueue_dma source(%dma_start3A_78 : memref<316x64xf32, #tpu.memory_space<vmem_shared>>) target(%arg10 : memref<316x64xf32, #tpu.memory_space<vmem>>) target_semaphore(%run_scoped3A : memref<!tpu.dma_semaphore, #tpu.memory_space<semaphore_mem>>)
      %dma_wait3A = arith.constant 0 : i32
      %dma_wait3A_79 = tpu.memref_slice %arg11[%add3A_70, %dma_wait3A] : memref<10112x64xf32, #tpu.memory_space<vmem_shared>> -> memref<316x64xf32, #tpu.memory_space<vmem_shared>>
      %dma_wait3A_80 = arith.constant 0 : i32
      %dma_wait3A_81 = tpu.memref_slice %arg11[%add3A_70, %dma_wait3A_80] : memref<10112x64xf32, #tpu.memory_space<vmem_shared>> -> memref<316x64xf32, #tpu.memory_space<vmem_shared>>
      tpu.wait_dma2 semaphore(%run_scoped3A : memref<!tpu.dma_semaphore, #tpu.memory_space<semaphore_mem>>) src(%dma_wait3A_81 : memref<316x64xf32, #tpu.memory_space<vmem_shared>>) dst(%arg10 : memref<316x64xf32, #tpu.memory_space<vmem>>)
      tpu.yield
    }) : () -> ()
    %mul3A_71 = arith.constant 632 : i32
    %mul3A_72 = arith.muli %arg1, %mul3A_71 : i32
    %add3A_73 = arith.constant 316 : i32
    %add3A_74 = arith.addi %mul3A_72, %add3A_73 : i32
    "tpu.region"() ({
      %run_scoped3A = tpu.sem_alloc : memref<!tpu.dma_semaphore, #tpu.memory_space<semaphore_mem>>
      %dma_start3A_75 = arith.constant 0 : i32
      %dma_start3A_76 = tpu.memref_slice %arg6[%arg0, %add3A_74, %dma_start3A_75] : memref<2x10112x64xf32, #tpu.memory_space<hbm>> -> memref<1x316x64xf32, #tpu.memory_space<hbm>>
      %dma_start3A_77 = tpu.memref_squeeze %dma_start3A_76 : memref<1x316x64xf32, #tpu.memory_space<hbm>> -> memref<316x64xf32, #tpu.memory_space<hbm>>
      %dma_start3A_78 = arith.constant 0 : i32
      %dma_start3A_79 = tpu.memref_slice %arg6[%arg0, %add3A_74, %dma_start3A_78] : memref<2x10112x64xf32, #tpu.memory_space<hbm>> -> memref<1x316x64xf32, #tpu.memory_space<hbm>>
      %dma_start3A_80 = tpu.memref_squeeze %dma_start3A_79 : memref<1x316x64xf32, #tpu.memory_space<hbm>> -> memref<316x64xf32, #tpu.memory_space<hbm>>
      tpu.enqueue_dma source(%arg10 : memref<316x64xf32, #tpu.memory_space<vmem>>) target(%dma_start3A_80 : memref<316x64xf32, #tpu.memory_space<hbm>>) target_semaphore(%run_scoped3A : memref<!tpu.dma_semaphore, #tpu.memory_space<semaphore_mem>>)
      %dma_wait3A = arith.constant 0 : i32
      %dma_wait3A_81 = tpu.memref_slice %arg6[%arg0, %add3A_74, %dma_wait3A] : memref<2x10112x64xf32, #tpu.memory_space<hbm>> -> memref<1x316x64xf32, #tpu.memory_space<hbm>>
      %dma_wait3A_82 = tpu.memref_squeeze %dma_wait3A_81 : memref<1x316x64xf32, #tpu.memory_space<hbm>> -> memref<316x64xf32, #tpu.memory_space<hbm>>
      %dma_wait3A_83 = arith.constant 0 : i32
      %dma_wait3A_84 = tpu.memref_slice %arg6[%arg0, %add3A_74, %dma_wait3A_83] : memref<2x10112x64xf32, #tpu.memory_space<hbm>> -> memref<1x316x64xf32, #tpu.memory_space<hbm>>
      %dma_wait3A_85 = tpu.memref_squeeze %dma_wait3A_84 : memref<1x316x64xf32, #tpu.memory_space<hbm>> -> memref<316x64xf32, #tpu.memory_space<hbm>>
      tpu.wait_dma2 semaphore(%run_scoped3A : memref<!tpu.dma_semaphore, #tpu.memory_space<semaphore_mem>>) src(%arg10 : memref<316x64xf32, #tpu.memory_space<vmem>>) dst(%dma_wait3A_85 : memref<316x64xf32, #tpu.memory_space<hbm>>)
      tpu.yield
    }) : () -> ()
    return
  }
}

module attributes {stable_mosaic.version = 14 : i64} {
  func.func @_dense1_body(%arg0: memref<10000x128xf32, #tpu.memory_space<vmem>>, %arg1: memref<1x128xf32, #tpu.memory_space<vmem>>, %arg2: memref<1x128xf32, #tpu.memory_space<vmem>>, %arg3: memref<1x128xf32, #tpu.memory_space<vmem>>, %arg4: memref<128x64xf32, #tpu.memory_space<vmem>>, %arg5: memref<2x10112x8xf32, #tpu.memory_space<vmem>>, %arg6: memref<10000x64xf32, #tpu.memory_space<vmem>>, %arg7: memref<10000x1xf32, #tpu.memory_space<vmem>>) attributes {dimension_semantics = [], scalar_prefetch = 0 : i64, scratch_operands = 0 : i64, tpu.core_type = #tpu.core_type<tc>} {
    %get3A = arith.constant 0 : index
    %get3A_0 = arith.constant 0 : index
    %get3A_1 = vector.load %arg0[%get3A, %get3A_0] : memref<10000x128xf32, #tpu.memory_space<vmem>>, vector<10000x128xf32>
    %reduce_sum3A = arith.constant dense<0.000000e+00> : vector<128xf32>
    %reduce_sum3A_2 = vector.multi_reduction <add>, %get3A_1, %reduce_sum3A [0] : vector<10000x128xf32> to vector<128xf32>
    %broadcast_in_dim3A = vector.shape_cast %reduce_sum3A_2 : vector<128xf32> to vector<1x128xf32>
    %div3A = arith.constant 1.000000e+04 : f32
    %div3A_3 = vector.broadcast %div3A : f32 to vector<1x128xf32>
    %div3A_4 = arith.divf %broadcast_in_dim3A, %div3A_3 : vector<1x128xf32>
    %get3A_5 = arith.constant 0 : index
    %get3A_6 = arith.constant 0 : index
    %get3A_7 = vector.load %arg3[%get3A_5, %get3A_6] : memref<1x128xf32, #tpu.memory_space<vmem>>, vector<1x128xf32>
    %mul3A = arith.mulf %div3A_4, %get3A_7 : vector<1x128xf32>
    %sub3A = vector.broadcast %mul3A : vector<1x128xf32> to vector<10000x128xf32>
    %sub3A_8 = arith.subf %get3A_1, %sub3A : vector<10000x128xf32>
    %mul3A_9 = arith.mulf %sub3A_8, %sub3A_8 : vector<10000x128xf32>
    %reduce_sum3A_10 = arith.constant dense<0.000000e+00> : vector<128xf32>
    %reduce_sum3A_11 = vector.multi_reduction <add>, %mul3A_9, %reduce_sum3A_10 [0] : vector<10000x128xf32> to vector<128xf32>
    %broadcast_in_dim3A_12 = vector.shape_cast %reduce_sum3A_11 : vector<128xf32> to vector<1x128xf32>
    %div3A_13 = arith.constant 1.000000e+04 : f32
    %div3A_14 = vector.broadcast %div3A_13 : f32 to vector<1x128xf32>
    %div3A_15 = arith.divf %broadcast_in_dim3A_12, %div3A_14 : vector<1x128xf32>
    %get3A_16 = arith.constant 0 : index
    %get3A_17 = arith.constant 0 : index
    %get3A_18 = vector.load %arg1[%get3A_16, %get3A_17] : memref<1x128xf32, #tpu.memory_space<vmem>>, vector<1x128xf32>
    %mul3A_19 = vector.broadcast %get3A_18 : vector<1x128xf32> to vector<10000x128xf32>
    %mul3A_20 = arith.mulf %mul3A_19, %sub3A_8 : vector<10000x128xf32>
    %add3A = arith.constant 9.99999974E-6 : f32
    %add3A_21 = vector.broadcast %add3A : f32 to vector<1x128xf32>
    %add3A_22 = arith.addf %div3A_15, %add3A_21 : vector<1x128xf32>
    %sqrt3A = math.sqrt %add3A_22 : vector<1x128xf32>
    %div3A_23 = vector.broadcast %sqrt3A : vector<1x128xf32> to vector<10000x128xf32>
    %div3A_24 = arith.divf %mul3A_20, %div3A_23 : vector<10000x128xf32>
    %get3A_25 = arith.constant 0 : index
    %get3A_26 = arith.constant 0 : index
    %get3A_27 = vector.load %arg2[%get3A_25, %get3A_26] : memref<1x128xf32, #tpu.memory_space<vmem>>, vector<1x128xf32>
    %add3A_28 = vector.broadcast %get3A_27 : vector<1x128xf32> to vector<10000x128xf32>
    %add3A_29 = arith.addf %div3A_24, %add3A_28 : vector<10000x128xf32>
    %get3A_30 = arith.constant 0 : index
    %get3A_31 = arith.constant 0 : index
    %get3A_32 = vector.load %arg4[%get3A_30, %get3A_31] : memref<128x64xf32, #tpu.memory_space<vmem>>, vector<128x64xf32>
    %dot_general3A = arith.constant dense<0.000000e+00> : vector<10000x64xf32>
    %dot_general3A_33 = tpu.matmul %add3A_29, %get3A_32, %dot_general3A {dimension_numbers = #tpu.dot_dimension_numbers<[1], [0], [0], [1], [0, 0, 1, 1], [], []>, transpose_lhs_hint = false} : vector<10000x128xf32>, vector<128x64xf32>, vector<10000x64xf32> -> vector<10000x64xf32>
    %get3A_34 = arith.constant 0 : index
    %get3A_35 = arith.constant 0 : index
    %get3A_36 = arith.constant 0 : index
    %get3A_37 = vector.load %arg5[%get3A_34, %get3A_35, %get3A_36] : memref<2x10112x8xf32, #tpu.memory_space<vmem>>, vector<1x10000x1xf32>
    %get3A_38 = vector.shape_cast %get3A_37 : vector<1x10000x1xf32> to vector<10000x1xf32>
    %get3A_39 = arith.constant 1 : index
    %get3A_40 = arith.constant 0 : index
    %get3A_41 = arith.constant 0 : index
    %get3A_42 = vector.load %arg5[%get3A_39, %get3A_40, %get3A_41] : memref<2x10112x8xf32, #tpu.memory_space<vmem>>, vector<1x10000x1xf32>
    %get3A_43 = vector.shape_cast %get3A_42 : vector<1x10000x1xf32> to vector<10000x1xf32>
    %add3A_44 = arith.addf %get3A_38, %get3A_43 : vector<10000x1xf32>
    %add3A_45 = arith.constant 1.000000e+00 : f32
    %add3A_46 = vector.broadcast %add3A_45 : f32 to vector<10000x1xf32>
    %add3A_47 = arith.addf %add3A_44, %add3A_46 : vector<10000x1xf32>
    %rsqrt3A = math.rsqrt %add3A_47 : vector<10000x1xf32>
    %swap3A = arith.constant 0 : index
    %swap3A_48 = arith.constant 0 : index
    %swap3A_49 = vector.load %arg7[%swap3A, %swap3A_48] : memref<10000x1xf32, #tpu.memory_space<vmem>>, vector<10000x1xf32>
    tpu.vector_store %arg7[%swap3A, %swap3A_48], %rsqrt3A {strides = array<i32>} : memref<10000x1xf32, #tpu.memory_space<vmem>>, vector<10000x1xf32>,
    %mul3A_50 = vector.broadcast %rsqrt3A : vector<10000x1xf32> to vector<10000x64xf32>
    %mul3A_51 = arith.mulf %mul3A_50, %dot_general3A_33 : vector<10000x64xf32>
    %swap3A_52 = arith.constant 0 : index
    %swap3A_53 = arith.constant 0 : index
    %swap3A_54 = vector.load %arg6[%swap3A_52, %swap3A_53] : memref<10000x64xf32, #tpu.memory_space<vmem>>, vector<10000x64xf32>
    tpu.vector_store %arg6[%swap3A_52, %swap3A_53], %mul3A_51 {strides = array<i32>} : memref<10000x64xf32, #tpu.memory_space<vmem>>, vector<10000x64xf32>,
    return
  }
}

module attributes {stable_mosaic.version = 14 : i64} {
  func.func @_dense2_body(%arg0: memref<2x10112x64xf32, #tpu.memory_space<vmem>>, %arg1: memref<10000x64xf32, #tpu.memory_space<vmem>>, %arg2: memref<10000x1xf32, #tpu.memory_space<vmem>>, %arg3: memref<1x64xf32, #tpu.memory_space<vmem>>, %arg4: memref<10000x64xf32, #tpu.memory_space<vmem>>) attributes {dimension_semantics = [], scalar_prefetch = 0 : i64, scratch_operands = 0 : i64, tpu.core_type = #tpu.core_type<tc>} {
    %get3A = arith.constant 0 : index
    %get3A_0 = arith.constant 0 : index
    %get3A_1 = vector.load %arg2[%get3A, %get3A_0] : memref<10000x1xf32, #tpu.memory_space<vmem>>, vector<10000x1xf32>
    %get3A_2 = arith.constant 0 : index
    %get3A_3 = arith.constant 0 : index
    %get3A_4 = arith.constant 0 : index
    %get3A_5 = vector.load %arg0[%get3A_2, %get3A_3, %get3A_4] : memref<2x10112x64xf32, #tpu.memory_space<vmem>>, vector<1x10000x64xf32>
    %get3A_6 = vector.shape_cast %get3A_5 : vector<1x10000x64xf32> to vector<10000x64xf32>
    %get3A_7 = arith.constant 1 : index
    %get3A_8 = arith.constant 0 : index
    %get3A_9 = arith.constant 0 : index
    %get3A_10 = vector.load %arg0[%get3A_7, %get3A_8, %get3A_9] : memref<2x10112x64xf32, #tpu.memory_space<vmem>>, vector<1x10000x64xf32>
    %get3A_11 = vector.shape_cast %get3A_10 : vector<1x10000x64xf32> to vector<10000x64xf32>
    %add3A = arith.addf %get3A_6, %get3A_11 : vector<10000x64xf32>
    %get3A_12 = arith.constant 0 : index
    %get3A_13 = arith.constant 0 : index
    %get3A_14 = vector.load %arg1[%get3A_12, %get3A_13] : memref<10000x64xf32, #tpu.memory_space<vmem>>, vector<10000x64xf32>
    %add3A_15 = arith.addf %add3A, %get3A_14 : vector<10000x64xf32>
    %mul3A = vector.broadcast %get3A_1 : vector<10000x1xf32> to vector<10000x64xf32>
    %mul3A_16 = arith.mulf %mul3A, %add3A_15 : vector<10000x64xf32>
    %get3A_17 = arith.constant 0 : index
    %get3A_18 = arith.constant 0 : index
    %get3A_19 = vector.load %arg3[%get3A_17, %get3A_18] : memref<1x64xf32, #tpu.memory_space<vmem>>, vector<1x64xf32>
    %add3A_20 = vector.broadcast %get3A_19 : vector<1x64xf32> to vector<10000x64xf32>
    %add3A_21 = arith.addf %mul3A_16, %add3A_20 : vector<10000x64xf32>
    %ge3A = arith.constant 0.000000e+00 : f32
    %ge3A_22 = vector.broadcast %ge3A : f32 to vector<10000x64xf32>
    %ge3A_23 = arith.cmpf oge, %add3A_21, %ge3A_22 : vector<10000x64xf32>
    %mul3A_24 = arith.constant 1.000000e-01 : f32
    %mul3A_25 = vector.broadcast %mul3A_24 : f32 to vector<10000x64xf32>
    %mul3A_26 = arith.mulf %mul3A_25, %add3A_21 : vector<10000x64xf32>
    %select_n3A = arith.select %ge3A_23, %add3A_21, %mul3A_26 : vector<10000x64xi1>, vector<10000x64xf32>
    %mul3A_27 = vector.broadcast %get3A_1 : vector<10000x1xf32> to vector<10000x64xf32>
    %mul3A_28 = arith.mulf %mul3A_27, %select_n3A : vector<10000x64xf32>
    %swap3A = arith.constant 0 : index
    %swap3A_29 = arith.constant 0 : index
    %swap3A_30 = vector.load %arg4[%swap3A, %swap3A_29] : memref<10000x64xf32, #tpu.memory_space<vmem>>, vector<10000x64xf32>
    tpu.vector_store %arg4[%swap3A, %swap3A_29], %mul3A_28 {strides = array<i32>} : memref<10000x64xf32, #tpu.memory_space<vmem>>, vector<10000x64xf32>,
    return
  }
}

module attributes {stable_mosaic.version = 14 : i64} {
  func.func @_dense3_body(%arg0: memref<2x10112x64xf32, #tpu.memory_space<vmem>>, %arg1: memref<10000x64xf32, #tpu.memory_space<vmem>>, %arg2: memref<10000x1xf32, #tpu.memory_space<vmem>>, %arg3: memref<64x32xf32, #tpu.memory_space<vmem>>, %arg4: memref<1x32xf32, #tpu.memory_space<vmem>>, %arg5: memref<64x32xf32, #tpu.memory_space<vmem>>, %arg6: memref<1x32xf32, #tpu.memory_space<vmem>>, %arg7: memref<10000x32xf32, #tpu.memory_space<vmem>>, %arg8: memref<10000x32xf32, #tpu.memory_space<vmem>>) attributes {dimension_semantics = [], scalar_prefetch = 0 : i64, scratch_operands = 0 : i64, tpu.core_type = #tpu.core_type<tc>} {
    %get3A = arith.constant 0 : index
    %get3A_0 = arith.constant 0 : index
    %get3A_1 = vector.load %arg2[%get3A, %get3A_0] : memref<10000x1xf32, #tpu.memory_space<vmem>>, vector<10000x1xf32>
    %get3A_2 = arith.constant 0 : index
    %get3A_3 = arith.constant 0 : index
    %get3A_4 = arith.constant 0 : index
    %get3A_5 = vector.load %arg0[%get3A_2, %get3A_3, %get3A_4] : memref<2x10112x64xf32, #tpu.memory_space<vmem>>, vector<1x10000x64xf32>
    %get3A_6 = vector.shape_cast %get3A_5 : vector<1x10000x64xf32> to vector<10000x64xf32>
    %get3A_7 = arith.constant 1 : index
    %get3A_8 = arith.constant 0 : index
    %get3A_9 = arith.constant 0 : index
    %get3A_10 = vector.load %arg0[%get3A_7, %get3A_8, %get3A_9] : memref<2x10112x64xf32, #tpu.memory_space<vmem>>, vector<1x10000x64xf32>
    %get3A_11 = vector.shape_cast %get3A_10 : vector<1x10000x64xf32> to vector<10000x64xf32>
    %add3A = arith.addf %get3A_6, %get3A_11 : vector<10000x64xf32>
    %get3A_12 = arith.constant 0 : index
    %get3A_13 = arith.constant 0 : index
    %get3A_14 = vector.load %arg1[%get3A_12, %get3A_13] : memref<10000x64xf32, #tpu.memory_space<vmem>>, vector<10000x64xf32>
    %add3A_15 = arith.addf %add3A, %get3A_14 : vector<10000x64xf32>
    %mul3A = vector.broadcast %get3A_1 : vector<10000x1xf32> to vector<10000x64xf32>
    %mul3A_16 = arith.mulf %mul3A, %add3A_15 : vector<10000x64xf32>
    %get3A_17 = arith.constant 0 : index
    %get3A_18 = arith.constant 0 : index
    %get3A_19 = vector.load %arg3[%get3A_17, %get3A_18] : memref<64x32xf32, #tpu.memory_space<vmem>>, vector<64x32xf32>
    %dot_general3A = arith.constant dense<0.000000e+00> : vector<10000x32xf32>
    %dot_general3A_20 = tpu.matmul %mul3A_16, %get3A_19, %dot_general3A {dimension_numbers = #tpu.dot_dimension_numbers<[1], [0], [0], [1], [0, 0, 1, 1], [], []>, transpose_lhs_hint = false} : vector<10000x64xf32>, vector<64x32xf32>, vector<10000x32xf32> -> vector<10000x32xf32>
    %get3A_21 = arith.constant 0 : index
    %get3A_22 = arith.constant 0 : index
    %get3A_23 = vector.load %arg4[%get3A_21, %get3A_22] : memref<1x32xf32, #tpu.memory_space<vmem>>, vector<1x32xf32>
    %add3A_24 = vector.broadcast %get3A_23 : vector<1x32xf32> to vector<10000x32xf32>
    %add3A_25 = arith.addf %dot_general3A_20, %add3A_24 : vector<10000x32xf32>
    %swap3A = arith.constant 0 : index
    %swap3A_26 = arith.constant 0 : index
    %swap3A_27 = vector.load %arg7[%swap3A, %swap3A_26] : memref<10000x32xf32, #tpu.memory_space<vmem>>, vector<10000x32xf32>
    tpu.vector_store %arg7[%swap3A, %swap3A_26], %add3A_25 {strides = array<i32>} : memref<10000x32xf32, #tpu.memory_space<vmem>>, vector<10000x32xf32>,
    %get3A_28 = arith.constant 0 : index
    %get3A_29 = arith.constant 0 : index
    %get3A_30 = vector.load %arg5[%get3A_28, %get3A_29] : memref<64x32xf32, #tpu.memory_space<vmem>>, vector<64x32xf32>
    %dot_general3A_31 = arith.constant dense<0.000000e+00> : vector<10000x32xf32>
    %dot_general3A_32 = tpu.matmul %mul3A_16, %get3A_30, %dot_general3A_31 {dimension_numbers = #tpu.dot_dimension_numbers<[1], [0], [0], [1], [0, 0, 1, 1], [], []>, transpose_lhs_hint = false} : vector<10000x64xf32>, vector<64x32xf32>, vector<10000x32xf32> -> vector<10000x32xf32>
    %get3A_33 = arith.constant 0 : index
    %get3A_34 = arith.constant 0 : index
    %get3A_35 = vector.load %arg6[%get3A_33, %get3A_34] : memref<1x32xf32, #tpu.memory_space<vmem>>, vector<1x32xf32>
    %add3A_36 = vector.broadcast %get3A_35 : vector<1x32xf32> to vector<10000x32xf32>
    %add3A_37 = arith.addf %dot_general3A_32, %add3A_36 : vector<10000x32xf32>
    %swap3A_38 = arith.constant 0 : index
    %swap3A_39 = arith.constant 0 : index
    %swap3A_40 = vector.load %arg8[%swap3A_38, %swap3A_39] : memref<10000x32xf32, #tpu.memory_space<vmem>>, vector<10000x32xf32>
    tpu.vector_store %arg8[%swap3A_38, %swap3A_39], %add3A_37 {strides = array<i32>} : memref<10000x32xf32, #tpu.memory_space<vmem>>, vector<10000x32xf32>,
    return
  }
}

</mosaic_0001>

<sc_bundles>
// kernel: kernel.11.cloned.1.call-start
scs
__scs_entry_jumppad:
0x0: {  	(pc) =	sbr.rel $0x88, $3  }
0x1: {  	(tag) =	ssettag $0x0;
	lr =	simm.s32 $0x1  }
0x2: {  	[smem:$0x3F96] =	sst lr;
	_ =	strace $0xD0000000  }
0x3: {  	_ = 	snop  }
0x4: {  	_ = 	snop  }
0x5: {  	_ = 	snop  }
0x6: {  	_ = 	snop  }
0x7: {  	_ = 	snop  }
__scs_overlays_trampoline_lowered:
0x8: {  	[smem:$0x3FA5] =	sst s0  }
0x9: {  	[smem:$0x3FA6] =	sst s1  }
0xa: {  	[smem:$0x3FA7] =	sst s2  }
0xb: {  	[smem:$0x3FA8] =	sst s3  }
0xc: {  	[smem:$0x3FA9] =	sst s4  }
0xd: {  	[smem:$0x3FAA] =	sst s5  }
0xe: {  	[smem:$0x3FAB] =	sst s6  }
0xf: {  	[smem:$0x3FAC] =	sst s7  }
0x10: {  	[smem:$0x3FAD] =	sst s8  }
0x11: {  	[smem:$0x3FAE] =	sst s9;
	s0 =	simm.s32 @!p0 $0x0  }
0x12: {  	s1 =	sld [smem:$0x3F94];
	s0 =	simm.s32 @p0 $0x1  }
0x13: {  	[smem:$0x3FAF] =	sst s0;
	s0 =	simm.s32 @!p1 $0x0  }
0x14: {  	s2 =	sld [smem:$0x3F93];
	s0 =	simm.s32 @p1 $0x1  }
0x15: {  	[smem:$0x3FB0] =	sst s0;
	s0 =	simm.s32 @!p2 $0x0  }
0x16: {  	s3 =	sld [smem:$0x3FDB];
	s0 =	simm.s32 @p2 $0x1  }
0x17: {  	s4 =	simm.s32 $0x1BF5;
	[smem:$0x3FB2] =	sst s0  }
0x18: {  	s0 =	sld [smem:$0x3F95];
	_ =	swait.ge [sflag:s4], $0x0  }
0x19: {  	s7 =	sld [smem:$0x3F96]  }
0x1a: {  	s8 =	sadd.s32 $0xFFFFE003, lr  }
0x1b: {  	s9 =	sadd.s32 $0xFFFFFEF7, lr;
	s5 =	simm.s32 $0xFFFFFFFF;
	p2 =	slt.u32 s8, $0xFFFFF086  }
0x1c: {  	p1 =	slt.u32 s9, $0xF7A;
	s5 =	simm.s32 @!p2 $0x0  }
0x1d: {  	s5 =	simm.s32 @p1 $0x1;
	p0 =	seq.s32 s7, s2  }
0x1e: {  	s7 =	smul.u32 @!p0 $0xF7A, s2;
	p2 =	seq.s32 @!p0 s5, $0x0  }
0x1f: {  	s9 =	smul.u32 $0xF7A, s1;
	s8 =	simm.s32 @!p0 $0x1BF5;
	p2 =	por !p2, p0  }
0x20: {  	[sflag:s8] =	ssyncset.s32 @!p0 $0xFFFFF086;
	s6 =	sadd.s32 @!p0 s3, s7;
	s7 =	simm.s32 @!p0 $0x108  }
0x21: {  	s3 =	sadd.s32 s3, s9;
	s6 =	sadd.s32 @!p0 $0x88, s6;
	s7 =	simm.s32 @p2 $0x1082  }
0x22: {  	[simem:s7], [sflag:s8] =	dma.local @!p0 [hbm:s6], $0xF7A  }
0x23: {  	s9 =	sor.u32 $0xD0000000, s2;
	s6 =	simm.s32 $0x108;
	_ =	swait.ge @!p0 [sflag:s8], $0x0  }
0x24: {  	s3 =	sadd.s32 $0x88, s3;
	s6 =	simm.s32 @!p1 $0x1082;
	[sflag:s4] =	ssyncset.s32 $0xFFFFF086  }
0x25: {  	[simem:s6], [sflag:s4] =	dma.local [hbm:s3], $0xF7A  }
0x26: {  	[smem:$0x3F96] =	sst s1;
	(tag) =	ssettag s2;
	_ =	strace s9  }
0x27: {  	s1 =	sld [smem:$0x3FA6]  }
0x28: {  	s2 =	sld [smem:$0x3FA7]  }
0x29: {  	s4 =	sld [smem:$0x3FA9]  }
0x2a: {  	p0 =	seq.s32 s5, $0x0;
	s5 =	sld [smem:$0x3FAA]  }
0x2b: {  	s6 =	sld [smem:$0x3FAB]  }
0x2c: {  	s7 =	sld [smem:$0x3FAC]  }
0x2d: {  	s3 =	simm.s32 $0x108;
	s8 =	sld [smem:$0x3FAD]  }
0x2e: {  	s3 =	simm.s32 @!p0 $0x1082;
	s9 =	sld [smem:$0x3FAE]  }
0x2f: {  	lr =	sadd.s32 s0, s3;
	s0 =	sld [smem:$0x3FA5]  }
0x30: {  	s3 =	sld [smem:$0x3FA8]  }
0x31: {  	[smem:$0x3FB1] =	sst s10  }
0x32: {  	s10 =	sld [smem:$0x3FAF];
	_ =	sdelay $0x3  }
0x33: {  	p0 =	seq.s32 s10, $0x1;
	s10 =	sld [smem:$0x3FB1];
	_ =	sdelay $0x3  }
0x34: {  	[smem:$0x3FB1] =	sst s10  }
0x35: {  	s10 =	sld [smem:$0x3FB0];
	_ =	sdelay $0x3  }
0x36: {  	p1 =	seq.s32 s10, $0x1;
	s10 =	sld [smem:$0x3FB1];
	_ =	sdelay $0x3  }
0x37: {  	[smem:$0x3FB1] =	sst s10  }
0x38: {  	s10 =	sld [smem:$0x3FB2]  }
0x39: {  	_ = 	snop;
	(pc) =	sbr.ind lr, $3  }
0x3a: {  	_ = 	snop  }
0x3b: {  	_ = 	snop  }
0x3c: {  	p2 =	seq.s32 s10, $0x1;
	s10 =	sld [smem:$0x3FB1]  }
0x3d: {  	_ =	shalt  }
0x3e: {  	_ =	shalt  }
0x3f: {  	_ =	shalt  }
0x40: {  	_ =	shalt  }
0x41: {  	_ =	shalt  }
0x42: {  	_ =	shalt  }
0x43: {  	_ =	shalt  }
0x44: {  	_ =	shalt  }
0x45: {  	_ =	shalt  }
0x46: {  	_ =	shalt  }
0x47: {  	_ =	shalt  }
0x48: {  	_ =	shalt  }
0x49: {  	_ =	shalt  }
0x4a: {  	_ =	shalt  }
0x4b: {  	_ =	shalt  }
0x4c: {  	_ =	shalt  }
0x4d: {  	_ =	shalt  }
0x4e: {  	_ =	shalt  }
0x4f: {  	_ =	shalt  }
0x50: {  	_ =	shalt  }
0x51: {  	_ =	shalt  }
0x52: {  	_ =	shalt  }
0x53: {  	_ =	shalt  }
0x54: {  	_ =	shalt  }
0x55: {  	_ =	shalt  }
0x56: {  	_ =	shalt  }
0x57: {  	_ =	shalt  }
0x58: {  	_ =	shalt  }
0x59: {  	_ =	shalt  }
0x5a: {  	_ =	shalt  }
0x5b: {  	_ =	shalt  }
0x5c: {  	_ =	shalt  }
0x5d: {  	_ =	shalt  }
0x5e: {  	_ =	shalt  }
0x5f: {  	_ =	shalt  }
0x60: {  	_ =	shalt  }
0x61: {  	_ =	shalt  }
0x62: {  	_ =	shalt  }
0x63: {  	_ =	shalt  }
0x64: {  	_ =	shalt  }
0x65: {  	_ =	shalt  }
0x66: {  	_ =	shalt  }
0x67: {  	_ =	shalt  }
0x68: {  	_ =	shalt  }
0x69: {  	_ =	shalt  }
0x6a: {  	_ =	shalt  }
0x6b: {  	_ =	shalt  }
0x6c: {  	_ =	shalt  }
0x6d: {  	_ =	shalt  }
0x6e: {  	_ =	shalt  }
0x6f: {  	_ =	shalt  }
0x70: {  	_ =	shalt  }
0x71: {  	_ =	shalt  }
0x72: {  	_ =	shalt  }
0x73: {  	_ =	shalt  }
0x74: {  	_ =	shalt  }
0x75: {  	_ =	shalt  }
0x76: {  	_ =	shalt  }
0x77: {  	_ =	shalt  }
0x78: {  	_ =	shalt  }
0x79: {  	_ =	shalt  }
0x7a: {  	_ =	shalt  }
0x7b: {  	_ =	shalt  }
0x7c: {  	_ =	shalt  }
0x7d: {  	_ =	shalt  }
0x7e: {  	_ =	shalt  }
0x7f: {  	_ =	shalt  }
0x80: {  	_ =	shalt  }
0x81: {  	_ =	shalt  }
0x82: {  	_ =	shalt  }
0x83: {  	_ =	shalt  }
0x84: {  	_ =	shalt  }
0x85: {  	_ =	shalt  }
0x86: {  	_ =	shalt  }
0x87: {  	_ =	shalt  }
.Lfunc_end0:
.L_simem_size_0:
called_computation.1_lowered:
.L_overlay_start_0:
0x88: {  	s2 =	sld [smem:$0x3FD9]  }
0x89: {  	s3 =	sld [smem:$0x3FFE];
	_ =	sdelay $0x1  }
0x8a: {  	s1 =	srdreg.scid  }
0x8b: {  	s0 =	sand.u32 $0x1, s1  }
0x8c: {  	s14 =	sshll.u32 s0, $0xA;
	s2 =	sadd.s32 s3, s2  }
0x8d: {  	s2 =	sadd.s32 s2, s14  }
0x8e: {  	[smem:$0x3FBD] =	sst s2  }
0x8f: {  	_ = 	snop  }
0x90: {  	s2 =	sld [smem:$0x3FD0];
	_ =	sdelay $0x2  }
0x91: {  	s15 =	simm.s32 $0xA;
	s4 =	simm.s32 $0x10  }
0x92: {  	[smem:s4], [sflag:s15] =	dma.local [hbm:s2], $0x1  }
0x93: {  	_ =	swait.eq [sflag:s15], $0x1  }
0x94: {  	[sflag:s15] =	ssyncset.done $0x0  }
0x95: {  	[sflag:s15] =	ssyncadd.s32 $0xFFFFFFFF  }
0x96: {  	s16 =	sld [smem:$0x12];
	(tm) =	ssettm $0x1  }
0x97: {  	s17 =	sld [smem:$0x3FFB];
	_ =	sdelay $0x3  }
0x98: {  	_ =	strace s17  }
0x99: {  	s3 =	sld [smem:$0x3FFC];
	_ =	sdelay $0x3  }
0x9a: {  	_ =	strace s3  }
0x9b: {  	s3 =	sld [smem:$0x3FFD];
	_ =	sdelay $0x3  }
0x9c: {  	_ =	strace s3  }
0x9d: {  	_ =	strace $0x8FFFFFFF  }
0x9e: {  	s18 =	sld [smem:$0x3FDB];
	_ =	sdelay $0x1  }
0x9f: {  	s19 =	simm.s32 $_scs_section_size  }
0xa0: {  	s5 =	simm.s32 $_size__tile_overlayer_lowered;
	s6 =	simm.s32 $_tile_overlayer_lowered  }
0xa1: {  	s22 =	simm.s32 $0x1BFF;
	s21 =	sshll.u32 s6, $0x1;
	s3 =	sadd.s32 s19, s18  }
0xa2: {  	s7 =	simm.s32 $0x0;
	s20 =	sshll.u32 s5, $0x1;
	s5 =	sadd.s32 s21, s3  }
0xa3: {  	[timem:s7], [sflag:s22] =	dma.local [hbm:s5], s20  }
0xa4: {  	_ =	swait.ge [sflag:s22], s20  }
0xa5: {  	s4 =	ssub.s32 $0x0, s20;
	[sflag:s22] =	ssyncset.done $0x0  }
0xa6: {  	[sflag:s22] =	ssyncadd.s32 s4;
	_ =	sdelay $0x1  }
0xa7: {  	s23 =	simm.s32 $0x1B8B  }
0xa8: {  	_ =	swait.ge [sflag:s23], $0x1  }
0xa9: {  	[sflag:s23] =	ssyncset.done $0x0  }
0xaa: {  	s25 =	simm.s32 $0x1B8E;
	s24 =	sld [smem:$0x3FFE];
	[sflag:s23] =	ssyncadd.s32 $0xFFFFFFFF  }
0xab: {  	s26 =	simm.s32 $execute0_lowered;
	[smem:$0x3FD2] =	sst s25  }
0xac: {  	s5 =	sshll.u32 s26, $0x1;
	_ =	strace $0x80000049;
	[dreg:$0x1] =	wrdreg $0xFFFFFFFF  }
0xad: {  	s28 =	simm.s32 $_size_execute0_lowered;
	s3 =	sadd.s32 s3, s5;
	[dreg:$0x0] =	wrdreg $0x0  }
0xae: {  	s5 =	sshll.u32 s28, $0x1;
	[dreg:$0x2] =	wrdreg s3  }
0xaf: {  	[dreg:$0x3] =	wrdreg s5  }
0xb0: {  	[dreg:$0x4] =	wrdreg $0xC0  }
0xb1: {  	_ =	task [dreg:s7], $0x5FFFF  }
0xb2: {  	[dreg:$0x1] =	wrdreg $0xFFFFFFFF  }
0xb3: {  	[dreg:$0x0] =	wrdreg $0x60  }
0xb4: {  	[dreg:$0x2] =	wrdreg s24  }
0xb5: {  	[dreg:$0x3] =	wrdreg s16  }
0xb6: {  	[dreg:$0x4] =	wrdreg $0x14F000  }
0xb7: {  	[dreg:$0x5] =	wrdreg $0x9  }
0xb8: {  	_ =	task.clear_ibuf [dreg:s7], $0x6FFFF;
	_ =	strace $0x90000049  }
0xb9: {  	s29 =	simm.s32 $0x9;
	_ =	strace $0x8000004B  }
0xba: {  	_ =	swait.ge [sflag:s29], $0x1  }
0xbb: {  	[sflag:s29] =	ssyncadd.s32 $0xFFFFFFFF  }
0xbc: {  	_ =	strace $0x9000004B  }
0xbd: {  	_ =	sfence  }
0xbe: {  	s30 =	sld [smem:$0x0];
	_ =	sdelay $0x2  }
0xbf: {  	s31 =	sshll.u32 s1, $0xD;
	s1 =	sshrl.u32 s1, $0x2  }
0xc0: {  	s3 =	sand.u32 $0x4000, s31;
	s1 =	sadd.s32 s1, s30  }
0xc1: {  	s0 =	sor.u32 s3, s0;
	s1 =	sshll.u32 s1, $0x11  }
0xc2: {  	s0 =	sor.u32 s1, s0  }
0xc3: {  	s0 =	sadd.s32 $0x8F2B, s0  }
0xc4: {  	[sflag:s0] =	ssyncadd.remote.s32 $0x1  }
0xc5: {  	_ =	sfence.sel $0xFFFF  }
0xc6: {  	[dreg:$0x0] =	wrdreg $0xFFFFFFFF;
	(pc) =	sbr.abs _section_cstart, $3  }
0xc7: {  	[dreg:$0x1] =	wrdreg $0xFFFFFFFF  }
0xc8: {  	_ =	task.clear_ibuf [dreg:s7], $0x2FFFF;
	_ =	strace $0x9FFFFFFF  }
0xc9: {  	(tm) =	ssettm $0x7FFFFFFF  }
tec
execute0_lowered:
.L_overlay_start_1:
0x0: {  	(tag) =	ssettag $0x1  }
0x1: {  	s6 =	rddreg [dreg:$0x0]  }
0x2: {  	s1 =	rddreg [dreg:$0x1]  }
0x3: {  	s2 =	rddreg [dreg:$0x2]  }
0x4: {  	s0 =	rddreg [dreg:$0x3]  }
0x5: {  	s4 =	simm.s32 $0x0;
	s3 =	stileid.u32;
	s7 =	srdreg.scid  }
0x6: {  	s18 =	simm.s32 $0x100;
	s19 =	simm.s32 $0xC000;
	s20 =	simm.s32 $0x10000  }
0x7: {  	s21 =	simm.s32 $0x2;
	s22 =	simm.s32 $0x1;
	s23 =	simm.s32 $0xE000  }
0x8: {  	s24 =	simm.s32 $0x0;
	[smem:$0x7FF] =	sst s4;
	s5 =	sadd.s32 $0x3E000, s6  }
0x9: {  	s8 =	sadd.s32 $0xCE00, s6;
	s9 =	smul.u32 $0x5000, s3;
	s10 =	sadd.s32 $0x2E00, s6  }
0xa: {  	s13 =	sadd.s32 $0x51A00, s6;
	s15 =	sand.u32 $0x1, s7;
	s28 =	smul.u32 $0xA00, s3  }
0xb: {  	s12 =	smul.u32 $0x9E00, s3;
	_ =	strace $0x8000004A;
	s25 =	ssub.s32 $0x2, s15  }
0xc: {  	s29 =	smul.u32 $0x9E000, s15;
	p0 =	sne.s32 s15, $0x0;
	s15 =	simm.s32 $0x80  }
0xd: {  	s26 =	sshrl.u32 s9, $0x3;
	s11 =	sshrl.u32 s25, $0x1;
	s16 =	sadd.s32 $0x4F00, s12  }
0xe: {  	s9 =	sadd.s32 s10, s28;
	s7 =	sadd.s32 $0x800, s26;
	s14 =	ssub.s32 s25, s11  }
.Ltmp0:
0xf: {  	s17 =	sadd.s32 s12, s29;
	s11 =	sadd.s32 s29, s16;
	(pc) =	sbr.rel .LBB2_1-.Ltmp0, $4  }
0x10: {  	s6 =	sadd.s32 s8, s7;
	s7 =	sadd.s32 s10, s7;
	s8 =	sadd.s32 s8, s28  }
0x11: {  	s10 =	sadd.s32 s12, s2;
	s30 =	sshrl.u32 s17, $0x3;
	s31 =	sshrl.u32 s11, $0x3  }
0x12: {  	s11 =	sadd.s32 s16, s2;
	s14 =	smax.u32 s14, $0x1;
	s16 =	simm.s32 $0x8000  }
0x13: {  	s17 =	simm.s32 $0xA000;
	s12 =	sadd.s32 s13, s30;
	s13 =	sadd.s32 s13, s31  }
.LBB2_5:
0x14: {  	s25 =	simm.s32 $0x4F80;
	s26 =	simm.s32 $0x4F00  }
0x15: {  	s28 =	simm.s32 $0x4E80;
	s29 =	simm.s32 $0x4E00;
	s30 =	simm.s32 $0xF80  }
.LBB2_6:
0x16: {  	_ =	swait.ge [sflag:s22], $0x2000  }
0x17: {  	[sflag:s22] =	ssyncset.done $0x0  }
0x18: {  	[sflag:s22] =	ssyncadd.s32 $0xFFFFE000  }
0x19: {  	[tilespmem:s23], [sflag:$0x1] =	stream.indirect.gather [hbm4b:s5+s15], $0x40, s30, s15, $0xb8;
	[tilespmem:$0x1ED00] =	vst v63  }
0x1a: {  	_ = 	snop  }
0x1b: {  	[spmem:s2] =	stream.indirect.scatter.add.f32 [tilespmem:s16], [sflag:$0x2], $0x40, s29, s15, $0xb8;
	[tilespmem:$0x1ED00] =	vst v63  }
0x1c: {  	_ =	swait.ge [sflag:s21], $0x2000  }
0x1d: {  	[sflag:s21] =	ssyncset.done $0x0  }
0x1e: {  	[sflag:s21] =	ssyncadd.s32 $0xFFFFE000  }
0x1f: {  	_ =	swait.ge [sflag:s22], $0x2000  }
0x20: {  	[sflag:s22] =	ssyncset.done $0x0  }
0x21: {  	[sflag:s22] =	ssyncadd.s32 $0xFFFFE000  }
0x22: {  	[spmem:s2] =	stream.indirect.scatter.add.f32 [tilespmem:s17], [sflag:$0x2], $0x40, s28, s15, $0xb8;
	[tilespmem:$0x1ED00] =	vst v63  }
0x23: {  	_ =	swait.ge [sflag:s21], $0x2000  }
0x24: {  	[sflag:s21] =	ssyncset.done $0x0  }
0x25: {  	[sflag:s21] =	ssyncadd.s32 $0xFFFFE000  }
0x26: {  	_ =	swait.ge [sflag:s22], $0x2000  }
0x27: {  	[sflag:s22] =	ssyncset.done $0x0  }
0x28: {  	[sflag:s22] =	ssyncadd.s32 $0xFFFFE000  }
0x29: {  	[spmem:s2] =	stream.indirect.scatter.add.f32 [tilespmem:s19], [sflag:$0x2], $0x40, s26, s15, $0xb8;
	[tilespmem:$0x1ED00] =	vst v63  }
0x2a: {  	_ =	swait.ge [sflag:s21], $0x2000  }
0x2b: {  	[sflag:s21] =	ssyncset.done $0x0  }
0x2c: {  	[sflag:s21] =	ssyncadd.s32 $0xFFFFE000  }
0x2d: {  	_ =	swait.ge [sflag:s22], $0x2000  }
0x2e: {  	[sflag:s22] =	ssyncset.done $0x0  }
0x2f: {  	[sflag:s22] =	ssyncadd.s32 $0xFFFFE000  }
0x30: {  	[spmem:s2] =	stream.indirect.scatter.add.f32 [tilespmem:s23], [sflag:$0x2], $0x40, s25, s15, $0xb8;
	[tilespmem:$0x1ED00] =	vst v63  }
0x31: {  	_ =	swait.ge [sflag:s21], $0x2000  }
0x32: {  	[sflag:s21] =	ssyncset.done $0x0  }
0x33: {  	[sflag:s21] =	ssyncadd.s32 $0xFFFFE000  }
0x34: {  	[bflag:$0x0] =	sbarrier.arrive $0xFFFF  }
0x35: {  	[tilespmem:s20], [sflag:$0x2] =	stream.linear.gather [spmem:s10], $0x4F00, $0x38;
	[tilespmem:$0x1ED00] =	vst v63  }
0x36: {  	_ =	swait.ge [sflag:s21], $0x4F00  }
0x37: {  	[sflag:s21] =	ssyncset.done $0x0  }
0x38: {  	[sflag:s21] =	ssyncadd.s32 $0xFFFFB100  }
0x39: {  	[hbm4b:s12+s4] =	stream.linear.scatter [tilespmem:s20], [sflag:$0x2], $0x4F00, $0x38;
	[tilespmem:$0x1ED00] =	vst v63  }
0x3a: {  	_ =	swait.ge [sflag:s21], $0x4F00  }
0x3b: {  	[sflag:s21] =	ssyncset.done $0x0  }
0x3c: {  	[sflag:s21] =	ssyncadd.s32 $0xFFFFB100  }
0x3d: {  	[tilespmem:s20], [sflag:$0x2] =	stream.linear.gather [spmem:s11], $0x4F00, $0x38;
	[tilespmem:$0x1ED00] =	vst v63  }
0x3e: {  	s24 =	sadd.s32 $0x1, s24;
	_ =	swait.ge [sflag:s21], $0x4F00  }
0x3f: {  	p1 =	sne.s32 s24, s14;
	[sflag:s21] =	ssyncset.done $0x0  }
.Ltmp1:
0x40: {  	[sflag:s21] =	ssyncadd.s32 $0xFFFFB100;
	(pc) =	sbr.rel @!p1 .LBB2_7-.Ltmp1, $4  }
0x41: {  	[hbm4b:s13+s4] =	stream.linear.scatter [tilespmem:s20], [sflag:$0x2], $0x4F00, $0x38;
	[tilespmem:$0x1ED00] =	vst v63  }
0x42: {  	_ =	swait.ge [sflag:s21], $0x4F00  }
0x43: {  	[sflag:s21] =	ssyncset.done $0x0  }
0x44: {  	[sflag:s21] =	ssyncadd.s32 $0xFFFFB100  }
.LBB2_1:
0x45: {  	s25 =	simm.s32 @p0 $0x0;
	s26 =	simm.s32 @p0 $0x2  }
0x46: {  	[tilespmem:s25], [sflag:$0x2] =	stream.linear.gather @p0 [hbm4b:s6+s25], $0x1000, $0x38;
	[tilespmem:$0x1ED00] =	vst v63  }
0x47: {  	_ =	swait.ge @p0 [sflag:s26], $0x1000  }
0x48: {  	[sflag:s26] =	ssyncset.done @p0 $0x0  }
0x49: {  	s28 =	simm.s32 @p0 $0x4000;
	[sflag:s26] =	ssyncadd.s32 @p0 $0xFFFFF000  }
0x4a: {  	[tilespmem:s28], [sflag:$0x2] =	stream.linear.gather @p0 [hbm4b:s7+s25], $0x1000, $0x38;
	[tilespmem:$0x1ED00] =	vst v63  }
0x4b: {  	_ =	swait.ge @p0 [sflag:s26], $0x1000  }
0x4c: {  	[sflag:s26] =	ssyncset.done @p0 $0x0  }
0x4d: {  	s25 =	simm.s32 @!p0 $0x0;
	[sflag:s26] =	ssyncadd.s32 @p0 $0xFFFFF000;
	s26 =	simm.s32 @!p0 $0x2  }
0x4e: {  	[tilespmem:s25], [sflag:$0x2] =	stream.linear.gather @!p0 [hbm4b:s8+s25], $0x4000, $0x38;
	[tilespmem:$0x1ED00] =	vst v63  }
0x4f: {  	_ =	swait.ge @!p0 [sflag:s26], $0x4000  }
0x50: {  	[sflag:s26] =	ssyncset.done @!p0 $0x0  }
0x51: {  	s28 =	simm.s32 @!p0 $0x4000;
	[sflag:s26] =	ssyncadd.s32 @!p0 $0xFFFFC000  }
0x52: {  	[tilespmem:s28], [sflag:$0x2] =	stream.linear.gather @!p0 [hbm4b:s9+s25], $0x4000, $0x38;
	[tilespmem:$0x1ED00] =	vst v63  }
0x53: {  	_ =	swait.ge @!p0 [sflag:s26], $0x4000  }
0x54: {  	[sflag:s26] =	ssyncset.done @!p0 $0x0  }
0x55: {  	[sflag:s26] =	ssyncadd.s32 @!p0 $0xFFFFC000  }
0x56: {  	[tilespmem:s16], [sflag:$0x1] =	stream.indirect.gather [hbm4b:s5+s15], $0x40, s4, s15, $0xb8;
	[tilespmem:$0x1ED00] =	vst v63  }
0x57: {  	_ = 	snop  }
0x58: {  	[tilespmem:s17], [sflag:$0x1] =	stream.indirect.gather [hbm4b:s5+s15], $0x40, s15, s15, $0xb8;
	[tilespmem:$0x1ED00] =	vst v63  }
0x59: {  	_ = 	snop  }
0x5a: {  	[tilespmem:s19], [sflag:$0x1] =	stream.indirect.gather [hbm4b:s5+s15], $0x40, s18, s15, $0xb8;
	[tilespmem:$0x1ED00] =	vst v63  }
0x5b: {  	_ = 	snop  }
0x5c: {  	[tilespmem:s20], [sflag:$0x2] =	stream.linear.gather [hbm4b:s1+s4], $0x4F00, $0x38;
	[tilespmem:$0x1ED00] =	vst v63  }
0x5d: {  	_ =	swait.ge [sflag:s21], $0x4F00  }
0x5e: {  	[sflag:s21] =	ssyncset.done $0x0  }
0x5f: {  	[sflag:s21] =	ssyncadd.s32 $0xFFFFB100  }
0x60: {  	[spmem:s10] =	stream.linear.scatter [tilespmem:s20], [sflag:$0x2], $0x4F00, $0x38;
	[tilespmem:$0x1ED00] =	vst v63  }
0x61: {  	_ =	swait.ge [sflag:s21], $0x4F00  }
0x62: {  	[sflag:s21] =	ssyncset.done $0x0  }
0x63: {  	[sflag:s21] =	ssyncadd.s32 $0xFFFFB100  }
0x64: {  	[spmem:s11] =	stream.linear.scatter [tilespmem:s20], [sflag:$0x2], $0x4F00, $0x38;
	[tilespmem:$0x1ED00] =	vst v63  }
.Ltmp2:
0x65: {  	_ =	swait.ge [sflag:s21], $0x4F00;
	(pc) =	sbr.rel @p0 .LBB2_4-.Ltmp2, $4  }
0x66: {  	[sflag:s21] =	ssyncset.done $0x0  }
0x67: {  	[sflag:s21] =	ssyncadd.s32 $0xFFFFB100  }
0x68: {  	[bflag:$0x0] =	sbarrier.arrive $0xFFFF  }
0x69: {  	s25 =	simm.s32 $0x0;
	s26 =	simm.s32 $0x0  }
.LBB2_2:
0x6a: {  	_ =	swait.ge [sflag:s22], $0x2000  }
0x6b: {  	s26 =	sshra.s32 s25, $0x2;
	[sflag:s22] =	ssyncset.done $0x0  }
0x6c: {  	s28 =	sadd.s32 $0x180, s26;
	[sflag:s22] =	ssyncadd.s32 $0xFFFFE000  }
0x6d: {  	[tilespmem:s23], [sflag:$0x1] =	stream.indirect.gather [hbm4b:s5+s15], $0x40, s28, s15, $0xb8;
	[tilespmem:$0x1ED00] =	vst v63  }
0x6e: {  	s29 =	sadd.s32 $0x4000, s26  }
0x6f: {  	[spmem:s2] =	stream.indirect.scatter.add.f32 [tilespmem:s16], [sflag:$0x2], $0x40, s29, s15, $0xb8;
	[tilespmem:$0x1ED00] =	vst v63  }
0x70: {  	_ =	swait.ge [sflag:s21], $0x2000  }
0x71: {  	[sflag:s21] =	ssyncset.done $0x0  }
0x72: {  	[sflag:s21] =	ssyncadd.s32 $0xFFFFE000  }
0x73: {  	_ =	swait.ge [sflag:s22], $0x2000  }
0x74: {  	[sflag:s22] =	ssyncset.done $0x0  }
0x75: {  	s30 =	sadd.s32 $0x200, s26;
	[sflag:s22] =	ssyncadd.s32 $0xFFFFE000  }
0x76: {  	[tilespmem:s16], [sflag:$0x1] =	stream.indirect.gather [hbm4b:s5+s15], $0x40, s30, s15, $0xb8;
	[tilespmem:$0x1ED00] =	vst v63  }
0x77: {  	s31 =	sadd.s32 $0x4080, s26  }
0x78: {  	[spmem:s2] =	stream.indirect.scatter.add.f32 [tilespmem:s17], [sflag:$0x2], $0x40, s31, s15, $0xb8;
	[tilespmem:$0x1ED00] =	vst v63  }
0x79: {  	_ =	swait.ge [sflag:s21], $0x2000  }
0x7a: {  	[sflag:s21] =	ssyncset.done $0x0  }
0x7b: {  	[sflag:s21] =	ssyncadd.s32 $0xFFFFE000  }
0x7c: {  	_ =	swait.ge [sflag:s22], $0x2000  }
0x7d: {  	[sflag:s22] =	ssyncset.done $0x0  }
0x7e: {  	s29 =	sadd.s32 $0x280, s26;
	[sflag:s22] =	ssyncadd.s32 $0xFFFFE000  }
0x7f: {  	[tilespmem:s17], [sflag:$0x1] =	stream.indirect.gather [hbm4b:s5+s15], $0x40, s29, s15, $0xb8;
	[tilespmem:$0x1ED00] =	vst v63  }
0x80: {  	s30 =	sadd.s32 $0x4100, s26  }
0x81: {  	[spmem:s2] =	stream.indirect.scatter.add.f32 [tilespmem:s19], [sflag:$0x2], $0x40, s30, s15, $0xb8;
	[tilespmem:$0x1ED00] =	vst v63  }
0x82: {  	_ =	swait.ge [sflag:s21], $0x2000  }
0x83: {  	[sflag:s21] =	ssyncset.done $0x0  }
0x84: {  	[sflag:s21] =	ssyncadd.s32 $0xFFFFE000  }
0x85: {  	_ =	swait.ge [sflag:s22], $0x2000  }
0x86: {  	[sflag:s22] =	ssyncset.done $0x0  }
0x87: {  	p1 =	seq.s32 s25, $0xF000;
	s31 =	sadd.s32 $0x300, s26;
	[sflag:s22] =	ssyncadd.s32 $0xFFFFE000  }
0x88: {  	[tilespmem:s19], [sflag:$0x1] =	stream.indirect.gather [hbm4b:s5+s15], $0x40, s31, s15, $0xb8;
	[tilespmem:$0x1ED00] =	vst v63  }
.Ltmp3:
0x89: {  	s26 =	sadd.s32 $0x4180, s26;
	(pc) =	sbr.rel @!p1 .LBB2_2-.Ltmp3, $4  }
0x8a: {  	[spmem:s2] =	stream.indirect.scatter.add.f32 [tilespmem:s23], [sflag:$0x2], $0x40, s26, s15, $0xb8;
	[tilespmem:$0x1ED00] =	vst v63  }
0x8b: {  	_ =	swait.ge [sflag:s21], $0x2000  }
0x8c: {  	[sflag:s21] =	ssyncset.done $0x0  }
0x8d: {  	s25 =	sadd.s32 $0x800, s25;
	[sflag:s21] =	ssyncadd.s32 $0xFFFFE000  }
.Ltmp4:
0x8e: {  	(pc) =	sbr.rel .LBB2_6-.Ltmp4, $3  }
0x8f: {  	_ =	sdelay $0x1  }
0x90: {  	s25 =	simm.s32 $0x7F80;
	s26 =	simm.s32 $0x7F00  }
0x91: {  	s28 =	simm.s32 $0x7E80;
	s29 =	simm.s32 $0x7E00;
	s30 =	simm.s32 $0x3F80  }
.LBB2_4:
0x92: {  	_ =	swait.ge [sflag:s22], $0x2000  }
0x93: {  	s25 =	sshra.s32 s26, $0x2;
	[sflag:s22] =	ssyncset.done $0x0  }
0x94: {  	s28 =	sadd.s32 $0x180, s25;
	[sflag:s22] =	ssyncadd.s32 $0xFFFFE000  }
0x95: {  	[tilespmem:s23], [sflag:$0x1] =	stream.indirect.gather [hbm4b:s5+s15], $0x40, s28, s15, $0xb8;
	[tilespmem:$0x1ED00] =	vst v63  }
0x96: {  	s29 =	sadd.s32 $0x4000, s25  }
0x97: {  	[spmem:s2] =	stream.indirect.scatter.add.f32 [tilespmem:s16], [sflag:$0x2], $0x40, s29, s15, $0xb8;
	[tilespmem:$0x1ED00] =	vst v63  }
0x98: {  	_ =	swait.ge [sflag:s21], $0x2000  }
0x99: {  	[sflag:s21] =	ssyncset.done $0x0  }
0x9a: {  	[sflag:s21] =	ssyncadd.s32 $0xFFFFE000  }
0x9b: {  	_ =	swait.ge [sflag:s22], $0x2000  }
0x9c: {  	[sflag:s22] =	ssyncset.done $0x0  }
0x9d: {  	s30 =	sadd.s32 $0x200, s25;
	[sflag:s22] =	ssyncadd.s32 $0xFFFFE000  }
0x9e: {  	[tilespmem:s16], [sflag:$0x1] =	stream.indirect.gather [hbm4b:s5+s15], $0x40, s30, s15, $0xb8;
	[tilespmem:$0x1ED00] =	vst v63  }
0x9f: {  	s31 =	sadd.s32 $0x4080, s25  }
0xa0: {  	[spmem:s2] =	stream.indirect.scatter.add.f32 [tilespmem:s17], [sflag:$0x2], $0x40, s31, s15, $0xb8;
	[tilespmem:$0x1ED00] =	vst v63  }
0xa1: {  	_ =	swait.ge [sflag:s21], $0x2000  }
0xa2: {  	[sflag:s21] =	ssyncset.done $0x0  }
0xa3: {  	[sflag:s21] =	ssyncadd.s32 $0xFFFFE000  }
0xa4: {  	_ =	swait.ge [sflag:s22], $0x2000  }
0xa5: {  	[sflag:s22] =	ssyncset.done $0x0  }
0xa6: {  	s29 =	sadd.s32 $0x280, s25;
	[sflag:s22] =	ssyncadd.s32 $0xFFFFE000  }
0xa7: {  	[tilespmem:s17], [sflag:$0x1] =	stream.indirect.gather [hbm4b:s5+s15], $0x40, s29, s15, $0xb8;
	[tilespmem:$0x1ED00] =	vst v63  }
0xa8: {  	s30 =	sadd.s32 $0x4100, s25  }
0xa9: {  	[spmem:s2] =	stream.indirect.scatter.add.f32 [tilespmem:s19], [sflag:$0x2], $0x40, s30, s15, $0xb8;
	[tilespmem:$0x1ED00] =	vst v63  }
0xaa: {  	_ =	swait.ge [sflag:s21], $0x2000  }
0xab: {  	[sflag:s21] =	ssyncset.done $0x0  }
0xac: {  	[sflag:s21] =	ssyncadd.s32 $0xFFFFE000  }
0xad: {  	_ =	swait.ge [sflag:s22], $0x2000  }
0xae: {  	[sflag:s22] =	ssyncset.done $0x0  }
0xaf: {  	p1 =	sne.s32 s26, $0x3000;
	s31 =	sadd.s32 $0x300, s25;
	[sflag:s22] =	ssyncadd.s32 $0xFFFFE000  }
0xb0: {  	[tilespmem:s19], [sflag:$0x1] =	stream.indirect.gather [hbm4b:s5+s15], $0x40, s31, s15, $0xb8;
	[tilespmem:$0x1ED00] =	vst v63  }
.Ltmp5:
0xb1: {  	s25 =	sadd.s32 $0x4180, s25;
	(pc) =	sbr.rel @p1 .LBB2_4-.Ltmp5, $4  }
0xb2: {  	[spmem:s2] =	stream.indirect.scatter.add.f32 [tilespmem:s23], [sflag:$0x2], $0x40, s25, s15, $0xb8;
	[tilespmem:$0x1ED00] =	vst v63  }
0xb3: {  	_ =	swait.ge [sflag:s21], $0x2000  }
0xb4: {  	[sflag:s21] =	ssyncset.done $0x0  }
0xb5: {  	s26 =	sadd.s32 $0x800, s26;
	[sflag:s21] =	ssyncadd.s32 $0xFFFFE000  }
.Ltmp6:
0xb6: {  	_ = 	snop;
	(pc) =	sbr.rel .LBB2_5-.Ltmp6, $1  }
0xb7: {  	_ =	sdelay $0x3  }
.LBB2_7:
0xb8: {  	_ =	sfence.sel $0x180000  }
0xb9: {  	[bflag:$0x0] =	sbarrier.arrive $0xFFFF  }
0xba: {  	p0 =	sne.s32 s3, $0x0;
	_ =	strace $0x9000004A  }
0xbb: {  	s0 =	sadd.s32 @!p0 $0x100000, s0;
	[bflag:$0x2] =	sbarrier.arrive $0xFFFF  }
0xbc: {  	[sflag:s0] =	ssyncadd.tile.s32 @!p0 $0x1;
	_ =	shalt  }
.Lfunc_end2:
_tile_overlayer_lowered:
.L_overlay_start_2:
0xbd: {  	(tag) =	ssettag $0x2  }
0xbe: {  	s0 =	rddreg [dreg:$0x0];
	s2 =	stileid.u32  }
0xbf: {  	s1 =	rddreg [dreg:$0x1];
	p0 =	sne.s32 s2, $0x0  }
0xc0: {  	s3 =	rddreg [dreg:$0x2];
	[bflag:$0x3] =	sbarrier.arrive $0xFFFF;
	s2 =	simm.s32 @!p0 $0x1C02  }
0xc1: {  	[timem:s3], [sflag:s2] =	dma.local @!p0 [hbm:s0], s1  }
0xc2: {  	s0 =	simm.s32 @!p0 $0x2  }
0xc3: {  	_ =	swait.ge @!p0 [sflag:s0], s1  }
0xc4: {  	s1 =	ssub.s32 @!p0 $0x0, s1;
	[sflag:s0] =	ssyncset.done @!p0 $0x0  }
0xc5: {  	[sflag:s0] =	ssyncadd.s32 @!p0 s1  }
0xc6: {  	[bflag:$0x3] =	sbarrier.arrive $0xFFFF  }
0xc7: {  	_ =	shalt  }

// kernel: kernel.14.cloned.1.call-start
scs
__scs_entry_jumppad:
0x0: {  	(pc) =	sbr.rel $0x88, $3  }
0x1: {  	(tag) =	ssettag $0x0;
	lr =	simm.s32 $0x1  }
0x2: {  	[smem:$0x3F96] =	sst lr;
	_ =	strace $0xD0000000  }
0x3: {  	_ = 	snop  }
0x4: {  	_ = 	snop  }
0x5: {  	_ = 	snop  }
0x6: {  	_ = 	snop  }
0x7: {  	_ = 	snop  }
__scs_overlays_trampoline_lowered:
0x8: {  	[smem:$0x3FA5] =	sst s0  }
0x9: {  	[smem:$0x3FA6] =	sst s1  }
0xa: {  	[smem:$0x3FA7] =	sst s2  }
0xb: {  	[smem:$0x3FA8] =	sst s3  }
0xc: {  	[smem:$0x3FA9] =	sst s4  }
0xd: {  	[smem:$0x3FAA] =	sst s5  }
0xe: {  	[smem:$0x3FAB] =	sst s6  }
0xf: {  	[smem:$0x3FAC] =	sst s7  }
0x10: {  	[smem:$0x3FAD] =	sst s8  }
0x11: {  	[smem:$0x3FAE] =	sst s9;
	s0 =	simm.s32 @!p0 $0x0  }
0x12: {  	s1 =	sld [smem:$0x3F94];
	s0 =	simm.s32 @p0 $0x1  }
0x13: {  	[smem:$0x3FAF] =	sst s0;
	s0 =	simm.s32 @!p1 $0x0  }
0x14: {  	s2 =	sld [smem:$0x3F93];
	s0 =	simm.s32 @p1 $0x1  }
0x15: {  	[smem:$0x3FB0] =	sst s0;
	s0 =	simm.s32 @!p2 $0x0  }
0x16: {  	s3 =	sld [smem:$0x3FDB];
	s0 =	simm.s32 @p2 $0x1  }
0x17: {  	s4 =	simm.s32 $0x1BF5;
	[smem:$0x3FB2] =	sst s0  }
0x18: {  	s0 =	sld [smem:$0x3F95];
	_ =	swait.ge [sflag:s4], $0x0  }
0x19: {  	s7 =	sld [smem:$0x3F96]  }
0x1a: {  	s8 =	sadd.s32 $0xFFFFE003, lr  }
0x1b: {  	s9 =	sadd.s32 $0xFFFFFEF7, lr;
	s5 =	simm.s32 $0xFFFFFFFF;
	p2 =	slt.u32 s8, $0xFFFFF086  }
0x1c: {  	p1 =	slt.u32 s9, $0xF7A;
	s5 =	simm.s32 @!p2 $0x0  }
0x1d: {  	s5 =	simm.s32 @p1 $0x1;
	p0 =	seq.s32 s7, s2  }
0x1e: {  	s7 =	smul.u32 @!p0 $0xF7A, s2;
	p2 =	seq.s32 @!p0 s5, $0x0  }
0x1f: {  	s9 =	smul.u32 $0xF7A, s1;
	s8 =	simm.s32 @!p0 $0x1BF5;
	p2 =	por !p2, p0  }
0x20: {  	[sflag:s8] =	ssyncset.s32 @!p0 $0xFFFFF086;
	s6 =	sadd.s32 @!p0 s3, s7;
	s7 =	simm.s32 @!p0 $0x108  }
0x21: {  	s3 =	sadd.s32 s3, s9;
	s6 =	sadd.s32 @!p0 $0x88, s6;
	s7 =	simm.s32 @p2 $0x1082  }
0x22: {  	[simem:s7], [sflag:s8] =	dma.local @!p0 [hbm:s6], $0xF7A  }
0x23: {  	s9 =	sor.u32 $0xD0000000, s2;
	s6 =	simm.s32 $0x108;
	_ =	swait.ge @!p0 [sflag:s8], $0x0  }
0x24: {  	s3 =	sadd.s32 $0x88, s3;
	s6 =	simm.s32 @!p1 $0x1082;
	[sflag:s4] =	ssyncset.s32 $0xFFFFF086  }
0x25: {  	[simem:s6], [sflag:s4] =	dma.local [hbm:s3], $0xF7A  }
0x26: {  	[smem:$0x3F96] =	sst s1;
	(tag) =	ssettag s2;
	_ =	strace s9  }
0x27: {  	s1 =	sld [smem:$0x3FA6]  }
0x28: {  	s2 =	sld [smem:$0x3FA7]  }
0x29: {  	s4 =	sld [smem:$0x3FA9]  }
0x2a: {  	p0 =	seq.s32 s5, $0x0;
	s5 =	sld [smem:$0x3FAA]  }
0x2b: {  	s6 =	sld [smem:$0x3FAB]  }
0x2c: {  	s7 =	sld [smem:$0x3FAC]  }
0x2d: {  	s3 =	simm.s32 $0x108;
	s8 =	sld [smem:$0x3FAD]  }
0x2e: {  	s3 =	simm.s32 @!p0 $0x1082;
	s9 =	sld [smem:$0x3FAE]  }
0x2f: {  	lr =	sadd.s32 s0, s3;
	s0 =	sld [smem:$0x3FA5]  }
0x30: {  	s3 =	sld [smem:$0x3FA8]  }
0x31: {  	[smem:$0x3FB1] =	sst s10  }
0x32: {  	s10 =	sld [smem:$0x3FAF];
	_ =	sdelay $0x3  }
0x33: {  	p0 =	seq.s32 s10, $0x1;
	s10 =	sld [smem:$0x3FB1];
	_ =	sdelay $0x3  }
0x34: {  	[smem:$0x3FB1] =	sst s10  }
0x35: {  	s10 =	sld [smem:$0x3FB0];
	_ =	sdelay $0x3  }
0x36: {  	p1 =	seq.s32 s10, $0x1;
	s10 =	sld [smem:$0x3FB1];
	_ =	sdelay $0x3  }
0x37: {  	[smem:$0x3FB1] =	sst s10  }
0x38: {  	s10 =	sld [smem:$0x3FB2]  }
0x39: {  	_ = 	snop;
	(pc) =	sbr.ind lr, $3  }
0x3a: {  	_ = 	snop  }
0x3b: {  	_ = 	snop  }
0x3c: {  	p2 =	seq.s32 s10, $0x1;
	s10 =	sld [smem:$0x3FB1]  }
0x3d: {  	_ =	shalt  }
0x3e: {  	_ =	shalt  }
0x3f: {  	_ =	shalt  }
0x40: {  	_ =	shalt  }
0x41: {  	_ =	shalt  }
0x42: {  	_ =	shalt  }
0x43: {  	_ =	shalt  }
0x44: {  	_ =	shalt  }
0x45: {  	_ =	shalt  }
0x46: {  	_ =	shalt  }
0x47: {  	_ =	shalt  }
0x48: {  	_ =	shalt  }
0x49: {  	_ =	shalt  }
0x4a: {  	_ =	shalt  }
0x4b: {  	_ =	shalt  }
0x4c: {  	_ =	shalt  }
0x4d: {  	_ =	shalt  }
0x4e: {  	_ =	shalt  }
0x4f: {  	_ =	shalt  }
0x50: {  	_ =	shalt  }
0x51: {  	_ =	shalt  }
0x52: {  	_ =	shalt  }
0x53: {  	_ =	shalt  }
0x54: {  	_ =	shalt  }
0x55: {  	_ =	shalt  }
0x56: {  	_ =	shalt  }
0x57: {  	_ =	shalt  }
0x58: {  	_ =	shalt  }
0x59: {  	_ =	shalt  }
0x5a: {  	_ =	shalt  }
0x5b: {  	_ =	shalt  }
0x5c: {  	_ =	shalt  }
0x5d: {  	_ =	shalt  }
0x5e: {  	_ =	shalt  }
0x5f: {  	_ =	shalt  }
0x60: {  	_ =	shalt  }
0x61: {  	_ =	shalt  }
0x62: {  	_ =	shalt  }
0x63: {  	_ =	shalt  }
0x64: {  	_ =	shalt  }
0x65: {  	_ =	shalt  }
0x66: {  	_ =	shalt  }
0x67: {  	_ =	shalt  }
0x68: {  	_ =	shalt  }
0x69: {  	_ =	shalt  }
0x6a: {  	_ =	shalt  }
0x6b: {  	_ =	shalt  }
0x6c: {  	_ =	shalt  }
0x6d: {  	_ =	shalt  }
0x6e: {  	_ =	shalt  }
0x6f: {  	_ =	shalt  }
0x70: {  	_ =	shalt  }
0x71: {  	_ =	shalt  }
0x72: {  	_ =	shalt  }
0x73: {  	_ =	shalt  }
0x74: {  	_ =	shalt  }
0x75: {  	_ =	shalt  }
0x76: {  	_ =	shalt  }
0x77: {  	_ =	shalt  }
0x78: {  	_ =	shalt  }
0x79: {  	_ =	shalt  }
0x7a: {  	_ =	shalt  }
0x7b: {  	_ =	shalt  }
0x7c: {  	_ =	shalt  }
0x7d: {  	_ =	shalt  }
0x7e: {  	_ =	shalt  }
0x7f: {  	_ =	shalt  }
0x80: {  	_ =	shalt  }
0x81: {  	_ =	shalt  }
0x82: {  	_ =	shalt  }
0x83: {  	_ =	shalt  }
0x84: {  	_ =	shalt  }
0x85: {  	_ =	shalt  }
0x86: {  	_ =	shalt  }
0x87: {  	_ =	shalt  }
.Lfunc_end0:
.L_simem_size_0:
called_computation.2_lowered:
.L_overlay_start_0:
0x88: {  	s2 =	sld [smem:$0x3FD9]  }
0x89: {  	s3 =	sld [smem:$0x3FFE];
	_ =	sdelay $0x1  }
0x8a: {  	s1 =	srdreg.scid  }
0x8b: {  	s0 =	sand.u32 $0x1, s1  }
0x8c: {  	s14 =	sshll.u32 s0, $0xA;
	s2 =	sadd.s32 s3, s2  }
0x8d: {  	s2 =	sadd.s32 s2, s14  }
0x8e: {  	[smem:$0x3FBD] =	sst s2  }
0x8f: {  	_ = 	snop  }
0x90: {  	s2 =	sld [smem:$0x3FD0];
	_ =	sdelay $0x2  }
0x91: {  	s15 =	simm.s32 $0xA;
	s4 =	simm.s32 $0x10  }
0x92: {  	[smem:s4], [sflag:s15] =	dma.local [hbm:s2], $0x1  }
0x93: {  	_ =	swait.eq [sflag:s15], $0x1  }
0x94: {  	[sflag:s15] =	ssyncset.done $0x0  }
0x95: {  	[sflag:s15] =	ssyncadd.s32 $0xFFFFFFFF  }
0x96: {  	s16 =	sld [smem:$0x12];
	(tm) =	ssettm $0x1  }
0x97: {  	s17 =	sld [smem:$0x3FFB];
	_ =	sdelay $0x3  }
0x98: {  	_ =	strace s17  }
0x99: {  	s3 =	sld [smem:$0x3FFC];
	_ =	sdelay $0x3  }
0x9a: {  	_ =	strace s3  }
0x9b: {  	s3 =	sld [smem:$0x3FFD];
	_ =	sdelay $0x3  }
0x9c: {  	_ =	strace s3  }
0x9d: {  	_ =	strace $0x8FFFFFFF  }
0x9e: {  	s18 =	sld [smem:$0x3FDB];
	_ =	sdelay $0x1  }
0x9f: {  	s19 =	simm.s32 $_scs_section_size  }
0xa0: {  	s5 =	simm.s32 $_size__tile_overlayer_lowered;
	s6 =	simm.s32 $_tile_overlayer_lowered  }
0xa1: {  	s22 =	simm.s32 $0x1BFF;
	s21 =	sshll.u32 s6, $0x1;
	s3 =	sadd.s32 s19, s18  }
0xa2: {  	s7 =	simm.s32 $0x0;
	s20 =	sshll.u32 s5, $0x1;
	s5 =	sadd.s32 s21, s3  }
0xa3: {  	[timem:s7], [sflag:s22] =	dma.local [hbm:s5], s20  }
0xa4: {  	_ =	swait.ge [sflag:s22], s20  }
0xa5: {  	s4 =	ssub.s32 $0x0, s20;
	[sflag:s22] =	ssyncset.done $0x0  }
0xa6: {  	[sflag:s22] =	ssyncadd.s32 s4;
	_ =	sdelay $0x1  }
0xa7: {  	s23 =	simm.s32 $0x1B8B  }
0xa8: {  	_ =	swait.ge [sflag:s23], $0x1  }
0xa9: {  	[sflag:s23] =	ssyncset.done $0x0  }
0xaa: {  	s25 =	simm.s32 $0x1B8E;
	s24 =	sld [smem:$0x3FFE];
	[sflag:s23] =	ssyncadd.s32 $0xFFFFFFFF  }
0xab: {  	s26 =	simm.s32 $execute0_lowered;
	[smem:$0x3FD2] =	sst s25  }
0xac: {  	s5 =	sshll.u32 s26, $0x1;
	_ =	strace $0x8000004C;
	[dreg:$0x1] =	wrdreg $0xFFFFFFFF  }
0xad: {  	s28 =	simm.s32 $_size_execute0_lowered;
	s3 =	sadd.s32 s3, s5;
	[dreg:$0x0] =	wrdreg $0x0  }
0xae: {  	s5 =	sshll.u32 s28, $0x1;
	[dreg:$0x2] =	wrdreg s3  }
0xaf: {  	[dreg:$0x3] =	wrdreg s5  }
0xb0: {  	[dreg:$0x4] =	wrdreg $0xC0  }
0xb1: {  	_ =	task [dreg:s7], $0x5FFFF  }
0xb2: {  	[dreg:$0x1] =	wrdreg $0xFFFFFFFF  }
0xb3: {  	[dreg:$0x0] =	wrdreg $0x60  }
0xb4: {  	[dreg:$0x2] =	wrdreg s24  }
0xb5: {  	[dreg:$0x3] =	wrdreg s16  }
0xb6: {  	[dreg:$0x4] =	wrdreg $0x14F000  }
0xb7: {  	[dreg:$0x5] =	wrdreg $0x9  }
0xb8: {  	_ =	task.clear_ibuf [dreg:s7], $0x6FFFF;
	_ =	strace $0x9000004C  }
0xb9: {  	s29 =	simm.s32 $0x9;
	_ =	strace $0x8000004E  }
0xba: {  	_ =	swait.ge [sflag:s29], $0x1  }
0xbb: {  	[sflag:s29] =	ssyncadd.s32 $0xFFFFFFFF  }
0xbc: {  	_ =	strace $0x9000004E  }
0xbd: {  	_ =	sfence  }
0xbe: {  	s30 =	sld [smem:$0x0];
	_ =	sdelay $0x2  }
0xbf: {  	s31 =	sshll.u32 s1, $0xD;
	s1 =	sshrl.u32 s1, $0x2  }
0xc0: {  	s3 =	sand.u32 $0x4000, s31;
	s1 =	sadd.s32 s1, s30  }
0xc1: {  	s0 =	sor.u32 s3, s0;
	s1 =	sshll.u32 s1, $0x11  }
0xc2: {  	s0 =	sor.u32 s1, s0  }
0xc3: {  	s0 =	sadd.s32 $0x8F2B, s0  }
0xc4: {  	[sflag:s0] =	ssyncadd.remote.s32 $0x1  }
0xc5: {  	_ =	sfence.sel $0xFFFF  }
0xc6: {  	[dreg:$0x0] =	wrdreg $0xFFFFFFFF;
	(pc) =	sbr.abs _section_cstart, $3  }
0xc7: {  	[dreg:$0x1] =	wrdreg $0xFFFFFFFF  }
0xc8: {  	_ =	task.clear_ibuf [dreg:s7], $0x2FFFF;
	_ =	strace $0x9FFFFFFF  }
0xc9: {  	(tm) =	ssettm $0x7FFFFFFF  }
tec
execute0_lowered:
.L_overlay_start_1:
0x0: {  	(tag) =	ssettag $0x1  }
0x1: {  	s6 =	rddreg [dreg:$0x0]  }
0x2: {  	s1 =	rddreg [dreg:$0x1]  }
0x3: {  	s2 =	rddreg [dreg:$0x2]  }
0x4: {  	s0 =	rddreg [dreg:$0x3]  }
0x5: {  	s4 =	simm.s32 $0x0;
	s3 =	stileid.u32;
	s7 =	srdreg.scid  }
0x6: {  	s18 =	simm.s32 $0x100;
	s19 =	simm.s32 $0xC000;
	s20 =	simm.s32 $0x10000  }
0x7: {  	s21 =	simm.s32 $0x2;
	s22 =	simm.s32 $0x1;
	s23 =	simm.s32 $0xE000  }
0x8: {  	s24 =	simm.s32 $0x0;
	[smem:$0x7FF] =	sst s4;
	s5 =	sadd.s32 $0x3E000, s6  }
0x9: {  	s8 =	sadd.s32 $0xCE00, s6;
	s9 =	smul.u32 $0x5000, s3;
	s10 =	sadd.s32 $0x2E00, s6  }
0xa: {  	s13 =	sadd.s32 $0x51A00, s6;
	s15 =	sand.u32 $0x1, s7;
	s28 =	smul.u32 $0xA00, s3  }
0xb: {  	s12 =	smul.u32 $0x9E00, s3;
	_ =	strace $0x8000004D;
	s25 =	ssub.s32 $0x2, s15  }
0xc: {  	s29 =	smul.u32 $0x9E000, s15;
	p0 =	sne.s32 s15, $0x0;
	s15 =	simm.s32 $0x80  }
0xd: {  	s26 =	sshrl.u32 s9, $0x3;
	s11 =	sshrl.u32 s25, $0x1;
	s16 =	sadd.s32 $0x4F00, s12  }
0xe: {  	s9 =	sadd.s32 s10, s28;
	s7 =	sadd.s32 $0x800, s26;
	s14 =	ssub.s32 s25, s11  }
.Ltmp0:
0xf: {  	s17 =	sadd.s32 s12, s29;
	s11 =	sadd.s32 s29, s16;
	(pc) =	sbr.rel .LBB2_1-.Ltmp0, $4  }
0x10: {  	s6 =	sadd.s32 s8, s7;
	s7 =	sadd.s32 s10, s7;
	s8 =	sadd.s32 s8, s28  }
0x11: {  	s10 =	sadd.s32 s12, s2;
	s30 =	sshrl.u32 s17, $0x3;
	s31 =	sshrl.u32 s11, $0x3  }
0x12: {  	s11 =	sadd.s32 s16, s2;
	s14 =	smax.u32 s14, $0x1;
	s16 =	simm.s32 $0x8000  }
0x13: {  	s17 =	simm.s32 $0xA000;
	s12 =	sadd.s32 s13, s30;
	s13 =	sadd.s32 s13, s31  }
.LBB2_5:
0x14: {  	s25 =	simm.s32 $0x4F80;
	s26 =	simm.s32 $0x4F00  }
0x15: {  	s28 =	simm.s32 $0x4E80;
	s29 =	simm.s32 $0x4E00;
	s30 =	simm.s32 $0xF80  }
.LBB2_6:
0x16: {  	_ =	swait.ge [sflag:s22], $0x2000  }
0x17: {  	[sflag:s22] =	ssyncset.done $0x0  }
0x18: {  	[sflag:s22] =	ssyncadd.s32 $0xFFFFE000  }
0x19: {  	[tilespmem:s23], [sflag:$0x1] =	stream.indirect.gather [hbm4b:s5+s15], $0x40, s30, s15, $0xb8;
	[tilespmem:$0x1ED00] =	vst v63  }
0x1a: {  	_ = 	snop  }
0x1b: {  	[spmem:s2] =	stream.indirect.scatter.add.f32 [tilespmem:s16], [sflag:$0x2], $0x40, s29, s15, $0xb8;
	[tilespmem:$0x1ED00] =	vst v63  }
0x1c: {  	_ =	swait.ge [sflag:s21], $0x2000  }
0x1d: {  	[sflag:s21] =	ssyncset.done $0x0  }
0x1e: {  	[sflag:s21] =	ssyncadd.s32 $0xFFFFE000  }
0x1f: {  	_ =	swait.ge [sflag:s22], $0x2000  }
0x20: {  	[sflag:s22] =	ssyncset.done $0x0  }
0x21: {  	[sflag:s22] =	ssyncadd.s32 $0xFFFFE000  }
0x22: {  	[spmem:s2] =	stream.indirect.scatter.add.f32 [tilespmem:s17], [sflag:$0x2], $0x40, s28, s15, $0xb8;
	[tilespmem:$0x1ED00] =	vst v63  }
0x23: {  	_ =	swait.ge [sflag:s21], $0x2000  }
0x24: {  	[sflag:s21] =	ssyncset.done $0x0  }
0x25: {  	[sflag:s21] =	ssyncadd.s32 $0xFFFFE000  }
0x26: {  	_ =	swait.ge [sflag:s22], $0x2000  }
0x27: {  	[sflag:s22] =	ssyncset.done $0x0  }
0x28: {  	[sflag:s22] =	ssyncadd.s32 $0xFFFFE000  }
0x29: {  	[spmem:s2] =	stream.indirect.scatter.add.f32 [tilespmem:s19], [sflag:$0x2], $0x40, s26, s15, $0xb8;
	[tilespmem:$0x1ED00] =	vst v63  }
0x2a: {  	_ =	swait.ge [sflag:s21], $0x2000  }
0x2b: {  	[sflag:s21] =	ssyncset.done $0x0  }
0x2c: {  	[sflag:s21] =	ssyncadd.s32 $0xFFFFE000  }
0x2d: {  	_ =	swait.ge [sflag:s22], $0x2000  }
0x2e: {  	[sflag:s22] =	ssyncset.done $0x0  }
0x2f: {  	[sflag:s22] =	ssyncadd.s32 $0xFFFFE000  }
0x30: {  	[spmem:s2] =	stream.indirect.scatter.add.f32 [tilespmem:s23], [sflag:$0x2], $0x40, s25, s15, $0xb8;
	[tilespmem:$0x1ED00] =	vst v63  }
0x31: {  	_ =	swait.ge [sflag:s21], $0x2000  }
0x32: {  	[sflag:s21] =	ssyncset.done $0x0  }
0x33: {  	[sflag:s21] =	ssyncadd.s32 $0xFFFFE000  }
0x34: {  	[bflag:$0x0] =	sbarrier.arrive $0xFFFF  }
0x35: {  	[tilespmem:s20], [sflag:$0x2] =	stream.linear.gather [spmem:s10], $0x4F00, $0x38;
	[tilespmem:$0x1ED00] =	vst v63  }
0x36: {  	_ =	swait.ge [sflag:s21], $0x4F00  }
0x37: {  	[sflag:s21] =	ssyncset.done $0x0  }
0x38: {  	[sflag:s21] =	ssyncadd.s32 $0xFFFFB100  }
0x39: {  	[hbm4b:s12+s4] =	stream.linear.scatter [tilespmem:s20], [sflag:$0x2], $0x4F00, $0x38;
	[tilespmem:$0x1ED00] =	vst v63  }
0x3a: {  	_ =	swait.ge [sflag:s21], $0x4F00  }
0x3b: {  	[sflag:s21] =	ssyncset.done $0x0  }
0x3c: {  	[sflag:s21] =	ssyncadd.s32 $0xFFFFB100  }
0x3d: {  	[tilespmem:s20], [sflag:$0x2] =	stream.linear.gather [spmem:s11], $0x4F00, $0x38;
	[tilespmem:$0x1ED00] =	vst v63  }
0x3e: {  	s24 =	sadd.s32 $0x1, s24;
	_ =	swait.ge [sflag:s21], $0x4F00  }
0x3f: {  	p1 =	sne.s32 s24, s14;
	[sflag:s21] =	ssyncset.done $0x0  }
.Ltmp1:
0x40: {  	[sflag:s21] =	ssyncadd.s32 $0xFFFFB100;
	(pc) =	sbr.rel @!p1 .LBB2_7-.Ltmp1, $4  }
0x41: {  	[hbm4b:s13+s4] =	stream.linear.scatter [tilespmem:s20], [sflag:$0x2], $0x4F00, $0x38;
	[tilespmem:$0x1ED00] =	vst v63  }
0x42: {  	_ =	swait.ge [sflag:s21], $0x4F00  }
0x43: {  	[sflag:s21] =	ssyncset.done $0x0  }
0x44: {  	[sflag:s21] =	ssyncadd.s32 $0xFFFFB100  }
.LBB2_1:
0x45: {  	s25 =	simm.s32 @p0 $0x0;
	s26 =	simm.s32 @p0 $0x2  }
0x46: {  	[tilespmem:s25], [sflag:$0x2] =	stream.linear.gather @p0 [hbm4b:s6+s25], $0x1000, $0x38;
	[tilespmem:$0x1ED00] =	vst v63  }
0x47: {  	_ =	swait.ge @p0 [sflag:s26], $0x1000  }
0x48: {  	[sflag:s26] =	ssyncset.done @p0 $0x0  }
0x49: {  	s28 =	simm.s32 @p0 $0x4000;
	[sflag:s26] =	ssyncadd.s32 @p0 $0xFFFFF000  }
0x4a: {  	[tilespmem:s28], [sflag:$0x2] =	stream.linear.gather @p0 [hbm4b:s7+s25], $0x1000, $0x38;
	[tilespmem:$0x1ED00] =	vst v63  }
0x4b: {  	_ =	swait.ge @p0 [sflag:s26], $0x1000  }
0x4c: {  	[sflag:s26] =	ssyncset.done @p0 $0x0  }
0x4d: {  	s25 =	simm.s32 @!p0 $0x0;
	[sflag:s26] =	ssyncadd.s32 @p0 $0xFFFFF000;
	s26 =	simm.s32 @!p0 $0x2  }
0x4e: {  	[tilespmem:s25], [sflag:$0x2] =	stream.linear.gather @!p0 [hbm4b:s8+s25], $0x4000, $0x38;
	[tilespmem:$0x1ED00] =	vst v63  }
0x4f: {  	_ =	swait.ge @!p0 [sflag:s26], $0x4000  }
0x50: {  	[sflag:s26] =	ssyncset.done @!p0 $0x0  }
0x51: {  	s28 =	simm.s32 @!p0 $0x4000;
	[sflag:s26] =	ssyncadd.s32 @!p0 $0xFFFFC000  }
0x52: {  	[tilespmem:s28], [sflag:$0x2] =	stream.linear.gather @!p0 [hbm4b:s9+s25], $0x4000, $0x38;
	[tilespmem:$0x1ED00] =	vst v63  }
0x53: {  	_ =	swait.ge @!p0 [sflag:s26], $0x4000  }
0x54: {  	[sflag:s26] =	ssyncset.done @!p0 $0x0  }
0x55: {  	[sflag:s26] =	ssyncadd.s32 @!p0 $0xFFFFC000  }
0x56: {  	[tilespmem:s16], [sflag:$0x1] =	stream.indirect.gather [hbm4b:s5+s15], $0x40, s4, s15, $0xb8;
	[tilespmem:$0x1ED00] =	vst v63  }
0x57: {  	_ = 	snop  }
0x58: {  	[tilespmem:s17], [sflag:$0x1] =	stream.indirect.gather [hbm4b:s5+s15], $0x40, s15, s15, $0xb8;
	[tilespmem:$0x1ED00] =	vst v63  }
0x59: {  	_ = 	snop  }
0x5a: {  	[tilespmem:s19], [sflag:$0x1] =	stream.indirect.gather [hbm4b:s5+s15], $0x40, s18, s15, $0xb8;
	[tilespmem:$0x1ED00] =	vst v63  }
0x5b: {  	_ = 	snop  }
0x5c: {  	[tilespmem:s20], [sflag:$0x2] =	stream.linear.gather [hbm4b:s1+s4], $0x4F00, $0x38;
	[tilespmem:$0x1ED00] =	vst v63  }
0x5d: {  	_ =	swait.ge [sflag:s21], $0x4F00  }
0x5e: {  	[sflag:s21] =	ssyncset.done $0x0  }
0x5f: {  	[sflag:s21] =	ssyncadd.s32 $0xFFFFB100  }
0x60: {  	[spmem:s10] =	stream.linear.scatter [tilespmem:s20], [sflag:$0x2], $0x4F00, $0x38;
	[tilespmem:$0x1ED00] =	vst v63  }
0x61: {  	_ =	swait.ge [sflag:s21], $0x4F00  }
0x62: {  	[sflag:s21] =	ssyncset.done $0x0  }
0x63: {  	[sflag:s21] =	ssyncadd.s32 $0xFFFFB100  }
0x64: {  	[spmem:s11] =	stream.linear.scatter [tilespmem:s20], [sflag:$0x2], $0x4F00, $0x38;
	[tilespmem:$0x1ED00] =	vst v63  }
.Ltmp2:
0x65: {  	_ =	swait.ge [sflag:s21], $0x4F00;
	(pc) =	sbr.rel @p0 .LBB2_4-.Ltmp2, $4  }
0x66: {  	[sflag:s21] =	ssyncset.done $0x0  }
0x67: {  	[sflag:s21] =	ssyncadd.s32 $0xFFFFB100  }
0x68: {  	[bflag:$0x0] =	sbarrier.arrive $0xFFFF  }
0x69: {  	s25 =	simm.s32 $0x0;
	s26 =	simm.s32 $0x0  }
.LBB2_2:
0x6a: {  	_ =	swait.ge [sflag:s22], $0x2000  }
0x6b: {  	s26 =	sshra.s32 s25, $0x2;
	[sflag:s22] =	ssyncset.done $0x0  }
0x6c: {  	s28 =	sadd.s32 $0x180, s26;
	[sflag:s22] =	ssyncadd.s32 $0xFFFFE000  }
0x6d: {  	[tilespmem:s23], [sflag:$0x1] =	stream.indirect.gather [hbm4b:s5+s15], $0x40, s28, s15, $0xb8;
	[tilespmem:$0x1ED00] =	vst v63  }
0x6e: {  	s29 =	sadd.s32 $0x4000, s26  }
0x6f: {  	[spmem:s2] =	stream.indirect.scatter.add.f32 [tilespmem:s16], [sflag:$0x2], $0x40, s29, s15, $0xb8;
	[tilespmem:$0x1ED00] =	vst v63  }
0x70: {  	_ =	swait.ge [sflag:s21], $0x2000  }
0x71: {  	[sflag:s21] =	ssyncset.done $0x0  }
0x72: {  	[sflag:s21] =	ssyncadd.s32 $0xFFFFE000  }
0x73: {  	_ =	swait.ge [sflag:s22], $0x2000  }
0x74: {  	[sflag:s22] =	ssyncset.done $0x0  }
0x75: {  	s30 =	sadd.s32 $0x200, s26;
	[sflag:s22] =	ssyncadd.s32 $0xFFFFE000  }
0x76: {  	[tilespmem:s16], [sflag:$0x1] =	stream.indirect.gather [hbm4b:s5+s15], $0x40, s30, s15, $0xb8;
	[tilespmem:$0x1ED00] =	vst v63  }
0x77: {  	s31 =	sadd.s32 $0x4080, s26  }
0x78: {  	[spmem:s2] =	stream.indirect.scatter.add.f32 [tilespmem:s17], [sflag:$0x2], $0x40, s31, s15, $0xb8;
	[tilespmem:$0x1ED00] =	vst v63  }
0x79: {  	_ =	swait.ge [sflag:s21], $0x2000  }
0x7a: {  	[sflag:s21] =	ssyncset.done $0x0  }
0x7b: {  	[sflag:s21] =	ssyncadd.s32 $0xFFFFE000  }
0x7c: {  	_ =	swait.ge [sflag:s22], $0x2000  }
0x7d: {  	[sflag:s22] =	ssyncset.done $0x0  }
0x7e: {  	s29 =	sadd.s32 $0x280, s26;
	[sflag:s22] =	ssyncadd.s32 $0xFFFFE000  }
0x7f: {  	[tilespmem:s17], [sflag:$0x1] =	stream.indirect.gather [hbm4b:s5+s15], $0x40, s29, s15, $0xb8;
	[tilespmem:$0x1ED00] =	vst v63  }
0x80: {  	s30 =	sadd.s32 $0x4100, s26  }
0x81: {  	[spmem:s2] =	stream.indirect.scatter.add.f32 [tilespmem:s19], [sflag:$0x2], $0x40, s30, s15, $0xb8;
	[tilespmem:$0x1ED00] =	vst v63  }
0x82: {  	_ =	swait.ge [sflag:s21], $0x2000  }
0x83: {  	[sflag:s21] =	ssyncset.done $0x0  }
0x84: {  	[sflag:s21] =	ssyncadd.s32 $0xFFFFE000  }
0x85: {  	_ =	swait.ge [sflag:s22], $0x2000  }
0x86: {  	[sflag:s22] =	ssyncset.done $0x0  }
0x87: {  	p1 =	seq.s32 s25, $0xF000;
	s31 =	sadd.s32 $0x300, s26;
	[sflag:s22] =	ssyncadd.s32 $0xFFFFE000  }
0x88: {  	[tilespmem:s19], [sflag:$0x1] =	stream.indirect.gather [hbm4b:s5+s15], $0x40, s31, s15, $0xb8;
	[tilespmem:$0x1ED00] =	vst v63  }
.Ltmp3:
0x89: {  	s26 =	sadd.s32 $0x4180, s26;
	(pc) =	sbr.rel @!p1 .LBB2_2-.Ltmp3, $4  }
0x8a: {  	[spmem:s2] =	stream.indirect.scatter.add.f32 [tilespmem:s23], [sflag:$0x2], $0x40, s26, s15, $0xb8;
	[tilespmem:$0x1ED00] =	vst v63  }
0x8b: {  	_ =	swait.ge [sflag:s21], $0x2000  }
0x8c: {  	[sflag:s21] =	ssyncset.done $0x0  }
0x8d: {  	s25 =	sadd.s32 $0x800, s25;
	[sflag:s21] =	ssyncadd.s32 $0xFFFFE000  }
.Ltmp4:
0x8e: {  	(pc) =	sbr.rel .LBB2_6-.Ltmp4, $3  }
0x8f: {  	_ =	sdelay $0x1  }
0x90: {  	s25 =	simm.s32 $0x7F80;
	s26 =	simm.s32 $0x7F00  }
0x91: {  	s28 =	simm.s32 $0x7E80;
	s29 =	simm.s32 $0x7E00;
	s30 =	simm.s32 $0x3F80  }
.LBB2_4:
0x92: {  	_ =	swait.ge [sflag:s22], $0x2000  }
0x93: {  	s25 =	sshra.s32 s26, $0x2;
	[sflag:s22] =	ssyncset.done $0x0  }
0x94: {  	s28 =	sadd.s32 $0x180, s25;
	[sflag:s22] =	ssyncadd.s32 $0xFFFFE000  }
0x95: {  	[tilespmem:s23], [sflag:$0x1] =	stream.indirect.gather [hbm4b:s5+s15], $0x40, s28, s15, $0xb8;
	[tilespmem:$0x1ED00] =	vst v63  }
0x96: {  	s29 =	sadd.s32 $0x4000, s25  }
0x97: {  	[spmem:s2] =	stream.indirect.scatter.add.f32 [tilespmem:s16], [sflag:$0x2], $0x40, s29, s15, $0xb8;
	[tilespmem:$0x1ED00] =	vst v63  }
0x98: {  	_ =	swait.ge [sflag:s21], $0x2000  }
0x99: {  	[sflag:s21] =	ssyncset.done $0x0  }
0x9a: {  	[sflag:s21] =	ssyncadd.s32 $0xFFFFE000  }
0x9b: {  	_ =	swait.ge [sflag:s22], $0x2000  }
0x9c: {  	[sflag:s22] =	ssyncset.done $0x0  }
0x9d: {  	s30 =	sadd.s32 $0x200, s25;
	[sflag:s22] =	ssyncadd.s32 $0xFFFFE000  }
0x9e: {  	[tilespmem:s16], [sflag:$0x1] =	stream.indirect.gather [hbm4b:s5+s15], $0x40, s30, s15, $0xb8;
	[tilespmem:$0x1ED00] =	vst v63  }
0x9f: {  	s31 =	sadd.s32 $0x4080, s25  }
0xa0: {  	[spmem:s2] =	stream.indirect.scatter.add.f32 [tilespmem:s17], [sflag:$0x2], $0x40, s31, s15, $0xb8;
	[tilespmem:$0x1ED00] =	vst v63  }
0xa1: {  	_ =	swait.ge [sflag:s21], $0x2000  }
0xa2: {  	[sflag:s21] =	ssyncset.done $0x0  }
0xa3: {  	[sflag:s21] =	ssyncadd.s32 $0xFFFFE000  }
0xa4: {  	_ =	swait.ge [sflag:s22], $0x2000  }
0xa5: {  	[sflag:s22] =	ssyncset.done $0x0  }
0xa6: {  	s29 =	sadd.s32 $0x280, s25;
	[sflag:s22] =	ssyncadd.s32 $0xFFFFE000  }
0xa7: {  	[tilespmem:s17], [sflag:$0x1] =	stream.indirect.gather [hbm4b:s5+s15], $0x40, s29, s15, $0xb8;
	[tilespmem:$0x1ED00] =	vst v63  }
0xa8: {  	s30 =	sadd.s32 $0x4100, s25  }
0xa9: {  	[spmem:s2] =	stream.indirect.scatter.add.f32 [tilespmem:s19], [sflag:$0x2], $0x40, s30, s15, $0xb8;
	[tilespmem:$0x1ED00] =	vst v63  }
0xaa: {  	_ =	swait.ge [sflag:s21], $0x2000  }
0xab: {  	[sflag:s21] =	ssyncset.done $0x0  }
0xac: {  	[sflag:s21] =	ssyncadd.s32 $0xFFFFE000  }
0xad: {  	_ =	swait.ge [sflag:s22], $0x2000  }
0xae: {  	[sflag:s22] =	ssyncset.done $0x0  }
0xaf: {  	p1 =	sne.s32 s26, $0x3000;
	s31 =	sadd.s32 $0x300, s25;
	[sflag:s22] =	ssyncadd.s32 $0xFFFFE000  }
0xb0: {  	[tilespmem:s19], [sflag:$0x1] =	stream.indirect.gather [hbm4b:s5+s15], $0x40, s31, s15, $0xb8;
	[tilespmem:$0x1ED00] =	vst v63  }
.Ltmp5:
0xb1: {  	s25 =	sadd.s32 $0x4180, s25;
	(pc) =	sbr.rel @p1 .LBB2_4-.Ltmp5, $4  }
0xb2: {  	[spmem:s2] =	stream.indirect.scatter.add.f32 [tilespmem:s23], [sflag:$0x2], $0x40, s25, s15, $0xb8;
	[tilespmem:$0x1ED00] =	vst v63  }
0xb3: {  	_ =	swait.ge [sflag:s21], $0x2000  }
0xb4: {  	[sflag:s21] =	ssyncset.done $0x0  }
0xb5: {  	s26 =	sadd.s32 $0x800, s26;
	[sflag:s21] =	ssyncadd.s32 $0xFFFFE000  }
.Ltmp6:
0xb6: {  	_ = 	snop;
	(pc) =	sbr.rel .LBB2_5-.Ltmp6, $1  }
0xb7: {  	_ =	sdelay $0x3  }
.LBB2_7:
0xb8: {  	_ =	sfence.sel $0x180000  }
0xb9: {  	[bflag:$0x0] =	sbarrier.arrive $0xFFFF  }
0xba: {  	p0 =	sne.s32 s3, $0x0;
	_ =	strace $0x9000004D  }
0xbb: {  	s0 =	sadd.s32 @!p0 $0x100000, s0;
	[bflag:$0x2] =	sbarrier.arrive $0xFFFF  }
0xbc: {  	[sflag:s0] =	ssyncadd.tile.s32 @!p0 $0x1;
	_ =	shalt  }
.Lfunc_end2:
_tile_overlayer_lowered:
.L_overlay_start_2:
0xbd: {  	(tag) =	ssettag $0x2  }
0xbe: {  	s0 =	rddreg [dreg:$0x0];
	s2 =	stileid.u32  }
0xbf: {  	s1 =	rddreg [dreg:$0x1];
	p0 =	sne.s32 s2, $0x0  }
0xc0: {  	s3 =	rddreg [dreg:$0x2];
	[bflag:$0x3] =	sbarrier.arrive $0xFFFF;
	s2 =	simm.s32 @!p0 $0x1C02  }
0xc1: {  	[timem:s3], [sflag:s2] =	dma.local @!p0 [hbm:s0], s1  }
0xc2: {  	s0 =	simm.s32 @!p0 $0x2  }
0xc3: {  	_ =	swait.ge @!p0 [sflag:s0], s1  }
0xc4: {  	s1 =	ssub.s32 @!p0 $0x0, s1;
	[sflag:s0] =	ssyncset.done @!p0 $0x0  }
0xc5: {  	[sflag:s0] =	ssyncadd.s32 @!p0 s1  }
0xc6: {  	[bflag:$0x3] =	sbarrier.arrive $0xFFFF  }
0xc7: {  	_ =	shalt  }

// kernel: kernel.8.cloned.1.call-start
scs
__scs_entry_jumppad:
0x0: {  	(pc) =	sbr.rel $0x88, $3  }
0x1: {  	(tag) =	ssettag $0x0;
	lr =	simm.s32 $0x1  }
0x2: {  	[smem:$0x3F96] =	sst lr;
	_ =	strace $0xD0000000  }
0x3: {  	_ = 	snop  }
0x4: {  	_ = 	snop  }
0x5: {  	_ = 	snop  }
0x6: {  	_ = 	snop  }
0x7: {  	_ = 	snop  }
__scs_overlays_trampoline_lowered:
0x8: {  	[smem:$0x3FA5] =	sst s0  }
0x9: {  	[smem:$0x3FA6] =	sst s1  }
0xa: {  	[smem:$0x3FA7] =	sst s2  }
0xb: {  	[smem:$0x3FA8] =	sst s3  }
0xc: {  	[smem:$0x3FA9] =	sst s4  }
0xd: {  	[smem:$0x3FAA] =	sst s5  }
0xe: {  	[smem:$0x3FAB] =	sst s6  }
0xf: {  	[smem:$0x3FAC] =	sst s7  }
0x10: {  	[smem:$0x3FAD] =	sst s8  }
0x11: {  	[smem:$0x3FAE] =	sst s9;
	s0 =	simm.s32 @!p0 $0x0  }
0x12: {  	s1 =	sld [smem:$0x3F94];
	s0 =	simm.s32 @p0 $0x1  }
0x13: {  	[smem:$0x3FAF] =	sst s0;
	s0 =	simm.s32 @!p1 $0x0  }
0x14: {  	s2 =	sld [smem:$0x3F93];
	s0 =	simm.s32 @p1 $0x1  }
0x15: {  	[smem:$0x3FB0] =	sst s0;
	s0 =	simm.s32 @!p2 $0x0  }
0x16: {  	s3 =	sld [smem:$0x3FDB];
	s0 =	simm.s32 @p2 $0x1  }
0x17: {  	s4 =	simm.s32 $0x1BF5;
	[smem:$0x3FB2] =	sst s0  }
0x18: {  	s0 =	sld [smem:$0x3F95];
	_ =	swait.ge [sflag:s4], $0x0  }
0x19: {  	s7 =	sld [smem:$0x3F96]  }
0x1a: {  	s8 =	sadd.s32 $0xFFFFE003, lr  }
0x1b: {  	s9 =	sadd.s32 $0xFFFFFEF7, lr;
	s5 =	simm.s32 $0xFFFFFFFF;
	p2 =	slt.u32 s8, $0xFFFFF086  }
0x1c: {  	p1 =	slt.u32 s9, $0xF7A;
	s5 =	simm.s32 @!p2 $0x0  }
0x1d: {  	s5 =	simm.s32 @p1 $0x1;
	p0 =	seq.s32 s7, s2  }
0x1e: {  	s7 =	smul.u32 @!p0 $0xF7A, s2;
	p2 =	seq.s32 @!p0 s5, $0x0  }
0x1f: {  	s9 =	smul.u32 $0xF7A, s1;
	s8 =	simm.s32 @!p0 $0x1BF5;
	p2 =	por !p2, p0  }
0x20: {  	[sflag:s8] =	ssyncset.s32 @!p0 $0xFFFFF086;
	s6 =	sadd.s32 @!p0 s3, s7;
	s7 =	simm.s32 @!p0 $0x108  }
0x21: {  	s3 =	sadd.s32 s3, s9;
	s6 =	sadd.s32 @!p0 $0x88, s6;
	s7 =	simm.s32 @p2 $0x1082  }
0x22: {  	[simem:s7], [sflag:s8] =	dma.local @!p0 [hbm:s6], $0xF7A  }
0x23: {  	s9 =	sor.u32 $0xD0000000, s2;
	s6 =	simm.s32 $0x108;
	_ =	swait.ge @!p0 [sflag:s8], $0x0  }
0x24: {  	s3 =	sadd.s32 $0x88, s3;
	s6 =	simm.s32 @!p1 $0x1082;
	[sflag:s4] =	ssyncset.s32 $0xFFFFF086  }
0x25: {  	[simem:s6], [sflag:s4] =	dma.local [hbm:s3], $0xF7A  }
0x26: {  	[smem:$0x3F96] =	sst s1;
	(tag) =	ssettag s2;
	_ =	strace s9  }
0x27: {  	s1 =	sld [smem:$0x3FA6]  }
0x28: {  	s2 =	sld [smem:$0x3FA7]  }
0x29: {  	s4 =	sld [smem:$0x3FA9]  }
0x2a: {  	p0 =	seq.s32 s5, $0x0;
	s5 =	sld [smem:$0x3FAA]  }
0x2b: {  	s6 =	sld [smem:$0x3FAB]  }
0x2c: {  	s7 =	sld [smem:$0x3FAC]  }
0x2d: {  	s3 =	simm.s32 $0x108;
	s8 =	sld [smem:$0x3FAD]  }
0x2e: {  	s3 =	simm.s32 @!p0 $0x1082;
	s9 =	sld [smem:$0x3FAE]  }
0x2f: {  	lr =	sadd.s32 s0, s3;
	s0 =	sld [smem:$0x3FA5]  }
0x30: {  	s3 =	sld [smem:$0x3FA8]  }
0x31: {  	[smem:$0x3FB1] =	sst s10  }
0x32: {  	s10 =	sld [smem:$0x3FAF];
	_ =	sdelay $0x3  }
0x33: {  	p0 =	seq.s32 s10, $0x1;
	s10 =	sld [smem:$0x3FB1];
	_ =	sdelay $0x3  }
0x34: {  	[smem:$0x3FB1] =	sst s10  }
0x35: {  	s10 =	sld [smem:$0x3FB0];
	_ =	sdelay $0x3  }
0x36: {  	p1 =	seq.s32 s10, $0x1;
	s10 =	sld [smem:$0x3FB1];
	_ =	sdelay $0x3  }
0x37: {  	[smem:$0x3FB1] =	sst s10  }
0x38: {  	s10 =	sld [smem:$0x3FB2]  }
0x39: {  	_ = 	snop;
	(pc) =	sbr.ind lr, $3  }
0x3a: {  	_ = 	snop  }
0x3b: {  	_ = 	snop  }
0x3c: {  	p2 =	seq.s32 s10, $0x1;
	s10 =	sld [smem:$0x3FB1]  }
0x3d: {  	_ =	shalt  }
0x3e: {  	_ =	shalt  }
0x3f: {  	_ =	shalt  }
0x40: {  	_ =	shalt  }
0x41: {  	_ =	shalt  }
0x42: {  	_ =	shalt  }
0x43: {  	_ =	shalt  }
0x44: {  	_ =	shalt  }
0x45: {  	_ =	shalt  }
0x46: {  	_ =	shalt  }
0x47: {  	_ =	shalt  }
0x48: {  	_ =	shalt  }
0x49: {  	_ =	shalt  }
0x4a: {  	_ =	shalt  }
0x4b: {  	_ =	shalt  }
0x4c: {  	_ =	shalt  }
0x4d: {  	_ =	shalt  }
0x4e: {  	_ =	shalt  }
0x4f: {  	_ =	shalt  }
0x50: {  	_ =	shalt  }
0x51: {  	_ =	shalt  }
0x52: {  	_ =	shalt  }
0x53: {  	_ =	shalt  }
0x54: {  	_ =	shalt  }
0x55: {  	_ =	shalt  }
0x56: {  	_ =	shalt  }
0x57: {  	_ =	shalt  }
0x58: {  	_ =	shalt  }
0x59: {  	_ =	shalt  }
0x5a: {  	_ =	shalt  }
0x5b: {  	_ =	shalt  }
0x5c: {  	_ =	shalt  }
0x5d: {  	_ =	shalt  }
0x5e: {  	_ =	shalt  }
0x5f: {  	_ =	shalt  }
0x60: {  	_ =	shalt  }
0x61: {  	_ =	shalt  }
0x62: {  	_ =	shalt  }
0x63: {  	_ =	shalt  }
0x64: {  	_ =	shalt  }
0x65: {  	_ =	shalt  }
0x66: {  	_ =	shalt  }
0x67: {  	_ =	shalt  }
0x68: {  	_ =	shalt  }
0x69: {  	_ =	shalt  }
0x6a: {  	_ =	shalt  }
0x6b: {  	_ =	shalt  }
0x6c: {  	_ =	shalt  }
0x6d: {  	_ =	shalt  }
0x6e: {  	_ =	shalt  }
0x6f: {  	_ =	shalt  }
0x70: {  	_ =	shalt  }
0x71: {  	_ =	shalt  }
0x72: {  	_ =	shalt  }
0x73: {  	_ =	shalt  }
0x74: {  	_ =	shalt  }
0x75: {  	_ =	shalt  }
0x76: {  	_ =	shalt  }
0x77: {  	_ =	shalt  }
0x78: {  	_ =	shalt  }
0x79: {  	_ =	shalt  }
0x7a: {  	_ =	shalt  }
0x7b: {  	_ =	shalt  }
0x7c: {  	_ =	shalt  }
0x7d: {  	_ =	shalt  }
0x7e: {  	_ =	shalt  }
0x7f: {  	_ =	shalt  }
0x80: {  	_ =	shalt  }
0x81: {  	_ =	shalt  }
0x82: {  	_ =	shalt  }
0x83: {  	_ =	shalt  }
0x84: {  	_ =	shalt  }
0x85: {  	_ =	shalt  }
0x86: {  	_ =	shalt  }
0x87: {  	_ =	shalt  }
.Lfunc_end0:
.L_simem_size_0:
called_computation_lowered:
.L_overlay_start_0:
0x88: {  	s2 =	sld [smem:$0x3FD9]  }
0x89: {  	s3 =	sld [smem:$0x3FFE];
	_ =	sdelay $0x1  }
0x8a: {  	s1 =	srdreg.scid  }
0x8b: {  	s0 =	sand.u32 $0x1, s1  }
0x8c: {  	s14 =	sshll.u32 s0, $0xA;
	s2 =	sadd.s32 s3, s2  }
0x8d: {  	s2 =	sadd.s32 s2, s14  }
0x8e: {  	[smem:$0x3FBD] =	sst s2  }
0x8f: {  	_ = 	snop  }
0x90: {  	s2 =	sld [smem:$0x3FD0];
	_ =	sdelay $0x2  }
0x91: {  	s15 =	simm.s32 $0xA;
	s4 =	simm.s32 $0x10  }
0x92: {  	[smem:s4], [sflag:s15] =	dma.local [hbm:s2], $0x1  }
0x93: {  	_ =	swait.eq [sflag:s15], $0x1  }
0x94: {  	s16 =	sld [smem:$0x10];
	[sflag:s15] =	ssyncset.done $0x0  }
0x95: {  	s17 =	sld [smem:$0x11];
	[sflag:s15] =	ssyncadd.s32 $0xFFFFFFFF  }
0x96: {  	s18 =	sld [smem:$0x12];
	(tm) =	ssettm $0x1  }
0x97: {  	s5 =	sld [smem:$0x3FFB];
	_ =	sdelay $0x3  }
0x98: {  	_ =	strace s5  }
0x99: {  	s5 =	sld [smem:$0x3FFC];
	_ =	sdelay $0x3  }
0x9a: {  	_ =	strace s5  }
0x9b: {  	s5 =	sld [smem:$0x3FFD];
	_ =	sdelay $0x3  }
0x9c: {  	_ =	strace s5  }
0x9d: {  	_ =	strace $0x8FFFFFFF  }
0x9e: {  	s19 =	sld [smem:$0x3FDB];
	_ =	sdelay $0x1  }
0x9f: {  	s6 =	simm.s32 $_scs_section_size  }
0xa0: {  	s7 =	simm.s32 $_size__tile_overlayer_lowered;
	s8 =	simm.s32 $_tile_overlayer_lowered  }
0xa1: {  	s22 =	simm.s32 $0x1BFF;
	s21 =	sshll.u32 s8, $0x1;
	s5 =	sadd.s32 s6, s19  }
0xa2: {  	s9 =	simm.s32 $0x0;
	s20 =	sshll.u32 s7, $0x1;
	s7 =	sadd.s32 s21, s5  }
0xa3: {  	[timem:s9], [sflag:s22] =	dma.local [hbm:s7], s20  }
0xa4: {  	_ =	swait.ge [sflag:s22], s20  }
0xa5: {  	s6 =	ssub.s32 $0x0, s20;
	[sflag:s22] =	ssyncset.done $0x0  }
0xa6: {  	[sflag:s22] =	ssyncadd.s32 s6;
	_ =	sdelay $0x1  }
0xa7: {  	s23 =	simm.s32 $0x1B8B  }
0xa8: {  	_ =	swait.ge [sflag:s23], $0x1  }
0xa9: {  	[sflag:s23] =	ssyncset.done $0x0  }
0xaa: {  	s25 =	simm.s32 $0x1B8E;
	s24 =	sld [smem:$0x3FFE];
	[sflag:s23] =	ssyncadd.s32 $0xFFFFFFFF  }
0xab: {  	s26 =	simm.s32 $execute0_lowered;
	[smem:$0x3FD2] =	sst s25  }
0xac: {  	s7 =	sshll.u32 s26, $0x1;
	_ =	strace $0x80000046;
	[dreg:$0x1] =	wrdreg $0xFFFFFFFF  }
0xad: {  	s28 =	simm.s32 $_size_execute0_lowered;
	s5 =	sadd.s32 s5, s7;
	[dreg:$0x0] =	wrdreg $0x0  }
0xae: {  	s7 =	sshll.u32 s28, $0x1;
	[dreg:$0x2] =	wrdreg s5  }
0xaf: {  	[dreg:$0x3] =	wrdreg s7  }
0xb0: {  	[dreg:$0x4] =	wrdreg $0xC0  }
0xb1: {  	_ =	task [dreg:s9], $0x5FFFF  }
0xb2: {  	[dreg:$0x1] =	wrdreg $0xFFFFFFFF  }
0xb3: {  	[dreg:$0x0] =	wrdreg $0x60  }
0xb4: {  	[dreg:$0x2] =	wrdreg s24  }
0xb5: {  	[dreg:$0x3] =	wrdreg s16  }
0xb6: {  	[dreg:$0x4] =	wrdreg s17  }
0xb7: {  	[dreg:$0x5] =	wrdreg s18  }
0xb8: {  	[dreg:$0x6] =	wrdreg $0x57C00  }
0xb9: {  	[dreg:$0x7] =	wrdreg $0x9  }
0xba: {  	_ =	task.clear_ibuf [dreg:s9], $0x8FFFF;
	_ =	strace $0x90000046  }
0xbb: {  	s29 =	simm.s32 $0x9;
	_ =	strace $0x80000048  }
0xbc: {  	_ =	swait.ge [sflag:s29], $0x1  }
0xbd: {  	[sflag:s29] =	ssyncadd.s32 $0xFFFFFFFF  }
0xbe: {  	_ =	strace $0x90000048  }
0xbf: {  	_ =	sfence  }
0xc0: {  	s30 =	sld [smem:$0x0];
	_ =	sdelay $0x2  }
0xc1: {  	s31 =	sshll.u32 s1, $0xD;
	s1 =	sshrl.u32 s1, $0x2  }
0xc2: {  	s3 =	sand.u32 $0x4000, s31;
	s1 =	sadd.s32 s1, s30  }
0xc3: {  	s0 =	sor.u32 s3, s0;
	s1 =	sshll.u32 s1, $0x11  }
0xc4: {  	s0 =	sor.u32 s1, s0  }
0xc5: {  	s0 =	sadd.s32 $0x8F2B, s0  }
0xc6: {  	[sflag:s0] =	ssyncadd.remote.s32 $0x1  }
0xc7: {  	_ =	sfence.sel $0xFFFF  }
0xc8: {  	[dreg:$0x0] =	wrdreg $0xFFFFFFFF;
	(pc) =	sbr.abs _section_cstart, $3  }
0xc9: {  	[dreg:$0x1] =	wrdreg $0xFFFFFFFF  }
0xca: {  	_ =	task.clear_ibuf [dreg:s9], $0x2FFFF;
	_ =	strace $0x9FFFFFFF  }
0xcb: {  	(tm) =	ssettm $0x7FFFFFFF  }
tec
execute0_lowered:
.L_overlay_start_1:
0x0: {  	(tag) =	ssettag $0x1  }
0x1: {  	s6 =	rddreg [dreg:$0x0]  }
0x2: {  	s1 =	rddreg [dreg:$0x1]  }
0x3: {  	s2 =	rddreg [dreg:$0x2]  }
0x4: {  	s9 =	rddreg [dreg:$0x3]  }
0x5: {  	s4 =	rddreg [dreg:$0x4]  }
0x6: {  	s0 =	rddreg [dreg:$0x5]  }
0x7: {  	s5 =	simm.s32 $0x0;
	s3 =	stileid.u32;
	s7 =	srdreg.scid  }
0x8: {  	s15 =	simm.s32 $0x0;
	[smem:$0x7FF] =	sst s5;
	s8 =	smul.u32 $0x5000, s3  }
0x9: {  	s11 =	sand.u32 $0x1, s7;
	s10 =	smul.u32 $0x13C0, s3;
	s28 =	sadd.s32 $0x2E00, s6  }
0xa: {  	s14 =	smul.u32 $0xA00, s3;
	_ =	strace $0x80000047;
	s29 =	ssub.s32 $0x2, s11  }
0xb: {  	s12 =	smul.u32 $0x13C00, s11;
	p0 =	sne.s32 s11, $0x0;
	s11 =	simm.s32 $0x4400  }
.Ltmp0:
0xc: {  	s13 =	sshrl.u32 s29, $0x1;
	s8 =	sshrl.u32 s8, $0x3;
	(pc) =	sbr.rel .LBB2_1-.Ltmp0, $4  }
0xd: {  	s7 =	sadd.s32 s28, s14;
	s14 =	simm.s32 $0x80;
	s13 =	ssub.s32 s29, s13  }
0xe: {  	s30 =	sadd.s32 s28, s8;
	s31 =	sadd.s32 s10, s12;
	s8 =	sadd.s32 s10, s4  }
0xf: {  	s6 =	sadd.s32 $0x800, s30;
	s12 =	sshrl.u32 s31, $0x3;
	s10 =	smax.u32 s13, $0x1  }
0x10: {  	s13 =	simm.s32 $0x4000;
	s9 =	sadd.s32 s9, s12;
	s12 =	simm.s32 $0x1  }
.LBB2_7:
0x11: {  	[sflag:s12] =	ssyncadd.s32 $0xFFFFFC00  }
.LBB2_8:
0x12: {  	[bflag:$0x0] =	sbarrier.arrive $0xFFFF  }
0x13: {  	[tilespmem:s11], [sflag:$0x1] =	stream.linear.gather [spmem:s8], $0x13C0, $0x38;
	[tilespmem:$0x6B80] =	vst v63  }
0x14: {  	s15 =	sadd.s32 $0x1, s15;
	_ =	swait.ge [sflag:s12], $0x13C0  }
0x15: {  	p1 =	sne.s32 s15, s10;
	[sflag:s12] =	ssyncset.done $0x0  }
.Ltmp1:
0x16: {  	[sflag:s12] =	ssyncadd.s32 $0xFFFFEC40;
	(pc) =	sbr.rel @!p1 .LBB2_9-.Ltmp1, $4  }
0x17: {  	[hbm4b:s9+s5] =	stream.linear.scatter [tilespmem:s11], [sflag:$0x1], $0x13C0, $0x38;
	[tilespmem:$0x6B80] =	vst v63  }
0x18: {  	_ =	swait.ge [sflag:s12], $0x13C0  }
0x19: {  	[sflag:s12] =	ssyncset.done $0x0  }
0x1a: {  	[sflag:s12] =	ssyncadd.s32 $0xFFFFEC40  }
.LBB2_1:
0x1b: {  	s16 =	simm.s32 @p0 $0x0  }
0x1c: {  	[tilespmem:s16], [sflag:$0x1] =	stream.linear.gather @p0 [hbm4b:s6+s16], $0x1000, $0x38;
	[tilespmem:$0x6B80] =	vst v63  }
0x1d: {  	s16 =	simm.s32 @p0 $0x1  }
0x1e: {  	_ =	swait.ge @p0 [sflag:s16], $0x1000  }
0x1f: {  	[sflag:s16] =	ssyncset.done @p0 $0x0  }
0x20: {  	[sflag:s16] =	ssyncadd.s32 @p0 $0xFFFFF000;
	s16 =	simm.s32 @!p0 $0x0  }
0x21: {  	[tilespmem:s16], [sflag:$0x1] =	stream.linear.gather @!p0 [hbm4b:s7+s16], $0x4000, $0x38;
	[tilespmem:$0x6B80] =	vst v63  }
0x22: {  	s16 =	simm.s32 @!p0 $0x1  }
0x23: {  	_ =	swait.ge @!p0 [sflag:s16], $0x4000  }
0x24: {  	[sflag:s16] =	ssyncset.done @!p0 $0x0  }
0x25: {  	[sflag:s16] =	ssyncadd.s32 @!p0 $0xFFFFC000  }
0x26: {  	[tilespmem:s11], [sflag:$0x1] =	stream.linear.gather [hbm4b:s2+s5], $0x13C0, $0x38;
	[tilespmem:$0x6B80] =	vst v63  }
0x27: {  	_ =	swait.ge [sflag:s12], $0x13C0  }
0x28: {  	[sflag:s12] =	ssyncset.done $0x0  }
0x29: {  	[sflag:s12] =	ssyncadd.s32 $0xFFFFEC40  }
0x2a: {  	[spmem:s8] =	stream.linear.scatter [tilespmem:s11], [sflag:$0x1], $0x13C0, $0x38;
	[tilespmem:$0x6B80] =	vst v63  }
0x2b: {  	_ =	swait.ge [sflag:s12], $0x13C0  }
0x2c: {  	[sflag:s12] =	ssyncset.done $0x0  }
0x2d: {  	[sflag:s12] =	ssyncadd.s32 $0xFFFFEC40  }
0x2e: {  	[tilespmem:s13], [sflag:$0x1] =	stream.linear.gather [hbm4b:s1+s5], $0x400, $0x38;
	[tilespmem:$0x6B80] =	vst v63  }
.Ltmp2:
0x2f: {  	_ =	swait.ge [sflag:s12], $0x400;
	(pc) =	sbr.rel @p0 .LBB2_5-.Ltmp2, $4  }
0x30: {  	[sflag:s12] =	ssyncset.done $0x0  }
0x31: {  	[sflag:s12] =	ssyncadd.s32 $0xFFFFFC00  }
0x32: {  	[bflag:$0x0] =	sbarrier.arrive $0xFFFF  }
0x33: {  	s16 =	sshra.s32 s5, $0x2  }
0x34: {  	[spmem:s4] =	stream.indirect.scatter.add.f32 [tilespmem:s13], [sflag:$0x1], $0x8, s16, s14, $0xb8;
	[tilespmem:$0x6B80] =	vst v63  }
0x35: {  	_ =	swait.ge [sflag:s12], $0x400  }
0x36: {  	s16 =	sadd.s32 $0x200, s5;
	[sflag:s12] =	ssyncset.done $0x0  }
.LBB2_3:
0x37: {  	s17 =	sshra.s32 s16, $0x2;
	[sflag:s12] =	ssyncadd.s32 $0xFFFFFC00;
	p1 =	seq.s32 s16, $0xFE00  }
0x38: {  	[spmem:s4] =	stream.indirect.scatter.add.f32 [tilespmem:s13], [sflag:$0x1], $0x8, s17, s14, $0xb8;
	[tilespmem:$0x6B80] =	vst v63  }
.Ltmp3:
0x39: {  	_ = 	snop;
	(pc) =	sbr.rel @!p1 .LBB2_3-.Ltmp3, $4  }
0x3a: {  	_ = 	snop  }
0x3b: {  	s16 =	sadd.s32 $0x200, s16  }
0x3c: {  	_ =	swait.ge [sflag:s12], $0x400  }
0x3d: {  	[sflag:s12] =	ssyncset.done $0x0  }
.Ltmp4:
0x3e: {  	(pc) =	sbr.rel .LBB2_8-.Ltmp4, $2  }
0x3f: {  	_ =	sdelay $0x2  }
0x40: {  	[sflag:s12] =	ssyncadd.s32 $0xFFFFFC00  }
.LBB2_5:
0x41: {  	[spmem:s4] =	stream.indirect.scatter.add.f32 [tilespmem:s13], [sflag:$0x1], $0x8, s16, s14, $0xb8;
	[tilespmem:$0x6B80] =	vst v63  }
0x42: {  	_ =	swait.ge [sflag:s12], $0x400  }
0x43: {  	s16 =	sadd.s32 $0x200, s5;
	[sflag:s12] =	ssyncset.done $0x0  }
.LBB2_6:
0x44: {  	s17 =	sshra.s32 s16, $0x2;
	[sflag:s12] =	ssyncadd.s32 $0xFFFFFC00;
	p1 =	sne.s32 s16, $0x3E00  }
0x45: {  	[spmem:s4] =	stream.indirect.scatter.add.f32 [tilespmem:s13], [sflag:$0x1], $0x8, s17, s14, $0xb8;
	[tilespmem:$0x6B80] =	vst v63  }
.Ltmp5:
0x46: {  	_ = 	snop;
	(pc) =	sbr.rel @p1 .LBB2_6-.Ltmp5, $4  }
0x47: {  	_ = 	snop  }
0x48: {  	s16 =	sadd.s32 $0x200, s16  }
0x49: {  	_ =	swait.ge [sflag:s12], $0x400  }
0x4a: {  	[sflag:s12] =	ssyncset.done $0x0  }
.Ltmp6:
0x4b: {  	_ = 	snop;
	(pc) =	sbr.rel .LBB2_7-.Ltmp6, $1  }
0x4c: {  	_ =	sdelay $0x3  }
.LBB2_9:
0x4d: {  	_ =	sfence.sel $0x180000  }
0x4e: {  	[bflag:$0x0] =	sbarrier.arrive $0xFFFF  }
0x4f: {  	p0 =	sne.s32 s3, $0x0;
	_ =	strace $0x90000047  }
0x50: {  	s0 =	sadd.s32 @!p0 $0x100000, s0;
	[bflag:$0x2] =	sbarrier.arrive $0xFFFF  }
0x51: {  	[sflag:s0] =	ssyncadd.tile.s32 @!p0 $0x1;
	_ =	shalt  }
.Lfunc_end2:
_tile_overlayer_lowered:
.L_overlay_start_2:
0x52: {  	(tag) =	ssettag $0x2  }
0x53: {  	s0 =	rddreg [dreg:$0x0];
	s2 =	stileid.u32  }
0x54: {  	s1 =	rddreg [dreg:$0x1];
	p0 =	sne.s32 s2, $0x0  }
0x55: {  	s3 =	rddreg [dreg:$0x2];
	[bflag:$0x3] =	sbarrier.arrive $0xFFFF;
	s2 =	simm.s32 @!p0 $0x1C01  }
0x56: {  	[timem:s3], [sflag:s2] =	dma.local @!p0 [hbm:s0], s1  }
0x57: {  	s0 =	simm.s32 @!p0 $0x1  }
0x58: {  	_ =	swait.ge @!p0 [sflag:s0], s1  }
0x59: {  	s1 =	ssub.s32 @!p0 $0x0, s1;
	[sflag:s0] =	ssyncset.done @!p0 $0x0  }
0x5a: {  	[sflag:s0] =	ssyncadd.s32 @!p0 s1  }
0x5b: {  	[bflag:$0x3] =	sbarrier.arrive $0xFFFF  }
0x5c: {  	_ =	shalt  }

</sc_bundles>
